<compile_context>
chip_gen: v7x
topology: tpu7x:2x2x1
jax: 0.10.2.dev20260603
libtpu: 0.0.44.dev20260713+nightly
codegen_flags: <defaults>
</compile_context>

<pallas_src>
import jax
import jax.numpy as jnp
from jax import lax
from jax.experimental import pallas as pl
from jax.experimental.pallas import tpu as pltpu
from jax.experimental.pallas import tpu_sc as plsc

N = 10000
D = 128
E = 320000

NC = 2
NS = 16
NW = NC * NS

CHUNK = 64
CPT = 160
SG = 40
NSG = CPT // SG
NBUF = 4
DELTA = 3
NGRPS = SG // NBUF
EPT = CPT * CHUNK
EPAD = NW * EPT
ACC_N = 10240
ZRPT = ACC_N // NS
EPS = 1e-5

_mesh = plsc.VectorSubcoreMesh(core_axis_name="c", subcore_axis_name="s")


DEGW = 8


def _sc_deg_body(dst_hbm, deg_out, dstv, onesv, zbuf, acc, dsem):
    cid = lax.axis_index("c")
    sid = lax.axis_index("s")
    wid = cid * NS + sid

    pltpu.sync_copy(dst_hbm.at[wid], dstv)

    def _fill_ones(i, c):
        onesv[pl.ds(i * 16, 16)] = jnp.ones((16,), jnp.float32)
        return c
    lax.fori_loop(0, CHUNK // 16, _fill_ones, 0)

    @pl.when(sid == 0)
    def _init():
        def _z(i, c):
            zbuf[pl.ds(i * 16, 16)] = jnp.zeros((16,), jnp.float32)
            return c
        lax.fori_loop(0, ACC_N // 16, _z, 0)
        pltpu.sync_copy(zbuf, acc)

    plsc.subcore_barrier()

    def _chunk(j, c):
        pltpu.async_copy(onesv, acc.at[dstv.at[j]], dsem, add=True)

        @pl.when(j >= DEGW)
        def _w():
            pltpu.make_async_copy(onesv, acc.at[dstv.at[j - DEGW]],
                                  dsem).wait()
        return c
    lax.fori_loop(0, CPT, _chunk, 0)

    def _dw(j, c):
        pltpu.make_async_copy(onesv, acc.at[dstv.at[j]], dsem).wait()
        return c
    lax.fori_loop(CPT - DEGW, CPT, _dw, 0)

    plsc.subcore_barrier()

    @pl.when(sid == 0)
    def _out():
        pltpu.sync_copy(acc, deg_out.at[cid])


_sc_deg = pl.kernel(
    _sc_deg_body,
    out_type=jax.ShapeDtypeStruct((NC, ACC_N), jnp.float32),
    mesh=_mesh,
    scratch_types=[
        pltpu.VMEM((CPT, CHUNK), jnp.int32),
        pltpu.VMEM((CHUNK,), jnp.float32),
        pltpu.VMEM((ACC_N,), jnp.float32),
        pltpu.VMEM_SHARED((ACC_N,), jnp.float32),
        pltpu.SemaphoreType.DMA,
    ],
)


def _sc_agg_body(src_hbm, dst_hbm, hp_hbm, part_out, srcv, dstv, *scr):
    rows = scr[:NBUF]
    acc = scr[NBUF]
    gsem = scr[NBUF + 1:2 * NBUF + 1]
    ssem = scr[2 * NBUF + 1:]
    r0 = rows[0]
    cid = lax.axis_index("c")
    sid = lax.axis_index("s")
    wid = cid * NS + sid

    def _zr(r, c):
        def _zc(k, c2):
            r0[r, pl.ds(k * 16, 16)] = jnp.zeros((16,), jnp.float32)
            return c2
        return lax.fori_loop(0, D // 16, _zc, c)
    lax.fori_loop(0, CHUNK, _zr, 0)

    zbase = sid * ZRPT
    for k in range(ZRPT // CHUNK):
        pltpu.sync_copy(r0, acc.at[pl.ds(zbase + k * CHUNK, CHUNK)])

    plsc.subcore_barrier()

    def _gather(j, b):
        pltpu.async_copy(hp_hbm.at[srcv.at[j]], rows[b], gsem[b])

    def _gather_wait(j, b):
        pltpu.make_async_copy(hp_hbm.at[srcv.at[j]], rows[b], gsem[b]).wait()

    def _scatter(j, b):
        pltpu.async_copy(rows[b], acc.at[dstv.at[j]], ssem[b], add=True)

    def _scatter_wait(j, b):
        pltpu.make_async_copy(rows[b], acc.at[dstv.at[j]], ssem[b]).wait()

    def _stage(t, c):
        pltpu.sync_copy(src_hbm.at[wid, pl.ds(t * SG, SG)], srcv)
        pltpu.sync_copy(dst_hbm.at[wid, pl.ds(t * SG, SG)], dstv)

        def _group(g, c2):
            for b in range(NBUF):
                j = g * NBUF + b

                @pl.when(g > 0)
                def _drain(b=b, j=j):
                    _scatter_wait(j - NBUF, b)
                _gather(j, b)

                bs = (b - DELTA) % NBUF
                js = j - DELTA

                @pl.when(js >= 0)
                def _scat(js=js, bs=bs):
                    _gather_wait(js, bs)
                    _scatter(js, bs)
            return c2
        lax.fori_loop(0, NGRPS, _group, 0)

        for r in range(DELTA):
            js = SG - DELTA + r
            bs = js % NBUF
            _gather_wait(js, bs)
            _scatter(js, bs)
        for b in range(NBUF):
            _scatter_wait(SG - NBUF + b, b)
        return c
    lax.fori_loop(0, NSG, _stage, 0)

    plsc.subcore_barrier()

    obase = sid * ZRPT
    pltpu.sync_copy(acc.at[pl.ds(obase, ZRPT)],
                    part_out.at[cid, pl.ds(obase, ZRPT)])


_sc_agg = pl.kernel(
    _sc_agg_body,
    out_type=jax.ShapeDtypeStruct((NC, ACC_N, D), jnp.float32),
    mesh=_mesh,
    scratch_types=(
        [pltpu.VMEM((SG, CHUNK), jnp.int32),
         pltpu.VMEM((SG, CHUNK), jnp.int32)]
        + [pltpu.VMEM((CHUNK, D), jnp.float32) for _ in range(NBUF)]
        + [pltpu.VMEM_SHARED((ACC_N, D), jnp.float32)]
        + [pltpu.SemaphoreType.DMA for _ in range(2 * NBUF)]
    ),
)


def _tc_predis_body(degp_ref, h_ref, dis_ref, hp_ref):
    deg = jnp.sum(degp_ref[...], axis=0, keepdims=True) + 1.0
    dis_col = jnp.transpose(lax.rsqrt(deg)[:, :N])
    dis_ref[...] = dis_col
    hp_ref[...] = h_ref[...] * dis_col


_tc_predis = pl.pallas_call(
    _tc_predis_body,
    out_shape=(jax.ShapeDtypeStruct((N, 1), jnp.float32),
               jax.ShapeDtypeStruct((N, D), jnp.float32)),
)


def _tc_mm1_body(x_ref, w_ref, h_ref):
    h_ref[...] = jnp.dot(x_ref[...], w_ref[...],
                         preferred_element_type=jnp.float32)


_tc_mm1 = pl.pallas_call(
    _tc_mm1_body,
    out_shape=jax.ShapeDtypeStruct((N, D), jnp.float32),
)


def _bn_prelu(z, gamma, beta, alpha):
    mu = jnp.mean(z, axis=0, keepdims=True)
    xc = z - mu
    var = jnp.mean(xc * xc, axis=0, keepdims=True)
    bn = xc * lax.rsqrt(var + EPS) * gamma + beta
    return jnp.where(bn >= 0.0, bn, alpha * bn)


def _tc_mid_body(p_ref, hp_ref, dis_ref, b_ref, g_ref, be_ref, a_ref, w_ref,
                 out_ref):
    agg = p_ref[0, :N] + p_ref[1, :N] + hp_ref[...]
    z = agg * dis_ref[...] + b_ref[...]
    act = _bn_prelu(z, g_ref[...], be_ref[...], a_ref[...])
    h = jnp.dot(act, w_ref[...], preferred_element_type=jnp.float32)
    out_ref[...] = h * dis_ref[...]


_tc_mid = pl.pallas_call(
    _tc_mid_body,
    out_shape=jax.ShapeDtypeStruct((N, D), jnp.float32),
)


def _tc_post_body(p_ref, hp_ref, dis_ref, b_ref, g_ref, be_ref, a_ref,
                  out_ref):
    agg = p_ref[0, :N] + p_ref[1, :N] + hp_ref[...]
    z = agg * dis_ref[...] + b_ref[...]
    out_ref[...] = _bn_prelu(z, g_ref[...], be_ref[...], a_ref[...])


_tc_post = pl.pallas_call(
    _tc_post_body,
    out_shape=jax.ShapeDtypeStruct((N, D), jnp.float32),
)


def kernel(x, edge_index, W1, b1, gamma1, beta1, a1, W2, b2, gamma2, beta2, a2):
    src = edge_index[0].astype(jnp.int32)
    dst = edge_index[1].astype(jnp.int32)

    npad = EPAD - E
    pad_pos = jnp.arange(npad, dtype=jnp.int32)
    src_p = jnp.concatenate([src, pad_pos % N])
    dst_p = jnp.concatenate([dst, N + (pad_pos % (ACC_N - N))])
    srcr = src_p.reshape(NW, CPT, CHUNK)
    dstr = dst_p.reshape(NW, CPT, CHUNK)

    h1 = _tc_mm1(x, W1)
    degp = _sc_deg(dstr)
    dis, hp1 = _tc_predis(degp, h1)

    b1r, g1r, be1r = (v.reshape(1, D) for v in (b1, gamma1, beta1))
    b2r, g2r, be2r = (v.reshape(1, D) for v in (b2, gamma2, beta2))
    a1r = a1.reshape(1, 1)
    a2r = a2.reshape(1, 1)

    p1 = _sc_agg(srcr, dstr, hp1)
    hp2 = _tc_mid(p1, hp1, dis, b1r, g1r, be1r, a1r, W2)
    p2 = _sc_agg(srcr, dstr, hp2)
    out = _tc_post(p2, hp2, dis, b2r, g2r, be2r, a2r)
    return out

# --- scband reference (transcript-rebuilt; emitter-appended) ---
"""Pipeline reference for scband-encoder-28269474742836 (READ-ONLY COPY).

The authoritative reference and input builder live on the scoring server;
editing this copy changes nothing except your own understanding.
"""

import jax, jax.numpy as jnp
import numpy as np

N_NODES = 10000
D_IN = 128
D_HID = 128
D_OUT = 128
N_EDGES = 320000


def setup_inputs(seed: int = 0) -> dict:
    key = jax.random.key(seed)
    ks = jax.random.split(key, 8)
    x = jax.random.normal(ks[0], (N_NODES, D_IN), dtype=jnp.float32)
    edge_index = jax.random.randint(ks[1], (2, N_EDGES), 0, N_NODES, dtype=jnp.int64)
    W1 = jax.random.normal(ks[2], (D_IN, D_HID), dtype=jnp.float32) * (1.0 / np.sqrt(D_IN))
    b1 = jnp.zeros((D_HID,), dtype=jnp.float32)
    gamma1 = jnp.ones((D_HID,), dtype=jnp.float32)
    beta1 = jnp.zeros((D_HID,), dtype=jnp.float32)
    a1 = jnp.array(0.25, dtype=jnp.float32)
    W2 = jax.random.normal(ks[3], (D_HID, D_OUT), dtype=jnp.float32) * (1.0 / np.sqrt(D_HID))
    b2 = jnp.zeros((D_OUT,), dtype=jnp.float32)
    gamma2 = jnp.ones((D_OUT,), dtype=jnp.float32)
    beta2 = jnp.zeros((D_OUT,), dtype=jnp.float32)
    a2 = jnp.array(0.25, dtype=jnp.float32)
    return {"x": x, "edge_index": edge_index, "W1": W1, "b1": b1, "gamma1": gamma1, "beta1": beta1, "a1": a1, "W2": W2, "b2": b2, "gamma2": gamma2, "beta2": beta2, "a2": a2}


def _gcn_conv(x, edge_index, W, b):
    N = x.shape[0]
    src = edge_index[0]
    dst = edge_index[1]
    self_loops = jnp.arange(N, dtype=src.dtype)
    src = jnp.concatenate([src, self_loops])
    dst = jnp.concatenate([dst, self_loops])
    ew = jnp.ones(src.shape[0], dtype=x.dtype)
    deg = jnp.zeros((N,), dtype=x.dtype).at[dst].add(ew)
    deg_inv_sqrt = jnp.where(deg > 0, deg ** -0.5, 0.0)
    norm = deg_inv_sqrt[src] * ew * deg_inv_sqrt[dst]
    h = x @ W
    msg = h[src] * norm[:, None]
    out = jax.ops.segment_sum(msg, dst, num_segments=N)
    return out + b


def _batch_norm(x, gamma, beta, eps=1e-5):
    mean = jnp.mean(x, axis=0)
    var = jnp.var(x, axis=0)
    return (x - mean) / jnp.sqrt(var + eps) * gamma + beta


def _prelu(x, a):
    return jnp.where(x >= 0, x, a * x)


def reference(x, edge_index, W1, b1, gamma1, beta1, a1, W2, b2, gamma2, beta2, a2):
    h = _gcn_conv(x, edge_index, W1, b1)
    h = _prelu(_batch_norm(h, gamma1, beta1), a1)
    h = _gcn_conv(h, edge_index, W2, b2)
    h = _prelu(_batch_norm(h, gamma2, beta2), a2)
    return h

if __name__ == "__main__":
    import jax
    _d = setup_inputs()
    print(jax.jit(kernel)(*tuple(_d.values())))

</pallas_src>

<mosaic_0001>
#map = affine_map<(d0, d1) -> (0, 0, 0)>
#map1 = affine_map<(d0, d1) -> (0, 0)>
module attributes {stable_mosaic.version = 14 : i64} {
  func.func @_sc_deg_body(%arg0: i32, %arg1: i32, %arg2: memref<32x160x64xi32, #tpu.memory_space<hbm>>, %arg3: memref<2x10240xf32, #tpu.memory_space<hbm>>, %arg4: memref<160x64xi32, #tpu.memory_space<vmem>>, %arg5: memref<64xf32, #tpu.memory_space<vmem>>, %arg6: memref<10240xf32, #tpu.memory_space<vmem>>, %arg7: memref<10240xf32, #tpu.memory_space<vmem_shared>>, %arg8: memref<!tpu.dma_semaphore, #tpu.memory_space<semaphore_mem>>) attributes {dimension_semantics = [#tpu.dimension_semantics<core_parallel>, #tpu.dimension_semantics<subcore_parallel>], iteration_bounds = array<i64: 2, 16>, scalar_prefetch = 0 : i64, scratch_operands = 5 : i64, tpu.core_type = #tpu.core_type<sc_vector_subcore>, window_params = [{transform_indices = #map}, {transform_indices = #map1}]} {
    %mul3A = arith.constant 16 : i32
    %mul3A_0 = arith.muli %arg0, %mul3A : i32
    %add3A = arith.addi %mul3A_0, %arg1 : i32
    "tpu.region"() ({
      %run_scoped3A = tpu.sem_alloc : memref<!tpu.dma_semaphore, #tpu.memory_space<semaphore_mem>>
      %dma_start3A = arith.constant 0 : i32
      %dma_start3A_26 = arith.constant 0 : i32
      %dma_start3A_27 = tpu.memref_slice %arg2[%add3A, %dma_start3A, %dma_start3A_26] : memref<32x160x64xi32, #tpu.memory_space<hbm>> -> memref<1x160x64xi32, #tpu.memory_space<hbm>>
      %dma_start3A_28 = tpu.memref_squeeze %dma_start3A_27 : memref<1x160x64xi32, #tpu.memory_space<hbm>> -> memref<160x64xi32, #tpu.memory_space<hbm>>
      %dma_start3A_29 = arith.constant 0 : i32
      %dma_start3A_30 = arith.constant 0 : i32
      %dma_start3A_31 = tpu.memref_slice %arg2[%add3A, %dma_start3A_29, %dma_start3A_30] : memref<32x160x64xi32, #tpu.memory_space<hbm>> -> memref<1x160x64xi32, #tpu.memory_space<hbm>>
      %dma_start3A_32 = tpu.memref_squeeze %dma_start3A_31 : memref<1x160x64xi32, #tpu.memory_space<hbm>> -> memref<160x64xi32, #tpu.memory_space<hbm>>
      tpu.enqueue_dma source(%dma_start3A_32 : memref<160x64xi32, #tpu.memory_space<hbm>>) target(%arg4 : memref<160x64xi32, #tpu.memory_space<vmem>>) target_semaphore(%run_scoped3A : memref<!tpu.dma_semaphore, #tpu.memory_space<semaphore_mem>>)
      %dma_wait3A = arith.constant 0 : i32
      %dma_wait3A_33 = arith.constant 0 : i32
      %dma_wait3A_34 = tpu.memref_slice %arg2[%add3A, %dma_wait3A, %dma_wait3A_33] : memref<32x160x64xi32, #tpu.memory_space<hbm>> -> memref<1x160x64xi32, #tpu.memory_space<hbm>>
      %dma_wait3A_35 = tpu.memref_squeeze %dma_wait3A_34 : memref<1x160x64xi32, #tpu.memory_space<hbm>> -> memref<160x64xi32, #tpu.memory_space<hbm>>
      %dma_wait3A_36 = arith.constant 0 : i32
      %dma_wait3A_37 = arith.constant 0 : i32
      %dma_wait3A_38 = tpu.memref_slice %arg2[%add3A, %dma_wait3A_36, %dma_wait3A_37] : memref<32x160x64xi32, #tpu.memory_space<hbm>> -> memref<1x160x64xi32, #tpu.memory_space<hbm>>
      %dma_wait3A_39 = tpu.memref_squeeze %dma_wait3A_38 : memref<1x160x64xi32, #tpu.memory_space<hbm>> -> memref<160x64xi32, #tpu.memory_space<hbm>>
      tpu.wait_dma2 semaphore(%run_scoped3A : memref<!tpu.dma_semaphore, #tpu.memory_space<semaphore_mem>>) src(%dma_wait3A_39 : memref<160x64xi32, #tpu.memory_space<hbm>>) dst(%arg4 : memref<160x64xi32, #tpu.memory_space<vmem>>)
      tpu.yield
    }) : () -> ()
    %scan3A = arith.constant 0 : i32
    %scan3A_1 = arith.constant 0 : i32
    %scan3A_2 = arith.constant 4 : i32
    %scan3A_3 = arith.addi %scan3A_1, %scan3A_2 : i32
    %scan3A_4 = arith.constant 1 : i32
    scf.for %scan3A_26 = %scan3A_1 to %scan3A_3 step %scan3A_4  : i32 {
      %broadcast_in_dim3A = arith.constant 1.000000e+00 : f32
      %broadcast_in_dim3A_27 = vector.broadcast %broadcast_in_dim3A : f32 to vector<16xf32>
      %mul3A_28 = arith.constant 16 : i32
      %mul3A_29 = arith.muli %scan3A_26, %mul3A_28 : i32
      %swap3A = arith.index_cast %mul3A_29 : i32 to index
      %swap3A_30 = tpu.vector_load %arg5[%swap3A] {strides = array<i32>} : memref<64xf32, #tpu.memory_space<vmem>>, vector<16xf32>,
      %swap3A_31 = vector.shape_cast %swap3A_30 : vector<16xf32> to vector<16xf32>
      %swap3A_32 = vector.shape_cast %broadcast_in_dim3A_27 : vector<16xf32> to vector<16xf32>
      tpu.vector_store %arg5[%swap3A], %swap3A_32 {strides = array<i32>} : memref<64xf32, #tpu.memory_space<vmem>>, vector<16xf32>,
    }
    %scan3A_5 = arith.constant 4 : i32
    %eq3A = arith.constant 0 : i32
    %eq3A_6 = arith.cmpi eq, %arg1, %eq3A : i32
    %convert_element_type3A = arith.extui %eq3A_6 : i1 to i32
    %cond3A = arith.constant 0 : i32
    %cond3A_7 = arith.cmpi ne, %convert_element_type3A, %cond3A : i32
    scf.if %cond3A_7 {
      %scan3A_26 = arith.constant 0 : i32
      %scan3A_27 = arith.constant 0 : i32
      %scan3A_28 = arith.constant 640 : i32
      %scan3A_29 = arith.addi %scan3A_27, %scan3A_28 : i32
      %scan3A_30 = arith.constant 1 : i32
      scf.for %scan3A_32 = %scan3A_27 to %scan3A_29 step %scan3A_30  : i32 {
        %broadcast_in_dim3A = arith.constant 0.000000e+00 : f32
        %broadcast_in_dim3A_33 = vector.broadcast %broadcast_in_dim3A : f32 to vector<16xf32>
        %mul3A_34 = arith.constant 16 : i32
        %mul3A_35 = arith.muli %scan3A_32, %mul3A_34 : i32
        %swap3A = arith.index_cast %mul3A_35 : i32 to index
        %swap3A_36 = tpu.vector_load %arg6[%swap3A] {strides = array<i32>} : memref<10240xf32, #tpu.memory_space<vmem>>, vector<16xf32>,
        %swap3A_37 = vector.shape_cast %swap3A_36 : vector<16xf32> to vector<16xf32>
        %swap3A_38 = vector.shape_cast %broadcast_in_dim3A_33 : vector<16xf32> to vector<16xf32>
        tpu.vector_store %arg6[%swap3A], %swap3A_38 {strides = array<i32>} : memref<10240xf32, #tpu.memory_space<vmem>>, vector<16xf32>,
      }
      %scan3A_31 = arith.constant 640 : i32
      "tpu.region"() ({
        %run_scoped3A = tpu.sem_alloc : memref<!tpu.dma_semaphore, #tpu.memory_space<semaphore_mem>>
        tpu.enqueue_dma source(%arg6 : memref<10240xf32, #tpu.memory_space<vmem>>) target(%arg7 : memref<10240xf32, #tpu.memory_space<vmem_shared>>) target_semaphore(%run_scoped3A : memref<!tpu.dma_semaphore, #tpu.memory_space<semaphore_mem>>)
        tpu.wait_dma2 semaphore(%run_scoped3A : memref<!tpu.dma_semaphore, #tpu.memory_space<semaphore_mem>>) src(%arg6 : memref<10240xf32, #tpu.memory_space<vmem>>) dst(%arg7 : memref<10240xf32, #tpu.memory_space<vmem_shared>>)
        tpu.yield
      }) : () -> ()
    } else {
    }
    %barrier3A = arith.constant 0 : index
    tpu.barrier barrier_id(%barrier3A)
    %scan3A_8 = arith.constant 0 : i32
    %scan3A_9 = arith.constant 0 : i32
    %scan3A_10 = arith.constant 160 : i32
    %scan3A_11 = arith.addi %scan3A_9, %scan3A_10 : i32
    %scan3A_12 = arith.constant 1 : i32
    scf.for %scan3A_26 = %scan3A_9 to %scan3A_11 step %scan3A_12  : i32 {
      %dma_start3A = arith.constant 0 : i32
      %dma_start3A_27 = tpu.memref_slice %arg4[%scan3A_26, %dma_start3A] : memref<160x64xi32, #tpu.memory_space<vmem>> -> memref<1x64xi32, #tpu.memory_space<vmem>>
      %dma_start3A_28 = tpu.memref_squeeze %dma_start3A_27 : memref<1x64xi32, #tpu.memory_space<vmem>> -> memref<64xi32, #tpu.memory_space<vmem>>
      %dma_start3A_29 = arith.constant 0 : i32
      %dma_start3A_30 = tpu.memref_slice %arg7[%dma_start3A_29] : memref<10240xf32, #tpu.memory_space<vmem_shared>> -> memref<10240xf32, #tpu.memory_space<vmem_shared>>
      tpu.enqueue_indirect_dma source(%arg5 : memref<64xf32, #tpu.memory_space<vmem>>) target(%dma_start3A_30 : memref<10240xf32, #tpu.memory_space<vmem_shared>>) offsets(%dma_start3A_28 : memref<64xi32, #tpu.memory_space<vmem>>) semaphore(%arg8 : memref<!tpu.dma_semaphore, #tpu.memory_space<semaphore_mem>>) {add = true}
      %ge3A = arith.constant 8 : i32
      %ge3A_31 = arith.cmpi sge, %scan3A_26, %ge3A : i32
      %convert_element_type3A_32 = arith.extui %ge3A_31 : i1 to i32
      %cond3A_33 = arith.constant 0 : i32
      %cond3A_34 = arith.cmpi ne, %convert_element_type3A_32, %cond3A_33 : i32
      scf.if %cond3A_34 {
        %sub3A = arith.constant 8 : i32
        %sub3A_35 = arith.subi %scan3A_26, %sub3A : i32
        %dma_wait3A = arith.constant 0 : i32
        %dma_wait3A_36 = tpu.memref_slice %arg4[%sub3A_35, %dma_wait3A] : memref<160x64xi32, #tpu.memory_space<vmem>> -> memref<1x64xi32, #tpu.memory_space<vmem>>
        %dma_wait3A_37 = tpu.memref_squeeze %dma_wait3A_36 : memref<1x64xi32, #tpu.memory_space<vmem>> -> memref<64xi32, #tpu.memory_space<vmem>>
        %dma_wait3A_38 = arith.constant 0 : i32
        %dma_wait3A_39 = tpu.memref_slice %arg7[%dma_wait3A_38] : memref<10240xf32, #tpu.memory_space<vmem_shared>> -> memref<10240xf32, #tpu.memory_space<vmem_shared>>
        tpu.wait_indirect_dma semaphore(%arg8 : memref<!tpu.dma_semaphore, #tpu.memory_space<semaphore_mem>>) src(%arg5 : memref<64xf32, #tpu.memory_space<vmem>>) dst(%dma_wait3A_39 : memref<10240xf32, #tpu.memory_space<vmem_shared>>)
      } else {
      }
    }
    %scan3A_13 = arith.constant 160 : i32
    %scan3A_14 = arith.constant 0 : i32
    %scan3A_15 = arith.constant 152 : i32
    %scan3A_16 = arith.constant 8 : i32
    %scan3A_17 = arith.addi %scan3A_15, %scan3A_16 : i32
    %scan3A_18 = arith.constant 1 : i32
    scf.for %scan3A_26 = %scan3A_15 to %scan3A_17 step %scan3A_18  : i32 {
      %dma_wait3A = arith.constant 0 : i32
      %dma_wait3A_27 = tpu.memref_slice %arg4[%scan3A_26, %dma_wait3A] : memref<160x64xi32, #tpu.memory_space<vmem>> -> memref<1x64xi32, #tpu.memory_space<vmem>>
      %dma_wait3A_28 = tpu.memref_squeeze %dma_wait3A_27 : memref<1x64xi32, #tpu.memory_space<vmem>> -> memref<64xi32, #tpu.memory_space<vmem>>
      %dma_wait3A_29 = arith.constant 0 : i32
      %dma_wait3A_30 = tpu.memref_slice %arg7[%dma_wait3A_29] : memref<10240xf32, #tpu.memory_space<vmem_shared>> -> memref<10240xf32, #tpu.memory_space<vmem_shared>>
      tpu.wait_indirect_dma semaphore(%arg8 : memref<!tpu.dma_semaphore, #tpu.memory_space<semaphore_mem>>) src(%arg5 : memref<64xf32, #tpu.memory_space<vmem>>) dst(%dma_wait3A_30 : memref<10240xf32, #tpu.memory_space<vmem_shared>>)
    }
    %scan3A_19 = arith.constant 8 : i32
    %barrier3A_20 = arith.constant 0 : index
    tpu.barrier barrier_id(%barrier3A_20)
    %eq3A_21 = arith.constant 0 : i32
    %eq3A_22 = arith.cmpi eq, %arg1, %eq3A_21 : i32
    %convert_element_type3A_23 = arith.extui %eq3A_22 : i1 to i32
    %cond3A_24 = arith.constant 0 : i32
    %cond3A_25 = arith.cmpi ne, %convert_element_type3A_23, %cond3A_24 : i32
    scf.if %cond3A_25 {
      "tpu.region"() ({
        %run_scoped3A = tpu.sem_alloc : memref<!tpu.dma_semaphore, #tpu.memory_space<semaphore_mem>>
        %dma_start3A = arith.constant 0 : i32
        %dma_start3A_26 = tpu.memref_slice %arg3[%arg0, %dma_start3A] : memref<2x10240xf32, #tpu.memory_space<hbm>> -> memref<1x10240xf32, #tpu.memory_space<hbm>>
        %dma_start3A_27 = tpu.memref_squeeze %dma_start3A_26 : memref<1x10240xf32, #tpu.memory_space<hbm>> -> memref<10240xf32, #tpu.memory_space<hbm>>
        tpu.enqueue_dma source(%arg7 : memref<10240xf32, #tpu.memory_space<vmem_shared>>) target(%dma_start3A_27 : memref<10240xf32, #tpu.memory_space<hbm>>) target_semaphore(%run_scoped3A : memref<!tpu.dma_semaphore, #tpu.memory_space<semaphore_mem>>)
        %dma_wait3A = arith.constant 0 : i32
        %dma_wait3A_28 = tpu.memref_slice %arg3[%arg0, %dma_wait3A] : memref<2x10240xf32, #tpu.memory_space<hbm>> -> memref<1x10240xf32, #tpu.memory_space<hbm>>
        %dma_wait3A_29 = tpu.memref_squeeze %dma_wait3A_28 : memref<1x10240xf32, #tpu.memory_space<hbm>> -> memref<10240xf32, #tpu.memory_space<hbm>>
        tpu.wait_dma2 semaphore(%run_scoped3A : memref<!tpu.dma_semaphore, #tpu.memory_space<semaphore_mem>>) src(%arg7 : memref<10240xf32, #tpu.memory_space<vmem_shared>>) dst(%dma_wait3A_29 : memref<10240xf32, #tpu.memory_space<hbm>>)
        tpu.yield
      }) : () -> ()
    } else {
    }
    return
  }
}

#map = affine_map<(d0, d1) -> (0, 0, 0)>
#map1 = affine_map<(d0, d1) -> (0, 0)>
module attributes {stable_mosaic.version = 14 : i64} {
  func.func @_sc_agg_body(%arg0: i32, %arg1: i32, %arg2: memref<32x160x64xi32, #tpu.memory_space<hbm>>, %arg3: memref<32x160x64xi32, #tpu.memory_space<hbm>>, %arg4: memref<10000x128xf32, #tpu.memory_space<hbm>>, %arg5: memref<2x10240x128xf32, #tpu.memory_space<hbm>>, %arg6: memref<40x64xi32, #tpu.memory_space<vmem>>, %arg7: memref<40x64xi32, #tpu.memory_space<vmem>>, %arg8: memref<64x128xf32, #tpu.memory_space<vmem>>, %arg9: memref<64x128xf32, #tpu.memory_space<vmem>>, %arg10: memref<64x128xf32, #tpu.memory_space<vmem>>, %arg11: memref<64x128xf32, #tpu.memory_space<vmem>>, %arg12: memref<10240x128xf32, #tpu.memory_space<vmem_shared>>, %arg13: memref<!tpu.dma_semaphore, #tpu.memory_space<semaphore_mem>>, %arg14: memref<!tpu.dma_semaphore, #tpu.memory_space<semaphore_mem>>, %arg15: memref<!tpu.dma_semaphore, #tpu.memory_space<semaphore_mem>>, %arg16: memref<!tpu.dma_semaphore, #tpu.memory_space<semaphore_mem>>, %arg17: memref<!tpu.dma_semaphore, #tpu.memory_space<semaphore_mem>>, %arg18: memref<!tpu.dma_semaphore, #tpu.memory_space<semaphore_mem>>, %arg19: memref<!tpu.dma_semaphore, #tpu.memory_space<semaphore_mem>>, %arg20: memref<!tpu.dma_semaphore, #tpu.memory_space<semaphore_mem>>) attributes {dimension_semantics = [#tpu.dimension_semantics<core_parallel>, #tpu.dimension_semantics<subcore_parallel>], iteration_bounds = array<i64: 2, 16>, scalar_prefetch = 0 : i64, scratch_operands = 15 : i64, tpu.core_type = #tpu.core_type<sc_vector_subcore>, window_params = [{transform_indices = #map}, {transform_indices = #map}, {transform_indices = #map1}, {transform_indices = #map}]} {
    %mul3A = arith.constant 16 : i32
    %mul3A_0 = arith.muli %arg0, %mul3A : i32
    %add3A = arith.addi %mul3A_0, %arg1 : i32
    %scan3A = arith.constant 0 : i32
    %scan3A_1 = arith.constant 0 : i32
    %scan3A_2 = arith.constant 64 : i32
    %scan3A_3 = arith.addi %scan3A_1, %scan3A_2 : i32
    %scan3A_4 = arith.constant 1 : i32
    scf.for %scan3A_37 = %scan3A_1 to %scan3A_3 step %scan3A_4  : i32 {
      %scan3A_38 = arith.constant 0 : i32
      %scan3A_39 = arith.constant 8 : i32
      %scan3A_40 = arith.addi %scan3A_38, %scan3A_39 : i32
      %scan3A_41 = arith.constant 1 : i32
      scf.for %scan3A_43 = %scan3A_38 to %scan3A_40 step %scan3A_41  : i32 {
        %broadcast_in_dim3A = arith.constant 0.000000e+00 : f32
        %broadcast_in_dim3A_44 = vector.broadcast %broadcast_in_dim3A : f32 to vector<16xf32>
        %mul3A_45 = arith.constant 16 : i32
        %mul3A_46 = arith.muli %scan3A_43, %mul3A_45 : i32
        %swap3A = arith.index_cast %scan3A_37 : i32 to index
        %swap3A_47 = arith.index_cast %mul3A_46 : i32 to index
        %swap3A_48 = tpu.vector_load %arg8[%swap3A, %swap3A_47] {strides = array<i32>} : memref<64x128xf32, #tpu.memory_space<vmem>>, vector<1x16xf32>,
        %swap3A_49 = vector.shape_cast %swap3A_48 : vector<1x16xf32> to vector<16xf32>
        %swap3A_50 = vector.shape_cast %broadcast_in_dim3A_44 : vector<16xf32> to vector<1x16xf32>
        tpu.vector_store %arg8[%swap3A, %swap3A_47], %swap3A_50 {strides = array<i32>} : memref<64x128xf32, #tpu.memory_space<vmem>>, vector<1x16xf32>,
      }
      %scan3A_42 = arith.constant 8 : i32
    }
    %scan3A_5 = arith.constant 64 : i32
    %mul3A_6 = arith.constant 640 : i32
    %mul3A_7 = arith.muli %arg1, %mul3A_6 : i32
    %add3A_8 = arith.constant 0 : i32
    %add3A_9 = arith.addi %mul3A_7, %add3A_8 : i32
    "tpu.region"() ({
      %run_scoped3A = tpu.sem_alloc : memref<!tpu.dma_semaphore, #tpu.memory_space<semaphore_mem>>
      %dma_start3A = arith.constant 0 : i32
      %dma_start3A_37 = tpu.memref_slice %arg12[%add3A_9, %dma_start3A] : memref<10240x128xf32, #tpu.memory_space<vmem_shared>> -> memref<64x128xf32, #tpu.memory_space<vmem_shared>>
      %dma_start3A_38 = arith.constant 0 : i32
      %dma_start3A_39 = tpu.memref_slice %arg12[%add3A_9, %dma_start3A_38] : memref<10240x128xf32, #tpu.memory_space<vmem_shared>> -> memref<64x128xf32, #tpu.memory_space<vmem_shared>>
      tpu.enqueue_dma source(%arg8 : memref<64x128xf32, #tpu.memory_space<vmem>>) target(%dma_start3A_39 : memref<64x128xf32, #tpu.memory_space<vmem_shared>>) target_semaphore(%run_scoped3A : memref<!tpu.dma_semaphore, #tpu.memory_space<semaphore_mem>>)
      %dma_wait3A = arith.constant 0 : i32
      %dma_wait3A_40 = tpu.memref_slice %arg12[%add3A_9, %dma_wait3A] : memref<10240x128xf32, #tpu.memory_space<vmem_shared>> -> memref<64x128xf32, #tpu.memory_space<vmem_shared>>
      %dma_wait3A_41 = arith.constant 0 : i32
      %dma_wait3A_42 = tpu.memref_slice %arg12[%add3A_9, %dma_wait3A_41] : memref<10240x128xf32, #tpu.memory_space<vmem_shared>> -> memref<64x128xf32, #tpu.memory_space<vmem_shared>>
      tpu.wait_dma2 semaphore(%run_scoped3A : memref<!tpu.dma_semaphore, #tpu.memory_space<semaphore_mem>>) src(%arg8 : memref<64x128xf32, #tpu.memory_space<vmem>>) dst(%dma_wait3A_42 : memref<64x128xf32, #tpu.memory_space<vmem_shared>>)
      tpu.yield
    }) : () -> ()
    %add3A_10 = arith.constant 64 : i32
    %add3A_11 = arith.addi %mul3A_7, %add3A_10 : i32
    "tpu.region"() ({
      %run_scoped3A = tpu.sem_alloc : memref<!tpu.dma_semaphore, #tpu.memory_space<semaphore_mem>>
      %dma_start3A = arith.constant 0 : i32
      %dma_start3A_37 = tpu.memref_slice %arg12[%add3A_11, %dma_start3A] : memref<10240x128xf32, #tpu.memory_space<vmem_shared>> -> memref<64x128xf32, #tpu.memory_space<vmem_shared>>
      %dma_start3A_38 = arith.constant 0 : i32
      %dma_start3A_39 = tpu.memref_slice %arg12[%add3A_11, %dma_start3A_38] : memref<10240x128xf32, #tpu.memory_space<vmem_shared>> -> memref<64x128xf32, #tpu.memory_space<vmem_shared>>
      tpu.enqueue_dma source(%arg8 : memref<64x128xf32, #tpu.memory_space<vmem>>) target(%dma_start3A_39 : memref<64x128xf32, #tpu.memory_space<vmem_shared>>) target_semaphore(%run_scoped3A : memref<!tpu.dma_semaphore, #tpu.memory_space<semaphore_mem>>)
      %dma_wait3A = arith.constant 0 : i32
      %dma_wait3A_40 = tpu.memref_slice %arg12[%add3A_11, %dma_wait3A] : memref<10240x128xf32, #tpu.memory_space<vmem_shared>> -> memref<64x128xf32, #tpu.memory_space<vmem_shared>>
      %dma_wait3A_41 = arith.constant 0 : i32
      %dma_wait3A_42 = tpu.memref_slice %arg12[%add3A_11, %dma_wait3A_41] : memref<10240x128xf32, #tpu.memory_space<vmem_shared>> -> memref<64x128xf32, #tpu.memory_space<vmem_shared>>
      tpu.wait_dma2 semaphore(%run_scoped3A : memref<!tpu.dma_semaphore, #tpu.memory_space<semaphore_mem>>) src(%arg8 : memref<64x128xf32, #tpu.memory_space<vmem>>) dst(%dma_wait3A_42 : memref<64x128xf32, #tpu.memory_space<vmem_shared>>)
      tpu.yield
    }) : () -> ()
    %add3A_12 = arith.constant 128 : i32
    %add3A_13 = arith.addi %mul3A_7, %add3A_12 : i32
    "tpu.region"() ({
      %run_scoped3A = tpu.sem_alloc : memref<!tpu.dma_semaphore, #tpu.memory_space<semaphore_mem>>
      %dma_start3A = arith.constant 0 : i32
      %dma_start3A_37 = tpu.memref_slice %arg12[%add3A_13, %dma_start3A] : memref<10240x128xf32, #tpu.memory_space<vmem_shared>> -> memref<64x128xf32, #tpu.memory_space<vmem_shared>>
      %dma_start3A_38 = arith.constant 0 : i32
      %dma_start3A_39 = tpu.memref_slice %arg12[%add3A_13, %dma_start3A_38] : memref<10240x128xf32, #tpu.memory_space<vmem_shared>> -> memref<64x128xf32, #tpu.memory_space<vmem_shared>>
      tpu.enqueue_dma source(%arg8 : memref<64x128xf32, #tpu.memory_space<vmem>>) target(%dma_start3A_39 : memref<64x128xf32, #tpu.memory_space<vmem_shared>>) target_semaphore(%run_scoped3A : memref<!tpu.dma_semaphore, #tpu.memory_space<semaphore_mem>>)
      %dma_wait3A = arith.constant 0 : i32
      %dma_wait3A_40 = tpu.memref_slice %arg12[%add3A_13, %dma_wait3A] : memref<10240x128xf32, #tpu.memory_space<vmem_shared>> -> memref<64x128xf32, #tpu.memory_space<vmem_shared>>
      %dma_wait3A_41 = arith.constant 0 : i32
      %dma_wait3A_42 = tpu.memref_slice %arg12[%add3A_13, %dma_wait3A_41] : memref<10240x128xf32, #tpu.memory_space<vmem_shared>> -> memref<64x128xf32, #tpu.memory_space<vmem_shared>>
      tpu.wait_dma2 semaphore(%run_scoped3A : memref<!tpu.dma_semaphore, #tpu.memory_space<semaphore_mem>>) src(%arg8 : memref<64x128xf32, #tpu.memory_space<vmem>>) dst(%dma_wait3A_42 : memref<64x128xf32, #tpu.memory_space<vmem_shared>>)
      tpu.yield
    }) : () -> ()
    %add3A_14 = arith.constant 192 : i32
    %add3A_15 = arith.addi %mul3A_7, %add3A_14 : i32
    "tpu.region"() ({
      %run_scoped3A = tpu.sem_alloc : memref<!tpu.dma_semaphore, #tpu.memory_space<semaphore_mem>>
      %dma_start3A = arith.constant 0 : i32
      %dma_start3A_37 = tpu.memref_slice %arg12[%add3A_15, %dma_start3A] : memref<10240x128xf32, #tpu.memory_space<vmem_shared>> -> memref<64x128xf32, #tpu.memory_space<vmem_shared>>
      %dma_start3A_38 = arith.constant 0 : i32
      %dma_start3A_39 = tpu.memref_slice %arg12[%add3A_15, %dma_start3A_38] : memref<10240x128xf32, #tpu.memory_space<vmem_shared>> -> memref<64x128xf32, #tpu.memory_space<vmem_shared>>
      tpu.enqueue_dma source(%arg8 : memref<64x128xf32, #tpu.memory_space<vmem>>) target(%dma_start3A_39 : memref<64x128xf32, #tpu.memory_space<vmem_shared>>) target_semaphore(%run_scoped3A : memref<!tpu.dma_semaphore, #tpu.memory_space<semaphore_mem>>)
      %dma_wait3A = arith.constant 0 : i32
      %dma_wait3A_40 = tpu.memref_slice %arg12[%add3A_15, %dma_wait3A] : memref<10240x128xf32, #tpu.memory_space<vmem_shared>> -> memref<64x128xf32, #tpu.memory_space<vmem_shared>>
      %dma_wait3A_41 = arith.constant 0 : i32
      %dma_wait3A_42 = tpu.memref_slice %arg12[%add3A_15, %dma_wait3A_41] : memref<10240x128xf32, #tpu.memory_space<vmem_shared>> -> memref<64x128xf32, #tpu.memory_space<vmem_shared>>
      tpu.wait_dma2 semaphore(%run_scoped3A : memref<!tpu.dma_semaphore, #tpu.memory_space<semaphore_mem>>) src(%arg8 : memref<64x128xf32, #tpu.memory_space<vmem>>) dst(%dma_wait3A_42 : memref<64x128xf32, #tpu.memory_space<vmem_shared>>)
      tpu.yield
    }) : () -> ()
    %add3A_16 = arith.constant 256 : i32
    %add3A_17 = arith.addi %mul3A_7, %add3A_16 : i32
    "tpu.region"() ({
      %run_scoped3A = tpu.sem_alloc : memref<!tpu.dma_semaphore, #tpu.memory_space<semaphore_mem>>
      %dma_start3A = arith.constant 0 : i32
      %dma_start3A_37 = tpu.memref_slice %arg12[%add3A_17, %dma_start3A] : memref<10240x128xf32, #tpu.memory_space<vmem_shared>> -> memref<64x128xf32, #tpu.memory_space<vmem_shared>>
      %dma_start3A_38 = arith.constant 0 : i32
      %dma_start3A_39 = tpu.memref_slice %arg12[%add3A_17, %dma_start3A_38] : memref<10240x128xf32, #tpu.memory_space<vmem_shared>> -> memref<64x128xf32, #tpu.memory_space<vmem_shared>>
      tpu.enqueue_dma source(%arg8 : memref<64x128xf32, #tpu.memory_space<vmem>>) target(%dma_start3A_39 : memref<64x128xf32, #tpu.memory_space<vmem_shared>>) target_semaphore(%run_scoped3A : memref<!tpu.dma_semaphore, #tpu.memory_space<semaphore_mem>>)
      %dma_wait3A = arith.constant 0 : i32
      %dma_wait3A_40 = tpu.memref_slice %arg12[%add3A_17, %dma_wait3A] : memref<10240x128xf32, #tpu.memory_space<vmem_shared>> -> memref<64x128xf32, #tpu.memory_space<vmem_shared>>
      %dma_wait3A_41 = arith.constant 0 : i32
      %dma_wait3A_42 = tpu.memref_slice %arg12[%add3A_17, %dma_wait3A_41] : memref<10240x128xf32, #tpu.memory_space<vmem_shared>> -> memref<64x128xf32, #tpu.memory_space<vmem_shared>>
      tpu.wait_dma2 semaphore(%run_scoped3A : memref<!tpu.dma_semaphore, #tpu.memory_space<semaphore_mem>>) src(%arg8 : memref<64x128xf32, #tpu.memory_space<vmem>>) dst(%dma_wait3A_42 : memref<64x128xf32, #tpu.memory_space<vmem_shared>>)
      tpu.yield
    }) : () -> ()
    %add3A_18 = arith.constant 320 : i32
    %add3A_19 = arith.addi %mul3A_7, %add3A_18 : i32
    "tpu.region"() ({
      %run_scoped3A = tpu.sem_alloc : memref<!tpu.dma_semaphore, #tpu.memory_space<semaphore_mem>>
      %dma_start3A = arith.constant 0 : i32
      %dma_start3A_37 = tpu.memref_slice %arg12[%add3A_19, %dma_start3A] : memref<10240x128xf32, #tpu.memory_space<vmem_shared>> -> memref<64x128xf32, #tpu.memory_space<vmem_shared>>
      %dma_start3A_38 = arith.constant 0 : i32
      %dma_start3A_39 = tpu.memref_slice %arg12[%add3A_19, %dma_start3A_38] : memref<10240x128xf32, #tpu.memory_space<vmem_shared>> -> memref<64x128xf32, #tpu.memory_space<vmem_shared>>
      tpu.enqueue_dma source(%arg8 : memref<64x128xf32, #tpu.memory_space<vmem>>) target(%dma_start3A_39 : memref<64x128xf32, #tpu.memory_space<vmem_shared>>) target_semaphore(%run_scoped3A : memref<!tpu.dma_semaphore, #tpu.memory_space<semaphore_mem>>)
      %dma_wait3A = arith.constant 0 : i32
      %dma_wait3A_40 = tpu.memref_slice %arg12[%add3A_19, %dma_wait3A] : memref<10240x128xf32, #tpu.memory_space<vmem_shared>> -> memref<64x128xf32, #tpu.memory_space<vmem_shared>>
      %dma_wait3A_41 = arith.constant 0 : i32
      %dma_wait3A_42 = tpu.memref_slice %arg12[%add3A_19, %dma_wait3A_41] : memref<10240x128xf32, #tpu.memory_space<vmem_shared>> -> memref<64x128xf32, #tpu.memory_space<vmem_shared>>
      tpu.wait_dma2 semaphore(%run_scoped3A : memref<!tpu.dma_semaphore, #tpu.memory_space<semaphore_mem>>) src(%arg8 : memref<64x128xf32, #tpu.memory_space<vmem>>) dst(%dma_wait3A_42 : memref<64x128xf32, #tpu.memory_space<vmem_shared>>)
      tpu.yield
    }) : () -> ()
    %add3A_20 = arith.constant 384 : i32
    %add3A_21 = arith.addi %mul3A_7, %add3A_20 : i32
    "tpu.region"() ({
      %run_scoped3A = tpu.sem_alloc : memref<!tpu.dma_semaphore, #tpu.memory_space<semaphore_mem>>
      %dma_start3A = arith.constant 0 : i32
      %dma_start3A_37 = tpu.memref_slice %arg12[%add3A_21, %dma_start3A] : memref<10240x128xf32, #tpu.memory_space<vmem_shared>> -> memref<64x128xf32, #tpu.memory_space<vmem_shared>>
      %dma_start3A_38 = arith.constant 0 : i32
      %dma_start3A_39 = tpu.memref_slice %arg12[%add3A_21, %dma_start3A_38] : memref<10240x128xf32, #tpu.memory_space<vmem_shared>> -> memref<64x128xf32, #tpu.memory_space<vmem_shared>>
      tpu.enqueue_dma source(%arg8 : memref<64x128xf32, #tpu.memory_space<vmem>>) target(%dma_start3A_39 : memref<64x128xf32, #tpu.memory_space<vmem_shared>>) target_semaphore(%run_scoped3A : memref<!tpu.dma_semaphore, #tpu.memory_space<semaphore_mem>>)
      %dma_wait3A = arith.constant 0 : i32
      %dma_wait3A_40 = tpu.memref_slice %arg12[%add3A_21, %dma_wait3A] : memref<10240x128xf32, #tpu.memory_space<vmem_shared>> -> memref<64x128xf32, #tpu.memory_space<vmem_shared>>
      %dma_wait3A_41 = arith.constant 0 : i32
      %dma_wait3A_42 = tpu.memref_slice %arg12[%add3A_21, %dma_wait3A_41] : memref<10240x128xf32, #tpu.memory_space<vmem_shared>> -> memref<64x128xf32, #tpu.memory_space<vmem_shared>>
      tpu.wait_dma2 semaphore(%run_scoped3A : memref<!tpu.dma_semaphore, #tpu.memory_space<semaphore_mem>>) src(%arg8 : memref<64x128xf32, #tpu.memory_space<vmem>>) dst(%dma_wait3A_42 : memref<64x128xf32, #tpu.memory_space<vmem_shared>>)
      tpu.yield
    }) : () -> ()
    %add3A_22 = arith.constant 448 : i32
    %add3A_23 = arith.addi %mul3A_7, %add3A_22 : i32
    "tpu.region"() ({
      %run_scoped3A = tpu.sem_alloc : memref<!tpu.dma_semaphore, #tpu.memory_space<semaphore_mem>>
      %dma_start3A = arith.constant 0 : i32
      %dma_start3A_37 = tpu.memref_slice %arg12[%add3A_23, %dma_start3A] : memref<10240x128xf32, #tpu.memory_space<vmem_shared>> -> memref<64x128xf32, #tpu.memory_space<vmem_shared>>
      %dma_start3A_38 = arith.constant 0 : i32
      %dma_start3A_39 = tpu.memref_slice %arg12[%add3A_23, %dma_start3A_38] : memref<10240x128xf32, #tpu.memory_space<vmem_shared>> -> memref<64x128xf32, #tpu.memory_space<vmem_shared>>
      tpu.enqueue_dma source(%arg8 : memref<64x128xf32, #tpu.memory_space<vmem>>) target(%dma_start3A_39 : memref<64x128xf32, #tpu.memory_space<vmem_shared>>) target_semaphore(%run_scoped3A : memref<!tpu.dma_semaphore, #tpu.memory_space<semaphore_mem>>)
      %dma_wait3A = arith.constant 0 : i32
      %dma_wait3A_40 = tpu.memref_slice %arg12[%add3A_23, %dma_wait3A] : memref<10240x128xf32, #tpu.memory_space<vmem_shared>> -> memref<64x128xf32, #tpu.memory_space<vmem_shared>>
      %dma_wait3A_41 = arith.constant 0 : i32
      %dma_wait3A_42 = tpu.memref_slice %arg12[%add3A_23, %dma_wait3A_41] : memref<10240x128xf32, #tpu.memory_space<vmem_shared>> -> memref<64x128xf32, #tpu.memory_space<vmem_shared>>
      tpu.wait_dma2 semaphore(%run_scoped3A : memref<!tpu.dma_semaphore, #tpu.memory_space<semaphore_mem>>) src(%arg8 : memref<64x128xf32, #tpu.memory_space<vmem>>) dst(%dma_wait3A_42 : memref<64x128xf32, #tpu.memory_space<vmem_shared>>)
      tpu.yield
    }) : () -> ()
    %add3A_24 = arith.constant 512 : i32
    %add3A_25 = arith.addi %mul3A_7, %add3A_24 : i32
    "tpu.region"() ({
      %run_scoped3A = tpu.sem_alloc : memref<!tpu.dma_semaphore, #tpu.memory_space<semaphore_mem>>
      %dma_start3A = arith.constant 0 : i32
      %dma_start3A_37 = tpu.memref_slice %arg12[%add3A_25, %dma_start3A] : memref<10240x128xf32, #tpu.memory_space<vmem_shared>> -> memref<64x128xf32, #tpu.memory_space<vmem_shared>>
      %dma_start3A_38 = arith.constant 0 : i32
      %dma_start3A_39 = tpu.memref_slice %arg12[%add3A_25, %dma_start3A_38] : memref<10240x128xf32, #tpu.memory_space<vmem_shared>> -> memref<64x128xf32, #tpu.memory_space<vmem_shared>>
      tpu.enqueue_dma source(%arg8 : memref<64x128xf32, #tpu.memory_space<vmem>>) target(%dma_start3A_39 : memref<64x128xf32, #tpu.memory_space<vmem_shared>>) target_semaphore(%run_scoped3A : memref<!tpu.dma_semaphore, #tpu.memory_space<semaphore_mem>>)
      %dma_wait3A = arith.constant 0 : i32
      %dma_wait3A_40 = tpu.memref_slice %arg12[%add3A_25, %dma_wait3A] : memref<10240x128xf32, #tpu.memory_space<vmem_shared>> -> memref<64x128xf32, #tpu.memory_space<vmem_shared>>
      %dma_wait3A_41 = arith.constant 0 : i32
      %dma_wait3A_42 = tpu.memref_slice %arg12[%add3A_25, %dma_wait3A_41] : memref<10240x128xf32, #tpu.memory_space<vmem_shared>> -> memref<64x128xf32, #tpu.memory_space<vmem_shared>>
      tpu.wait_dma2 semaphore(%run_scoped3A : memref<!tpu.dma_semaphore, #tpu.memory_space<semaphore_mem>>) src(%arg8 : memref<64x128xf32, #tpu.memory_space<vmem>>) dst(%dma_wait3A_42 : memref<64x128xf32, #tpu.memory_space<vmem_shared>>)
      tpu.yield
    }) : () -> ()
    %add3A_26 = arith.constant 576 : i32
    %add3A_27 = arith.addi %mul3A_7, %add3A_26 : i32
    "tpu.region"() ({
      %run_scoped3A = tpu.sem_alloc : memref<!tpu.dma_semaphore, #tpu.memory_space<semaphore_mem>>
      %dma_start3A = arith.constant 0 : i32
      %dma_start3A_37 = tpu.memref_slice %arg12[%add3A_27, %dma_start3A] : memref<10240x128xf32, #tpu.memory_space<vmem_shared>> -> memref<64x128xf32, #tpu.memory_space<vmem_shared>>
      %dma_start3A_38 = arith.constant 0 : i32
      %dma_start3A_39 = tpu.memref_slice %arg12[%add3A_27, %dma_start3A_38] : memref<10240x128xf32, #tpu.memory_space<vmem_shared>> -> memref<64x128xf32, #tpu.memory_space<vmem_shared>>
      tpu.enqueue_dma source(%arg8 : memref<64x128xf32, #tpu.memory_space<vmem>>) target(%dma_start3A_39 : memref<64x128xf32, #tpu.memory_space<vmem_shared>>) target_semaphore(%run_scoped3A : memref<!tpu.dma_semaphore, #tpu.memory_space<semaphore_mem>>)
      %dma_wait3A = arith.constant 0 : i32
      %dma_wait3A_40 = tpu.memref_slice %arg12[%add3A_27, %dma_wait3A] : memref<10240x128xf32, #tpu.memory_space<vmem_shared>> -> memref<64x128xf32, #tpu.memory_space<vmem_shared>>
      %dma_wait3A_41 = arith.constant 0 : i32
      %dma_wait3A_42 = tpu.memref_slice %arg12[%add3A_27, %dma_wait3A_41] : memref<10240x128xf32, #tpu.memory_space<vmem_shared>> -> memref<64x128xf32, #tpu.memory_space<vmem_shared>>
      tpu.wait_dma2 semaphore(%run_scoped3A : memref<!tpu.dma_semaphore, #tpu.memory_space<semaphore_mem>>) src(%arg8 : memref<64x128xf32, #tpu.memory_space<vmem>>) dst(%dma_wait3A_42 : memref<64x128xf32, #tpu.memory_space<vmem_shared>>)
      tpu.yield
    }) : () -> ()
    %barrier3A = arith.constant 0 : index
    tpu.barrier barrier_id(%barrier3A)
    %scan3A_28 = arith.constant 0 : i32
    %scan3A_29 = arith.constant 0 : i32
    %scan3A_30 = arith.constant 4 : i32
    %scan3A_31 = arith.addi %scan3A_29, %scan3A_30 : i32
    %scan3A_32 = arith.constant 1 : i32
    scf.for %scan3A_37 = %scan3A_29 to %scan3A_31 step %scan3A_32  : i32 {
      %mul3A_38 = arith.constant 40 : i32
      %mul3A_39 = arith.muli %scan3A_37, %mul3A_38 : i32
      "tpu.region"() ({
        %run_scoped3A = tpu.sem_alloc : memref<!tpu.dma_semaphore, #tpu.memory_space<semaphore_mem>>
        %dma_start3A_116 = arith.constant 0 : i32
        %dma_start3A_117 = tpu.memref_slice %arg2[%add3A, %mul3A_39, %dma_start3A_116] : memref<32x160x64xi32, #tpu.memory_space<hbm>> -> memref<1x40x64xi32, #tpu.memory_space<hbm>>
        %dma_start3A_118 = tpu.memref_squeeze %dma_start3A_117 : memref<1x40x64xi32, #tpu.memory_space<hbm>> -> memref<40x64xi32, #tpu.memory_space<hbm>>
        %dma_start3A_119 = arith.constant 0 : i32
        %dma_start3A_120 = tpu.memref_slice %arg2[%add3A, %mul3A_39, %dma_start3A_119] : memref<32x160x64xi32, #tpu.memory_space<hbm>> -> memref<1x40x64xi32, #tpu.memory_space<hbm>>
        %dma_start3A_121 = tpu.memref_squeeze %dma_start3A_120 : memref<1x40x64xi32, #tpu.memory_space<hbm>> -> memref<40x64xi32, #tpu.memory_space<hbm>>
        tpu.enqueue_dma source(%dma_start3A_121 : memref<40x64xi32, #tpu.memory_space<hbm>>) target(%arg6 : memref<40x64xi32, #tpu.memory_space<vmem>>) target_semaphore(%run_scoped3A : memref<!tpu.dma_semaphore, #tpu.memory_space<semaphore_mem>>)
        %dma_wait3A_122 = arith.constant 0 : i32
        %dma_wait3A_123 = tpu.memref_slice %arg2[%add3A, %mul3A_39, %dma_wait3A_122] : memref<32x160x64xi32, #tpu.memory_space<hbm>> -> memref<1x40x64xi32, #tpu.memory_space<hbm>>
        %dma_wait3A_124 = tpu.memref_squeeze %dma_wait3A_123 : memref<1x40x64xi32, #tpu.memory_space<hbm>> -> memref<40x64xi32, #tpu.memory_space<hbm>>
        %dma_wait3A_125 = arith.constant 0 : i32
        %dma_wait3A_126 = tpu.memref_slice %arg2[%add3A, %mul3A_39, %dma_wait3A_125] : memref<32x160x64xi32, #tpu.memory_space<hbm>> -> memref<1x40x64xi32, #tpu.memory_space<hbm>>
        %dma_wait3A_127 = tpu.memref_squeeze %dma_wait3A_126 : memref<1x40x64xi32, #tpu.memory_space<hbm>> -> memref<40x64xi32, #tpu.memory_space<hbm>>
        tpu.wait_dma2 semaphore(%run_scoped3A : memref<!tpu.dma_semaphore, #tpu.memory_space<semaphore_mem>>) src(%dma_wait3A_127 : memref<40x64xi32, #tpu.memory_space<hbm>>) dst(%arg6 : memref<40x64xi32, #tpu.memory_space<vmem>>)
        tpu.yield
      }) : () -> ()
      %mul3A_40 = arith.constant 40 : i32
      %mul3A_41 = arith.muli %scan3A_37, %mul3A_40 : i32
      "tpu.region"() ({
        %run_scoped3A = tpu.sem_alloc : memref<!tpu.dma_semaphore, #tpu.memory_space<semaphore_mem>>
        %dma_start3A_116 = arith.constant 0 : i32
        %dma_start3A_117 = tpu.memref_slice %arg3[%add3A, %mul3A_41, %dma_start3A_116] : memref<32x160x64xi32, #tpu.memory_space<hbm>> -> memref<1x40x64xi32, #tpu.memory_space<hbm>>
        %dma_start3A_118 = tpu.memref_squeeze %dma_start3A_117 : memref<1x40x64xi32, #tpu.memory_space<hbm>> -> memref<40x64xi32, #tpu.memory_space<hbm>>
        %dma_start3A_119 = arith.constant 0 : i32
        %dma_start3A_120 = tpu.memref_slice %arg3[%add3A, %mul3A_41, %dma_start3A_119] : memref<32x160x64xi32, #tpu.memory_space<hbm>> -> memref<1x40x64xi32, #tpu.memory_space<hbm>>
        %dma_start3A_121 = tpu.memref_squeeze %dma_start3A_120 : memref<1x40x64xi32, #tpu.memory_space<hbm>> -> memref<40x64xi32, #tpu.memory_space<hbm>>
        tpu.enqueue_dma source(%dma_start3A_121 : memref<40x64xi32, #tpu.memory_space<hbm>>) target(%arg7 : memref<40x64xi32, #tpu.memory_space<vmem>>) target_semaphore(%run_scoped3A : memref<!tpu.dma_semaphore, #tpu.memory_space<semaphore_mem>>)
        %dma_wait3A_122 = arith.constant 0 : i32
        %dma_wait3A_123 = tpu.memref_slice %arg3[%add3A, %mul3A_41, %dma_wait3A_122] : memref<32x160x64xi32, #tpu.memory_space<hbm>> -> memref<1x40x64xi32, #tpu.memory_space<hbm>>
        %dma_wait3A_124 = tpu.memref_squeeze %dma_wait3A_123 : memref<1x40x64xi32, #tpu.memory_space<hbm>> -> memref<40x64xi32, #tpu.memory_space<hbm>>
        %dma_wait3A_125 = arith.constant 0 : i32
        %dma_wait3A_126 = tpu.memref_slice %arg3[%add3A, %mul3A_41, %dma_wait3A_125] : memref<32x160x64xi32, #tpu.memory_space<hbm>> -> memref<1x40x64xi32, #tpu.memory_space<hbm>>
        %dma_wait3A_127 = tpu.memref_squeeze %dma_wait3A_126 : memref<1x40x64xi32, #tpu.memory_space<hbm>> -> memref<40x64xi32, #tpu.memory_space<hbm>>
        tpu.wait_dma2 semaphore(%run_scoped3A : memref<!tpu.dma_semaphore, #tpu.memory_space<semaphore_mem>>) src(%dma_wait3A_127 : memref<40x64xi32, #tpu.memory_space<hbm>>) dst(%arg7 : memref<40x64xi32, #tpu.memory_space<vmem>>)
        tpu.yield
      }) : () -> ()
      %scan3A_42 = arith.constant 0 : i32
      %scan3A_43 = arith.constant 0 : i32
      %scan3A_44 = arith.constant 10 : i32
      %scan3A_45 = arith.addi %scan3A_43, %scan3A_44 : i32
      %scan3A_46 = arith.constant 1 : i32
      scf.for %scan3A_116 = %scan3A_43 to %scan3A_45 step %scan3A_46  : i32 {
        %mul3A_117 = arith.constant 4 : i32
        %mul3A_118 = arith.muli %scan3A_116, %mul3A_117 : i32
        %add3A_119 = arith.constant 0 : i32
        %add3A_120 = arith.addi %mul3A_118, %add3A_119 : i32
        %gt3A = arith.constant 0 : i32
        %gt3A_121 = arith.cmpi sgt, %scan3A_116, %gt3A : i32
        %convert_element_type3A = arith.extui %gt3A_121 : i1 to i32
        %cond3A = arith.constant 0 : i32
        %cond3A_122 = arith.cmpi ne, %convert_element_type3A, %cond3A : i32
        scf.if %cond3A_122 {
          %sub3A_200 = arith.constant 4 : i32
          %sub3A_201 = arith.subi %add3A_120, %sub3A_200 : i32
          %dma_wait3A_202 = arith.constant 0 : i32
          %dma_wait3A_203 = tpu.memref_slice %arg7[%sub3A_201, %dma_wait3A_202] : memref<40x64xi32, #tpu.memory_space<vmem>> -> memref<1x64xi32, #tpu.memory_space<vmem>>
          %dma_wait3A_204 = tpu.memref_squeeze %dma_wait3A_203 : memref<1x64xi32, #tpu.memory_space<vmem>> -> memref<64xi32, #tpu.memory_space<vmem>>
          %dma_wait3A_205 = arith.constant 0 : i32
          %dma_wait3A_206 = arith.constant 0 : i32
          %dma_wait3A_207 = tpu.memref_slice %arg12[%dma_wait3A_205, %dma_wait3A_206] : memref<10240x128xf32, #tpu.memory_space<vmem_shared>> -> memref<10240x128xf32, #tpu.memory_space<vmem_shared>>
          tpu.wait_indirect_dma semaphore(%arg17 : memref<!tpu.dma_semaphore, #tpu.memory_space<semaphore_mem>>) src(%arg8 : memref<64x128xf32, #tpu.memory_space<vmem>>) dst(%dma_wait3A_207 : memref<10240x128xf32, #tpu.memory_space<vmem_shared>>)
        } else {
        }
        %dma_start3A_123 = arith.constant 0 : i32
        %dma_start3A_124 = tpu.memref_slice %arg6[%add3A_120, %dma_start3A_123] : memref<40x64xi32, #tpu.memory_space<vmem>> -> memref<1x64xi32, #tpu.memory_space<vmem>>
        %dma_start3A_125 = tpu.memref_squeeze %dma_start3A_124 : memref<1x64xi32, #tpu.memory_space<vmem>> -> memref<64xi32, #tpu.memory_space<vmem>>
        %dma_start3A_126 = arith.constant 0 : i32
        %dma_start3A_127 = arith.constant 0 : i32
        %dma_start3A_128 = tpu.memref_slice %arg4[%dma_start3A_126, %dma_start3A_127] : memref<10000x128xf32, #tpu.memory_space<hbm>> -> memref<10000x128xf32, #tpu.memory_space<hbm>>
        tpu.enqueue_indirect_dma source(%dma_start3A_128 : memref<10000x128xf32, #tpu.memory_space<hbm>>) target(%arg8 : memref<64x128xf32, #tpu.memory_space<vmem>>) offsets(%dma_start3A_125 : memref<64xi32, #tpu.memory_space<vmem>>) semaphore(%arg13 : memref<!tpu.dma_semaphore, #tpu.memory_space<semaphore_mem>>)
        %sub3A = arith.constant 3 : i32
        %sub3A_129 = arith.subi %add3A_120, %sub3A : i32
        %ge3A = arith.constant 0 : i32
        %ge3A_130 = arith.cmpi sge, %sub3A_129, %ge3A : i32
        %convert_element_type3A_131 = arith.extui %ge3A_130 : i1 to i32
        %cond3A_132 = arith.constant 0 : i32
        %cond3A_133 = arith.cmpi ne, %convert_element_type3A_131, %cond3A_132 : i32
        scf.if %cond3A_133 {
          %dma_wait3A_200 = arith.constant 0 : i32
          %dma_wait3A_201 = tpu.memref_slice %arg6[%sub3A_129, %dma_wait3A_200] : memref<40x64xi32, #tpu.memory_space<vmem>> -> memref<1x64xi32, #tpu.memory_space<vmem>>
          %dma_wait3A_202 = tpu.memref_squeeze %dma_wait3A_201 : memref<1x64xi32, #tpu.memory_space<vmem>> -> memref<64xi32, #tpu.memory_space<vmem>>
          %dma_wait3A_203 = arith.constant 0 : i32
          %dma_wait3A_204 = arith.constant 0 : i32
          %dma_wait3A_205 = tpu.memref_slice %arg4[%dma_wait3A_203, %dma_wait3A_204] : memref<10000x128xf32, #tpu.memory_space<hbm>> -> memref<10000x128xf32, #tpu.memory_space<hbm>>
          tpu.wait_indirect_dma semaphore(%arg14 : memref<!tpu.dma_semaphore, #tpu.memory_space<semaphore_mem>>) src(%dma_wait3A_205 : memref<10000x128xf32, #tpu.memory_space<hbm>>) dst(%arg9 : memref<64x128xf32, #tpu.memory_space<vmem>>)
          %dma_start3A_206 = arith.constant 0 : i32
          %dma_start3A_207 = tpu.memref_slice %arg7[%sub3A_129, %dma_start3A_206] : memref<40x64xi32, #tpu.memory_space<vmem>> -> memref<1x64xi32, #tpu.memory_space<vmem>>
          %dma_start3A_208 = tpu.memref_squeeze %dma_start3A_207 : memref<1x64xi32, #tpu.memory_space<vmem>> -> memref<64xi32, #tpu.memory_space<vmem>>
          %dma_start3A_209 = arith.constant 0 : i32
          %dma_start3A_210 = arith.constant 0 : i32
          %dma_start3A_211 = tpu.memref_slice %arg12[%dma_start3A_209, %dma_start3A_210] : memref<10240x128xf32, #tpu.memory_space<vmem_shared>> -> memref<10240x128xf32, #tpu.memory_space<vmem_shared>>
          tpu.enqueue_indirect_dma source(%arg9 : memref<64x128xf32, #tpu.memory_space<vmem>>) target(%dma_start3A_211 : memref<10240x128xf32, #tpu.memory_space<vmem_shared>>) offsets(%dma_start3A_208 : memref<64xi32, #tpu.memory_space<vmem>>) semaphore(%arg18 : memref<!tpu.dma_semaphore, #tpu.memory_space<semaphore_mem>>) {add = true}
        } else {
        }
        %mul3A_134 = arith.constant 4 : i32
        %mul3A_135 = arith.muli %scan3A_116, %mul3A_134 : i32
        %add3A_136 = arith.constant 1 : i32
        %add3A_137 = arith.addi %mul3A_135, %add3A_136 : i32
        %gt3A_138 = arith.constant 0 : i32
        %gt3A_139 = arith.cmpi sgt, %scan3A_116, %gt3A_138 : i32
        %convert_element_type3A_140 = arith.extui %gt3A_139 : i1 to i32
        %cond3A_141 = arith.constant 0 : i32
        %cond3A_142 = arith.cmpi ne, %convert_element_type3A_140, %cond3A_141 : i32
        scf.if %cond3A_142 {
          %sub3A_200 = arith.constant 4 : i32
          %sub3A_201 = arith.subi %add3A_137, %sub3A_200 : i32
          %dma_wait3A_202 = arith.constant 0 : i32
          %dma_wait3A_203 = tpu.memref_slice %arg7[%sub3A_201, %dma_wait3A_202] : memref<40x64xi32, #tpu.memory_space<vmem>> -> memref<1x64xi32, #tpu.memory_space<vmem>>
          %dma_wait3A_204 = tpu.memref_squeeze %dma_wait3A_203 : memref<1x64xi32, #tpu.memory_space<vmem>> -> memref<64xi32, #tpu.memory_space<vmem>>
          %dma_wait3A_205 = arith.constant 0 : i32
          %dma_wait3A_206 = arith.constant 0 : i32
          %dma_wait3A_207 = tpu.memref_slice %arg12[%dma_wait3A_205, %dma_wait3A_206] : memref<10240x128xf32, #tpu.memory_space<vmem_shared>> -> memref<10240x128xf32, #tpu.memory_space<vmem_shared>>
          tpu.wait_indirect_dma semaphore(%arg18 : memref<!tpu.dma_semaphore, #tpu.memory_space<semaphore_mem>>) src(%arg9 : memref<64x128xf32, #tpu.memory_space<vmem>>) dst(%dma_wait3A_207 : memref<10240x128xf32, #tpu.memory_space<vmem_shared>>)
        } else {
        }
        %dma_start3A_143 = arith.constant 0 : i32
        %dma_start3A_144 = tpu.memref_slice %arg6[%add3A_137, %dma_start3A_143] : memref<40x64xi32, #tpu.memory_space<vmem>> -> memref<1x64xi32, #tpu.memory_space<vmem>>
        %dma_start3A_145 = tpu.memref_squeeze %dma_start3A_144 : memref<1x64xi32, #tpu.memory_space<vmem>> -> memref<64xi32, #tpu.memory_space<vmem>>
        %dma_start3A_146 = arith.constant 0 : i32
        %dma_start3A_147 = arith.constant 0 : i32
        %dma_start3A_148 = tpu.memref_slice %arg4[%dma_start3A_146, %dma_start3A_147] : memref<10000x128xf32, #tpu.memory_space<hbm>> -> memref<10000x128xf32, #tpu.memory_space<hbm>>
        tpu.enqueue_indirect_dma source(%dma_start3A_148 : memref<10000x128xf32, #tpu.memory_space<hbm>>) target(%arg9 : memref<64x128xf32, #tpu.memory_space<vmem>>) offsets(%dma_start3A_145 : memref<64xi32, #tpu.memory_space<vmem>>) semaphore(%arg14 : memref<!tpu.dma_semaphore, #tpu.memory_space<semaphore_mem>>)
        %sub3A_149 = arith.constant 3 : i32
        %sub3A_150 = arith.subi %add3A_137, %sub3A_149 : i32
        %ge3A_151 = arith.constant 0 : i32
        %ge3A_152 = arith.cmpi sge, %sub3A_150, %ge3A_151 : i32
        %convert_element_type3A_153 = arith.extui %ge3A_152 : i1 to i32
        %cond3A_154 = arith.constant 0 : i32
        %cond3A_155 = arith.cmpi ne, %convert_element_type3A_153, %cond3A_154 : i32
        scf.if %cond3A_155 {
          %dma_wait3A_200 = arith.constant 0 : i32
          %dma_wait3A_201 = tpu.memref_slice %arg6[%sub3A_150, %dma_wait3A_200] : memref<40x64xi32, #tpu.memory_space<vmem>> -> memref<1x64xi32, #tpu.memory_space<vmem>>
          %dma_wait3A_202 = tpu.memref_squeeze %dma_wait3A_201 : memref<1x64xi32, #tpu.memory_space<vmem>> -> memref<64xi32, #tpu.memory_space<vmem>>
          %dma_wait3A_203 = arith.constant 0 : i32
          %dma_wait3A_204 = arith.constant 0 : i32
          %dma_wait3A_205 = tpu.memref_slice %arg4[%dma_wait3A_203, %dma_wait3A_204] : memref<10000x128xf32, #tpu.memory_space<hbm>> -> memref<10000x128xf32, #tpu.memory_space<hbm>>
          tpu.wait_indirect_dma semaphore(%arg15 : memref<!tpu.dma_semaphore, #tpu.memory_space<semaphore_mem>>) src(%dma_wait3A_205 : memref<10000x128xf32, #tpu.memory_space<hbm>>) dst(%arg10 : memref<64x128xf32, #tpu.memory_space<vmem>>)
          %dma_start3A_206 = arith.constant 0 : i32
          %dma_start3A_207 = tpu.memref_slice %arg7[%sub3A_150, %dma_start3A_206] : memref<40x64xi32, #tpu.memory_space<vmem>> -> memref<1x64xi32, #tpu.memory_space<vmem>>
          %dma_start3A_208 = tpu.memref_squeeze %dma_start3A_207 : memref<1x64xi32, #tpu.memory_space<vmem>> -> memref<64xi32, #tpu.memory_space<vmem>>
          %dma_start3A_209 = arith.constant 0 : i32
          %dma_start3A_210 = arith.constant 0 : i32
          %dma_start3A_211 = tpu.memref_slice %arg12[%dma_start3A_209, %dma_start3A_210] : memref<10240x128xf32, #tpu.memory_space<vmem_shared>> -> memref<10240x128xf32, #tpu.memory_space<vmem_shared>>
          tpu.enqueue_indirect_dma source(%arg10 : memref<64x128xf32, #tpu.memory_space<vmem>>) target(%dma_start3A_211 : memref<10240x128xf32, #tpu.memory_space<vmem_shared>>) offsets(%dma_start3A_208 : memref<64xi32, #tpu.memory_space<vmem>>) semaphore(%arg19 : memref<!tpu.dma_semaphore, #tpu.memory_space<semaphore_mem>>) {add = true}
        } else {
        }
        %mul3A_156 = arith.constant 4 : i32
        %mul3A_157 = arith.muli %scan3A_116, %mul3A_156 : i32
        %add3A_158 = arith.constant 2 : i32
        %add3A_159 = arith.addi %mul3A_157, %add3A_158 : i32
        %gt3A_160 = arith.constant 0 : i32
        %gt3A_161 = arith.cmpi sgt, %scan3A_116, %gt3A_160 : i32
        %convert_element_type3A_162 = arith.extui %gt3A_161 : i1 to i32
        %cond3A_163 = arith.constant 0 : i32
        %cond3A_164 = arith.cmpi ne, %convert_element_type3A_162, %cond3A_163 : i32
        scf.if %cond3A_164 {
          %sub3A_200 = arith.constant 4 : i32
          %sub3A_201 = arith.subi %add3A_159, %sub3A_200 : i32
          %dma_wait3A_202 = arith.constant 0 : i32
          %dma_wait3A_203 = tpu.memref_slice %arg7[%sub3A_201, %dma_wait3A_202] : memref<40x64xi32, #tpu.memory_space<vmem>> -> memref<1x64xi32, #tpu.memory_space<vmem>>
          %dma_wait3A_204 = tpu.memref_squeeze %dma_wait3A_203 : memref<1x64xi32, #tpu.memory_space<vmem>> -> memref<64xi32, #tpu.memory_space<vmem>>
          %dma_wait3A_205 = arith.constant 0 : i32
          %dma_wait3A_206 = arith.constant 0 : i32
          %dma_wait3A_207 = tpu.memref_slice %arg12[%dma_wait3A_205, %dma_wait3A_206] : memref<10240x128xf32, #tpu.memory_space<vmem_shared>> -> memref<10240x128xf32, #tpu.memory_space<vmem_shared>>
          tpu.wait_indirect_dma semaphore(%arg19 : memref<!tpu.dma_semaphore, #tpu.memory_space<semaphore_mem>>) src(%arg10 : memref<64x128xf32, #tpu.memory_space<vmem>>) dst(%dma_wait3A_207 : memref<10240x128xf32, #tpu.memory_space<vmem_shared>>)
        } else {
        }
        %dma_start3A_165 = arith.constant 0 : i32
        %dma_start3A_166 = tpu.memref_slice %arg6[%add3A_159, %dma_start3A_165] : memref<40x64xi32, #tpu.memory_space<vmem>> -> memref<1x64xi32, #tpu.memory_space<vmem>>
        %dma_start3A_167 = tpu.memref_squeeze %dma_start3A_166 : memref<1x64xi32, #tpu.memory_space<vmem>> -> memref<64xi32, #tpu.memory_space<vmem>>
        %dma_start3A_168 = arith.constant 0 : i32
        %dma_start3A_169 = arith.constant 0 : i32
        %dma_start3A_170 = tpu.memref_slice %arg4[%dma_start3A_168, %dma_start3A_169] : memref<10000x128xf32, #tpu.memory_space<hbm>> -> memref<10000x128xf32, #tpu.memory_space<hbm>>
        tpu.enqueue_indirect_dma source(%dma_start3A_170 : memref<10000x128xf32, #tpu.memory_space<hbm>>) target(%arg10 : memref<64x128xf32, #tpu.memory_space<vmem>>) offsets(%dma_start3A_167 : memref<64xi32, #tpu.memory_space<vmem>>) semaphore(%arg15 : memref<!tpu.dma_semaphore, #tpu.memory_space<semaphore_mem>>)
        %sub3A_171 = arith.constant 3 : i32
        %sub3A_172 = arith.subi %add3A_159, %sub3A_171 : i32
        %ge3A_173 = arith.constant 0 : i32
        %ge3A_174 = arith.cmpi sge, %sub3A_172, %ge3A_173 : i32
        %convert_element_type3A_175 = arith.extui %ge3A_174 : i1 to i32
        %cond3A_176 = arith.constant 0 : i32
        %cond3A_177 = arith.cmpi ne, %convert_element_type3A_175, %cond3A_176 : i32
        scf.if %cond3A_177 {
          %dma_wait3A_200 = arith.constant 0 : i32
          %dma_wait3A_201 = tpu.memref_slice %arg6[%sub3A_172, %dma_wait3A_200] : memref<40x64xi32, #tpu.memory_space<vmem>> -> memref<1x64xi32, #tpu.memory_space<vmem>>
          %dma_wait3A_202 = tpu.memref_squeeze %dma_wait3A_201 : memref<1x64xi32, #tpu.memory_space<vmem>> -> memref<64xi32, #tpu.memory_space<vmem>>
          %dma_wait3A_203 = arith.constant 0 : i32
          %dma_wait3A_204 = arith.constant 0 : i32
          %dma_wait3A_205 = tpu.memref_slice %arg4[%dma_wait3A_203, %dma_wait3A_204] : memref<10000x128xf32, #tpu.memory_space<hbm>> -> memref<10000x128xf32, #tpu.memory_space<hbm>>
          tpu.wait_indirect_dma semaphore(%arg16 : memref<!tpu.dma_semaphore, #tpu.memory_space<semaphore_mem>>) src(%dma_wait3A_205 : memref<10000x128xf32, #tpu.memory_space<hbm>>) dst(%arg11 : memref<64x128xf32, #tpu.memory_space<vmem>>)
          %dma_start3A_206 = arith.constant 0 : i32
          %dma_start3A_207 = tpu.memref_slice %arg7[%sub3A_172, %dma_start3A_206] : memref<40x64xi32, #tpu.memory_space<vmem>> -> memref<1x64xi32, #tpu.memory_space<vmem>>
          %dma_start3A_208 = tpu.memref_squeeze %dma_start3A_207 : memref<1x64xi32, #tpu.memory_space<vmem>> -> memref<64xi32, #tpu.memory_space<vmem>>
          %dma_start3A_209 = arith.constant 0 : i32
          %dma_start3A_210 = arith.constant 0 : i32
          %dma_start3A_211 = tpu.memref_slice %arg12[%dma_start3A_209, %dma_start3A_210] : memref<10240x128xf32, #tpu.memory_space<vmem_shared>> -> memref<10240x128xf32, #tpu.memory_space<vmem_shared>>
          tpu.enqueue_indirect_dma source(%arg11 : memref<64x128xf32, #tpu.memory_space<vmem>>) target(%dma_start3A_211 : memref<10240x128xf32, #tpu.memory_space<vmem_shared>>) offsets(%dma_start3A_208 : memref<64xi32, #tpu.memory_space<vmem>>) semaphore(%arg20 : memref<!tpu.dma_semaphore, #tpu.memory_space<semaphore_mem>>) {add = true}
        } else {
        }
        %mul3A_178 = arith.constant 4 : i32
        %mul3A_179 = arith.muli %scan3A_116, %mul3A_178 : i32
        %add3A_180 = arith.constant 3 : i32
        %add3A_181 = arith.addi %mul3A_179, %add3A_180 : i32
        %gt3A_182 = arith.constant 0 : i32
        %gt3A_183 = arith.cmpi sgt, %scan3A_116, %gt3A_182 : i32
        %convert_element_type3A_184 = arith.extui %gt3A_183 : i1 to i32
        %cond3A_185 = arith.constant 0 : i32
        %cond3A_186 = arith.cmpi ne, %convert_element_type3A_184, %cond3A_185 : i32
        scf.if %cond3A_186 {
          %sub3A_200 = arith.constant 4 : i32
          %sub3A_201 = arith.subi %add3A_181, %sub3A_200 : i32
          %dma_wait3A_202 = arith.constant 0 : i32
          %dma_wait3A_203 = tpu.memref_slice %arg7[%sub3A_201, %dma_wait3A_202] : memref<40x64xi32, #tpu.memory_space<vmem>> -> memref<1x64xi32, #tpu.memory_space<vmem>>
          %dma_wait3A_204 = tpu.memref_squeeze %dma_wait3A_203 : memref<1x64xi32, #tpu.memory_space<vmem>> -> memref<64xi32, #tpu.memory_space<vmem>>
          %dma_wait3A_205 = arith.constant 0 : i32
          %dma_wait3A_206 = arith.constant 0 : i32
          %dma_wait3A_207 = tpu.memref_slice %arg12[%dma_wait3A_205, %dma_wait3A_206] : memref<10240x128xf32, #tpu.memory_space<vmem_shared>> -> memref<10240x128xf32, #tpu.memory_space<vmem_shared>>
          tpu.wait_indirect_dma semaphore(%arg20 : memref<!tpu.dma_semaphore, #tpu.memory_space<semaphore_mem>>) src(%arg11 : memref<64x128xf32, #tpu.memory_space<vmem>>) dst(%dma_wait3A_207 : memref<10240x128xf32, #tpu.memory_space<vmem_shared>>)
        } else {
        }
        %dma_start3A_187 = arith.constant 0 : i32
        %dma_start3A_188 = tpu.memref_slice %arg6[%add3A_181, %dma_start3A_187] : memref<40x64xi32, #tpu.memory_space<vmem>> -> memref<1x64xi32, #tpu.memory_space<vmem>>
        %dma_start3A_189 = tpu.memref_squeeze %dma_start3A_188 : memref<1x64xi32, #tpu.memory_space<vmem>> -> memref<64xi32, #tpu.memory_space<vmem>>
        %dma_start3A_190 = arith.constant 0 : i32
        %dma_start3A_191 = arith.constant 0 : i32
        %dma_start3A_192 = tpu.memref_slice %arg4[%dma_start3A_190, %dma_start3A_191] : memref<10000x128xf32, #tpu.memory_space<hbm>> -> memref<10000x128xf32, #tpu.memory_space<hbm>>
        tpu.enqueue_indirect_dma source(%dma_start3A_192 : memref<10000x128xf32, #tpu.memory_space<hbm>>) target(%arg11 : memref<64x128xf32, #tpu.memory_space<vmem>>) offsets(%dma_start3A_189 : memref<64xi32, #tpu.memory_space<vmem>>) semaphore(%arg16 : memref<!tpu.dma_semaphore, #tpu.memory_space<semaphore_mem>>)
        %sub3A_193 = arith.constant 3 : i32
        %sub3A_194 = arith.subi %add3A_181, %sub3A_193 : i32
        %ge3A_195 = arith.constant 0 : i32
        %ge3A_196 = arith.cmpi sge, %sub3A_194, %ge3A_195 : i32
        %convert_element_type3A_197 = arith.extui %ge3A_196 : i1 to i32
        %cond3A_198 = arith.constant 0 : i32
        %cond3A_199 = arith.cmpi ne, %convert_element_type3A_197, %cond3A_198 : i32
        scf.if %cond3A_199 {
          %dma_wait3A_200 = arith.constant 0 : i32
          %dma_wait3A_201 = tpu.memref_slice %arg6[%sub3A_194, %dma_wait3A_200] : memref<40x64xi32, #tpu.memory_space<vmem>> -> memref<1x64xi32, #tpu.memory_space<vmem>>
          %dma_wait3A_202 = tpu.memref_squeeze %dma_wait3A_201 : memref<1x64xi32, #tpu.memory_space<vmem>> -> memref<64xi32, #tpu.memory_space<vmem>>
          %dma_wait3A_203 = arith.constant 0 : i32
          %dma_wait3A_204 = arith.constant 0 : i32
          %dma_wait3A_205 = tpu.memref_slice %arg4[%dma_wait3A_203, %dma_wait3A_204] : memref<10000x128xf32, #tpu.memory_space<hbm>> -> memref<10000x128xf32, #tpu.memory_space<hbm>>
          tpu.wait_indirect_dma semaphore(%arg13 : memref<!tpu.dma_semaphore, #tpu.memory_space<semaphore_mem>>) src(%dma_wait3A_205 : memref<10000x128xf32, #tpu.memory_space<hbm>>) dst(%arg8 : memref<64x128xf32, #tpu.memory_space<vmem>>)
          %dma_start3A_206 = arith.constant 0 : i32
          %dma_start3A_207 = tpu.memref_slice %arg7[%sub3A_194, %dma_start3A_206] : memref<40x64xi32, #tpu.memory_space<vmem>> -> memref<1x64xi32, #tpu.memory_space<vmem>>
          %dma_start3A_208 = tpu.memref_squeeze %dma_start3A_207 : memref<1x64xi32, #tpu.memory_space<vmem>> -> memref<64xi32, #tpu.memory_space<vmem>>
          %dma_start3A_209 = arith.constant 0 : i32
          %dma_start3A_210 = arith.constant 0 : i32
          %dma_start3A_211 = tpu.memref_slice %arg12[%dma_start3A_209, %dma_start3A_210] : memref<10240x128xf32, #tpu.memory_space<vmem_shared>> -> memref<10240x128xf32, #tpu.memory_space<vmem_shared>>
          tpu.enqueue_indirect_dma source(%arg8 : memref<64x128xf32, #tpu.memory_space<vmem>>) target(%dma_start3A_211 : memref<10240x128xf32, #tpu.memory_space<vmem_shared>>) offsets(%dma_start3A_208 : memref<64xi32, #tpu.memory_space<vmem>>) semaphore(%arg17 : memref<!tpu.dma_semaphore, #tpu.memory_space<semaphore_mem>>) {add = true}
        } else {
        }
      }
      %scan3A_47 = arith.constant 10 : i32
      %dma_wait3A = arith.constant 37 : i32
      %dma_wait3A_48 = arith.constant 0 : i32
      %dma_wait3A_49 = tpu.memref_slice %arg6[%dma_wait3A, %dma_wait3A_48] : memref<40x64xi32, #tpu.memory_space<vmem>> -> memref<1x64xi32, #tpu.memory_space<vmem>>
      %dma_wait3A_50 = tpu.memref_squeeze %dma_wait3A_49 : memref<1x64xi32, #tpu.memory_space<vmem>> -> memref<64xi32, #tpu.memory_space<vmem>>
      %dma_wait3A_51 = arith.constant 0 : i32
      %dma_wait3A_52 = arith.constant 0 : i32
      %dma_wait3A_53 = tpu.memref_slice %arg4[%dma_wait3A_51, %dma_wait3A_52] : memref<10000x128xf32, #tpu.memory_space<hbm>> -> memref<10000x128xf32, #tpu.memory_space<hbm>>
      tpu.wait_indirect_dma semaphore(%arg14 : memref<!tpu.dma_semaphore, #tpu.memory_space<semaphore_mem>>) src(%dma_wait3A_53 : memref<10000x128xf32, #tpu.memory_space<hbm>>) dst(%arg9 : memref<64x128xf32, #tpu.memory_space<vmem>>)
      %dma_start3A = arith.constant 37 : i32
      %dma_start3A_54 = arith.constant 0 : i32
      %dma_start3A_55 = tpu.memref_slice %arg7[%dma_start3A, %dma_start3A_54] : memref<40x64xi32, #tpu.memory_space<vmem>> -> memref<1x64xi32, #tpu.memory_space<vmem>>
      %dma_start3A_56 = tpu.memref_squeeze %dma_start3A_55 : memref<1x64xi32, #tpu.memory_space<vmem>> -> memref<64xi32, #tpu.memory_space<vmem>>
      %dma_start3A_57 = arith.constant 0 : i32
      %dma_start3A_58 = arith.constant 0 : i32
      %dma_start3A_59 = tpu.memref_slice %arg12[%dma_start3A_57, %dma_start3A_58] : memref<10240x128xf32, #tpu.memory_space<vmem_shared>> -> memref<10240x128xf32, #tpu.memory_space<vmem_shared>>
      tpu.enqueue_indirect_dma source(%arg9 : memref<64x128xf32, #tpu.memory_space<vmem>>) target(%dma_start3A_59 : memref<10240x128xf32, #tpu.memory_space<vmem_shared>>) offsets(%dma_start3A_56 : memref<64xi32, #tpu.memory_space<vmem>>) semaphore(%arg18 : memref<!tpu.dma_semaphore, #tpu.memory_space<semaphore_mem>>) {add = true}
      %dma_wait3A_60 = arith.constant 38 : i32
      %dma_wait3A_61 = arith.constant 0 : i32
      %dma_wait3A_62 = tpu.memref_slice %arg6[%dma_wait3A_60, %dma_wait3A_61] : memref<40x64xi32, #tpu.memory_space<vmem>> -> memref<1x64xi32, #tpu.memory_space<vmem>>
      %dma_wait3A_63 = tpu.memref_squeeze %dma_wait3A_62 : memref<1x64xi32, #tpu.memory_space<vmem>> -> memref<64xi32, #tpu.memory_space<vmem>>
      %dma_wait3A_64 = arith.constant 0 : i32
      %dma_wait3A_65 = arith.constant 0 : i32
      %dma_wait3A_66 = tpu.memref_slice %arg4[%dma_wait3A_64, %dma_wait3A_65] : memref<10000x128xf32, #tpu.memory_space<hbm>> -> memref<10000x128xf32, #tpu.memory_space<hbm>>
      tpu.wait_indirect_dma semaphore(%arg15 : memref<!tpu.dma_semaphore, #tpu.memory_space<semaphore_mem>>) src(%dma_wait3A_66 : memref<10000x128xf32, #tpu.memory_space<hbm>>) dst(%arg10 : memref<64x128xf32, #tpu.memory_space<vmem>>)
      %dma_start3A_67 = arith.constant 38 : i32
      %dma_start3A_68 = arith.constant 0 : i32
      %dma_start3A_69 = tpu.memref_slice %arg7[%dma_start3A_67, %dma_start3A_68] : memref<40x64xi32, #tpu.memory_space<vmem>> -> memref<1x64xi32, #tpu.memory_space<vmem>>
      %dma_start3A_70 = tpu.memref_squeeze %dma_start3A_69 : memref<1x64xi32, #tpu.memory_space<vmem>> -> memref<64xi32, #tpu.memory_space<vmem>>
      %dma_start3A_71 = arith.constant 0 : i32
      %dma_start3A_72 = arith.constant 0 : i32
      %dma_start3A_73 = tpu.memref_slice %arg12[%dma_start3A_71, %dma_start3A_72] : memref<10240x128xf32, #tpu.memory_space<vmem_shared>> -> memref<10240x128xf32, #tpu.memory_space<vmem_shared>>
      tpu.enqueue_indirect_dma source(%arg10 : memref<64x128xf32, #tpu.memory_space<vmem>>) target(%dma_start3A_73 : memref<10240x128xf32, #tpu.memory_space<vmem_shared>>) offsets(%dma_start3A_70 : memref<64xi32, #tpu.memory_space<vmem>>) semaphore(%arg19 : memref<!tpu.dma_semaphore, #tpu.memory_space<semaphore_mem>>) {add = true}
      %dma_wait3A_74 = arith.constant 39 : i32
      %dma_wait3A_75 = arith.constant 0 : i32
      %dma_wait3A_76 = tpu.memref_slice %arg6[%dma_wait3A_74, %dma_wait3A_75] : memref<40x64xi32, #tpu.memory_space<vmem>> -> memref<1x64xi32, #tpu.memory_space<vmem>>
      %dma_wait3A_77 = tpu.memref_squeeze %dma_wait3A_76 : memref<1x64xi32, #tpu.memory_space<vmem>> -> memref<64xi32, #tpu.memory_space<vmem>>
      %dma_wait3A_78 = arith.constant 0 : i32
      %dma_wait3A_79 = arith.constant 0 : i32
      %dma_wait3A_80 = tpu.memref_slice %arg4[%dma_wait3A_78, %dma_wait3A_79] : memref<10000x128xf32, #tpu.memory_space<hbm>> -> memref<10000x128xf32, #tpu.memory_space<hbm>>
      tpu.wait_indirect_dma semaphore(%arg16 : memref<!tpu.dma_semaphore, #tpu.memory_space<semaphore_mem>>) src(%dma_wait3A_80 : memref<10000x128xf32, #tpu.memory_space<hbm>>) dst(%arg11 : memref<64x128xf32, #tpu.memory_space<vmem>>)
      %dma_start3A_81 = arith.constant 39 : i32
      %dma_start3A_82 = arith.constant 0 : i32
      %dma_start3A_83 = tpu.memref_slice %arg7[%dma_start3A_81, %dma_start3A_82] : memref<40x64xi32, #tpu.memory_space<vmem>> -> memref<1x64xi32, #tpu.memory_space<vmem>>
      %dma_start3A_84 = tpu.memref_squeeze %dma_start3A_83 : memref<1x64xi32, #tpu.memory_space<vmem>> -> memref<64xi32, #tpu.memory_space<vmem>>
      %dma_start3A_85 = arith.constant 0 : i32
      %dma_start3A_86 = arith.constant 0 : i32
      %dma_start3A_87 = tpu.memref_slice %arg12[%dma_start3A_85, %dma_start3A_86] : memref<10240x128xf32, #tpu.memory_space<vmem_shared>> -> memref<10240x128xf32, #tpu.memory_space<vmem_shared>>
      tpu.enqueue_indirect_dma source(%arg11 : memref<64x128xf32, #tpu.memory_space<vmem>>) target(%dma_start3A_87 : memref<10240x128xf32, #tpu.memory_space<vmem_shared>>) offsets(%dma_start3A_84 : memref<64xi32, #tpu.memory_space<vmem>>) semaphore(%arg20 : memref<!tpu.dma_semaphore, #tpu.memory_space<semaphore_mem>>) {add = true}
      %dma_wait3A_88 = arith.constant 36 : i32
      %dma_wait3A_89 = arith.constant 0 : i32
      %dma_wait3A_90 = tpu.memref_slice %arg7[%dma_wait3A_88, %dma_wait3A_89] : memref<40x64xi32, #tpu.memory_space<vmem>> -> memref<1x64xi32, #tpu.memory_space<vmem>>
      %dma_wait3A_91 = tpu.memref_squeeze %dma_wait3A_90 : memref<1x64xi32, #tpu.memory_space<vmem>> -> memref<64xi32, #tpu.memory_space<vmem>>
      %dma_wait3A_92 = arith.constant 0 : i32
      %dma_wait3A_93 = arith.constant 0 : i32
      %dma_wait3A_94 = tpu.memref_slice %arg12[%dma_wait3A_92, %dma_wait3A_93] : memref<10240x128xf32, #tpu.memory_space<vmem_shared>> -> memref<10240x128xf32, #tpu.memory_space<vmem_shared>>
      tpu.wait_indirect_dma semaphore(%arg17 : memref<!tpu.dma_semaphore, #tpu.memory_space<semaphore_mem>>) src(%arg8 : memref<64x128xf32, #tpu.memory_space<vmem>>) dst(%dma_wait3A_94 : memref<10240x128xf32, #tpu.memory_space<vmem_shared>>)
      %dma_wait3A_95 = arith.constant 37 : i32
      %dma_wait3A_96 = arith.constant 0 : i32
      %dma_wait3A_97 = tpu.memref_slice %arg7[%dma_wait3A_95, %dma_wait3A_96] : memref<40x64xi32, #tpu.memory_space<vmem>> -> memref<1x64xi32, #tpu.memory_space<vmem>>
      %dma_wait3A_98 = tpu.memref_squeeze %dma_wait3A_97 : memref<1x64xi32, #tpu.memory_space<vmem>> -> memref<64xi32, #tpu.memory_space<vmem>>
      %dma_wait3A_99 = arith.constant 0 : i32
      %dma_wait3A_100 = arith.constant 0 : i32
      %dma_wait3A_101 = tpu.memref_slice %arg12[%dma_wait3A_99, %dma_wait3A_100] : memref<10240x128xf32, #tpu.memory_space<vmem_shared>> -> memref<10240x128xf32, #tpu.memory_space<vmem_shared>>
      tpu.wait_indirect_dma semaphore(%arg18 : memref<!tpu.dma_semaphore, #tpu.memory_space<semaphore_mem>>) src(%arg9 : memref<64x128xf32, #tpu.memory_space<vmem>>) dst(%dma_wait3A_101 : memref<10240x128xf32, #tpu.memory_space<vmem_shared>>)
      %dma_wait3A_102 = arith.constant 38 : i32
      %dma_wait3A_103 = arith.constant 0 : i32
      %dma_wait3A_104 = tpu.memref_slice %arg7[%dma_wait3A_102, %dma_wait3A_103] : memref<40x64xi32, #tpu.memory_space<vmem>> -> memref<1x64xi32, #tpu.memory_space<vmem>>
      %dma_wait3A_105 = tpu.memref_squeeze %dma_wait3A_104 : memref<1x64xi32, #tpu.memory_space<vmem>> -> memref<64xi32, #tpu.memory_space<vmem>>
      %dma_wait3A_106 = arith.constant 0 : i32
      %dma_wait3A_107 = arith.constant 0 : i32
      %dma_wait3A_108 = tpu.memref_slice %arg12[%dma_wait3A_106, %dma_wait3A_107] : memref<10240x128xf32, #tpu.memory_space<vmem_shared>> -> memref<10240x128xf32, #tpu.memory_space<vmem_shared>>
      tpu.wait_indirect_dma semaphore(%arg19 : memref<!tpu.dma_semaphore, #tpu.memory_space<semaphore_mem>>) src(%arg10 : memref<64x128xf32, #tpu.memory_space<vmem>>) dst(%dma_wait3A_108 : memref<10240x128xf32, #tpu.memory_space<vmem_shared>>)
      %dma_wait3A_109 = arith.constant 39 : i32
      %dma_wait3A_110 = arith.constant 0 : i32
      %dma_wait3A_111 = tpu.memref_slice %arg7[%dma_wait3A_109, %dma_wait3A_110] : memref<40x64xi32, #tpu.memory_space<vmem>> -> memref<1x64xi32, #tpu.memory_space<vmem>>
      %dma_wait3A_112 = tpu.memref_squeeze %dma_wait3A_111 : memref<1x64xi32, #tpu.memory_space<vmem>> -> memref<64xi32, #tpu.memory_space<vmem>>
      %dma_wait3A_113 = arith.constant 0 : i32
      %dma_wait3A_114 = arith.constant 0 : i32
      %dma_wait3A_115 = tpu.memref_slice %arg12[%dma_wait3A_113, %dma_wait3A_114] : memref<10240x128xf32, #tpu.memory_space<vmem_shared>> -> memref<10240x128xf32, #tpu.memory_space<vmem_shared>>
      tpu.wait_indirect_dma semaphore(%arg20 : memref<!tpu.dma_semaphore, #tpu.memory_space<semaphore_mem>>) src(%arg11 : memref<64x128xf32, #tpu.memory_space<vmem>>) dst(%dma_wait3A_115 : memref<10240x128xf32, #tpu.memory_space<vmem_shared>>)
    }
    %scan3A_33 = arith.constant 4 : i32
    %barrier3A_34 = arith.constant 0 : index
    tpu.barrier barrier_id(%barrier3A_34)
    %mul3A_35 = arith.constant 640 : i32
    %mul3A_36 = arith.muli %arg1, %mul3A_35 : i32
    "tpu.region"() ({
      %run_scoped3A = tpu.sem_alloc : memref<!tpu.dma_semaphore, #tpu.memory_space<semaphore_mem>>
      %dma_start3A = arith.constant 0 : i32
      %dma_start3A_37 = tpu.memref_slice %arg5[%arg0, %mul3A_36, %dma_start3A] : memref<2x10240x128xf32, #tpu.memory_space<hbm>> -> memref<1x640x128xf32, #tpu.memory_space<hbm>>
      %dma_start3A_38 = tpu.memref_squeeze %dma_start3A_37 : memref<1x640x128xf32, #tpu.memory_space<hbm>> -> memref<640x128xf32, #tpu.memory_space<hbm>>
      %dma_start3A_39 = arith.constant 0 : i32
      %dma_start3A_40 = tpu.memref_slice %arg12[%mul3A_36, %dma_start3A_39] : memref<10240x128xf32, #tpu.memory_space<vmem_shared>> -> memref<640x128xf32, #tpu.memory_space<vmem_shared>>
      tpu.enqueue_dma source(%dma_start3A_40 : memref<640x128xf32, #tpu.memory_space<vmem_shared>>) target(%dma_start3A_38 : memref<640x128xf32, #tpu.memory_space<hbm>>) target_semaphore(%run_scoped3A : memref<!tpu.dma_semaphore, #tpu.memory_space<semaphore_mem>>)
      %dma_wait3A = arith.constant 0 : i32
      %dma_wait3A_41 = tpu.memref_slice %arg5[%arg0, %mul3A_36, %dma_wait3A] : memref<2x10240x128xf32, #tpu.memory_space<hbm>> -> memref<1x640x128xf32, #tpu.memory_space<hbm>>
      %dma_wait3A_42 = tpu.memref_squeeze %dma_wait3A_41 : memref<1x640x128xf32, #tpu.memory_space<hbm>> -> memref<640x128xf32, #tpu.memory_space<hbm>>
      %dma_wait3A_43 = arith.constant 0 : i32
      %dma_wait3A_44 = tpu.memref_slice %arg12[%mul3A_36, %dma_wait3A_43] : memref<10240x128xf32, #tpu.memory_space<vmem_shared>> -> memref<640x128xf32, #tpu.memory_space<vmem_shared>>
      tpu.wait_dma2 semaphore(%run_scoped3A : memref<!tpu.dma_semaphore, #tpu.memory_space<semaphore_mem>>) src(%dma_wait3A_44 : memref<640x128xf32, #tpu.memory_space<vmem_shared>>) dst(%dma_wait3A_42 : memref<640x128xf32, #tpu.memory_space<hbm>>)
      tpu.yield
    }) : () -> ()
    return
  }
}

#map = affine_map<(d0, d1) -> (0, 0, 0)>
#map1 = affine_map<(d0, d1) -> (0, 0)>
module attributes {stable_mosaic.version = 14 : i64} {
  func.func @_sc_agg_body(%arg0: i32, %arg1: i32, %arg2: memref<32x160x64xi32, #tpu.memory_space<hbm>>, %arg3: memref<32x160x64xi32, #tpu.memory_space<hbm>>, %arg4: memref<10000x128xf32, #tpu.memory_space<hbm>>, %arg5: memref<2x10240x128xf32, #tpu.memory_space<hbm>>, %arg6: memref<40x64xi32, #tpu.memory_space<vmem>>, %arg7: memref<40x64xi32, #tpu.memory_space<vmem>>, %arg8: memref<64x128xf32, #tpu.memory_space<vmem>>, %arg9: memref<64x128xf32, #tpu.memory_space<vmem>>, %arg10: memref<64x128xf32, #tpu.memory_space<vmem>>, %arg11: memref<64x128xf32, #tpu.memory_space<vmem>>, %arg12: memref<10240x128xf32, #tpu.memory_space<vmem_shared>>, %arg13: memref<!tpu.dma_semaphore, #tpu.memory_space<semaphore_mem>>, %arg14: memref<!tpu.dma_semaphore, #tpu.memory_space<semaphore_mem>>, %arg15: memref<!tpu.dma_semaphore, #tpu.memory_space<semaphore_mem>>, %arg16: memref<!tpu.dma_semaphore, #tpu.memory_space<semaphore_mem>>, %arg17: memref<!tpu.dma_semaphore, #tpu.memory_space<semaphore_mem>>, %arg18: memref<!tpu.dma_semaphore, #tpu.memory_space<semaphore_mem>>, %arg19: memref<!tpu.dma_semaphore, #tpu.memory_space<semaphore_mem>>, %arg20: memref<!tpu.dma_semaphore, #tpu.memory_space<semaphore_mem>>) attributes {dimension_semantics = [#tpu.dimension_semantics<core_parallel>, #tpu.dimension_semantics<subcore_parallel>], iteration_bounds = array<i64: 2, 16>, scalar_prefetch = 0 : i64, scratch_operands = 15 : i64, tpu.core_type = #tpu.core_type<sc_vector_subcore>, window_params = [{transform_indices = #map}, {transform_indices = #map}, {transform_indices = #map1}, {transform_indices = #map}]} {
    %mul3A = arith.constant 16 : i32
    %mul3A_0 = arith.muli %arg0, %mul3A : i32
    %add3A = arith.addi %mul3A_0, %arg1 : i32
    %scan3A = arith.constant 0 : i32
    %scan3A_1 = arith.constant 0 : i32
    %scan3A_2 = arith.constant 64 : i32
    %scan3A_3 = arith.addi %scan3A_1, %scan3A_2 : i32
    %scan3A_4 = arith.constant 1 : i32
    scf.for %scan3A_37 = %scan3A_1 to %scan3A_3 step %scan3A_4  : i32 {
      %scan3A_38 = arith.constant 0 : i32
      %scan3A_39 = arith.constant 8 : i32
      %scan3A_40 = arith.addi %scan3A_38, %scan3A_39 : i32
      %scan3A_41 = arith.constant 1 : i32
      scf.for %scan3A_43 = %scan3A_38 to %scan3A_40 step %scan3A_41  : i32 {
        %broadcast_in_dim3A = arith.constant 0.000000e+00 : f32
        %broadcast_in_dim3A_44 = vector.broadcast %broadcast_in_dim3A : f32 to vector<16xf32>
        %mul3A_45 = arith.constant 16 : i32
        %mul3A_46 = arith.muli %scan3A_43, %mul3A_45 : i32
        %swap3A = arith.index_cast %scan3A_37 : i32 to index
        %swap3A_47 = arith.index_cast %mul3A_46 : i32 to index
        %swap3A_48 = tpu.vector_load %arg8[%swap3A, %swap3A_47] {strides = array<i32>} : memref<64x128xf32, #tpu.memory_space<vmem>>, vector<1x16xf32>,
        %swap3A_49 = vector.shape_cast %swap3A_48 : vector<1x16xf32> to vector<16xf32>
        %swap3A_50 = vector.shape_cast %broadcast_in_dim3A_44 : vector<16xf32> to vector<1x16xf32>
        tpu.vector_store %arg8[%swap3A, %swap3A_47], %swap3A_50 {strides = array<i32>} : memref<64x128xf32, #tpu.memory_space<vmem>>, vector<1x16xf32>,
      }
      %scan3A_42 = arith.constant 8 : i32
    }
    %scan3A_5 = arith.constant 64 : i32
    %mul3A_6 = arith.constant 640 : i32
    %mul3A_7 = arith.muli %arg1, %mul3A_6 : i32
    %add3A_8 = arith.constant 0 : i32
    %add3A_9 = arith.addi %mul3A_7, %add3A_8 : i32
    "tpu.region"() ({
      %run_scoped3A = tpu.sem_alloc : memref<!tpu.dma_semaphore, #tpu.memory_space<semaphore_mem>>
      %dma_start3A = arith.constant 0 : i32
      %dma_start3A_37 = tpu.memref_slice %arg12[%add3A_9, %dma_start3A] : memref<10240x128xf32, #tpu.memory_space<vmem_shared>> -> memref<64x128xf32, #tpu.memory_space<vmem_shared>>
      %dma_start3A_38 = arith.constant 0 : i32
      %dma_start3A_39 = tpu.memref_slice %arg12[%add3A_9, %dma_start3A_38] : memref<10240x128xf32, #tpu.memory_space<vmem_shared>> -> memref<64x128xf32, #tpu.memory_space<vmem_shared>>
      tpu.enqueue_dma source(%arg8 : memref<64x128xf32, #tpu.memory_space<vmem>>) target(%dma_start3A_39 : memref<64x128xf32, #tpu.memory_space<vmem_shared>>) target_semaphore(%run_scoped3A : memref<!tpu.dma_semaphore, #tpu.memory_space<semaphore_mem>>)
      %dma_wait3A = arith.constant 0 : i32
      %dma_wait3A_40 = tpu.memref_slice %arg12[%add3A_9, %dma_wait3A] : memref<10240x128xf32, #tpu.memory_space<vmem_shared>> -> memref<64x128xf32, #tpu.memory_space<vmem_shared>>
      %dma_wait3A_41 = arith.constant 0 : i32
      %dma_wait3A_42 = tpu.memref_slice %arg12[%add3A_9, %dma_wait3A_41] : memref<10240x128xf32, #tpu.memory_space<vmem_shared>> -> memref<64x128xf32, #tpu.memory_space<vmem_shared>>
      tpu.wait_dma2 semaphore(%run_scoped3A : memref<!tpu.dma_semaphore, #tpu.memory_space<semaphore_mem>>) src(%arg8 : memref<64x128xf32, #tpu.memory_space<vmem>>) dst(%dma_wait3A_42 : memref<64x128xf32, #tpu.memory_space<vmem_shared>>)
      tpu.yield
    }) : () -> ()
    %add3A_10 = arith.constant 64 : i32
    %add3A_11 = arith.addi %mul3A_7, %add3A_10 : i32
    "tpu.region"() ({
      %run_scoped3A = tpu.sem_alloc : memref<!tpu.dma_semaphore, #tpu.memory_space<semaphore_mem>>
      %dma_start3A = arith.constant 0 : i32
      %dma_start3A_37 = tpu.memref_slice %arg12[%add3A_11, %dma_start3A] : memref<10240x128xf32, #tpu.memory_space<vmem_shared>> -> memref<64x128xf32, #tpu.memory_space<vmem_shared>>
      %dma_start3A_38 = arith.constant 0 : i32
      %dma_start3A_39 = tpu.memref_slice %arg12[%add3A_11, %dma_start3A_38] : memref<10240x128xf32, #tpu.memory_space<vmem_shared>> -> memref<64x128xf32, #tpu.memory_space<vmem_shared>>
      tpu.enqueue_dma source(%arg8 : memref<64x128xf32, #tpu.memory_space<vmem>>) target(%dma_start3A_39 : memref<64x128xf32, #tpu.memory_space<vmem_shared>>) target_semaphore(%run_scoped3A : memref<!tpu.dma_semaphore, #tpu.memory_space<semaphore_mem>>)
      %dma_wait3A = arith.constant 0 : i32
      %dma_wait3A_40 = tpu.memref_slice %arg12[%add3A_11, %dma_wait3A] : memref<10240x128xf32, #tpu.memory_space<vmem_shared>> -> memref<64x128xf32, #tpu.memory_space<vmem_shared>>
      %dma_wait3A_41 = arith.constant 0 : i32
      %dma_wait3A_42 = tpu.memref_slice %arg12[%add3A_11, %dma_wait3A_41] : memref<10240x128xf32, #tpu.memory_space<vmem_shared>> -> memref<64x128xf32, #tpu.memory_space<vmem_shared>>
      tpu.wait_dma2 semaphore(%run_scoped3A : memref<!tpu.dma_semaphore, #tpu.memory_space<semaphore_mem>>) src(%arg8 : memref<64x128xf32, #tpu.memory_space<vmem>>) dst(%dma_wait3A_42 : memref<64x128xf32, #tpu.memory_space<vmem_shared>>)
      tpu.yield
    }) : () -> ()
    %add3A_12 = arith.constant 128 : i32
    %add3A_13 = arith.addi %mul3A_7, %add3A_12 : i32
    "tpu.region"() ({
      %run_scoped3A = tpu.sem_alloc : memref<!tpu.dma_semaphore, #tpu.memory_space<semaphore_mem>>
      %dma_start3A = arith.constant 0 : i32
      %dma_start3A_37 = tpu.memref_slice %arg12[%add3A_13, %dma_start3A] : memref<10240x128xf32, #tpu.memory_space<vmem_shared>> -> memref<64x128xf32, #tpu.memory_space<vmem_shared>>
      %dma_start3A_38 = arith.constant 0 : i32
      %dma_start3A_39 = tpu.memref_slice %arg12[%add3A_13, %dma_start3A_38] : memref<10240x128xf32, #tpu.memory_space<vmem_shared>> -> memref<64x128xf32, #tpu.memory_space<vmem_shared>>
      tpu.enqueue_dma source(%arg8 : memref<64x128xf32, #tpu.memory_space<vmem>>) target(%dma_start3A_39 : memref<64x128xf32, #tpu.memory_space<vmem_shared>>) target_semaphore(%run_scoped3A : memref<!tpu.dma_semaphore, #tpu.memory_space<semaphore_mem>>)
      %dma_wait3A = arith.constant 0 : i32
      %dma_wait3A_40 = tpu.memref_slice %arg12[%add3A_13, %dma_wait3A] : memref<10240x128xf32, #tpu.memory_space<vmem_shared>> -> memref<64x128xf32, #tpu.memory_space<vmem_shared>>
      %dma_wait3A_41 = arith.constant 0 : i32
      %dma_wait3A_42 = tpu.memref_slice %arg12[%add3A_13, %dma_wait3A_41] : memref<10240x128xf32, #tpu.memory_space<vmem_shared>> -> memref<64x128xf32, #tpu.memory_space<vmem_shared>>
      tpu.wait_dma2 semaphore(%run_scoped3A : memref<!tpu.dma_semaphore, #tpu.memory_space<semaphore_mem>>) src(%arg8 : memref<64x128xf32, #tpu.memory_space<vmem>>) dst(%dma_wait3A_42 : memref<64x128xf32, #tpu.memory_space<vmem_shared>>)
      tpu.yield
    }) : () -> ()
    %add3A_14 = arith.constant 192 : i32
    %add3A_15 = arith.addi %mul3A_7, %add3A_14 : i32
    "tpu.region"() ({
      %run_scoped3A = tpu.sem_alloc : memref<!tpu.dma_semaphore, #tpu.memory_space<semaphore_mem>>
      %dma_start3A = arith.constant 0 : i32
      %dma_start3A_37 = tpu.memref_slice %arg12[%add3A_15, %dma_start3A] : memref<10240x128xf32, #tpu.memory_space<vmem_shared>> -> memref<64x128xf32, #tpu.memory_space<vmem_shared>>
      %dma_start3A_38 = arith.constant 0 : i32
      %dma_start3A_39 = tpu.memref_slice %arg12[%add3A_15, %dma_start3A_38] : memref<10240x128xf32, #tpu.memory_space<vmem_shared>> -> memref<64x128xf32, #tpu.memory_space<vmem_shared>>
      tpu.enqueue_dma source(%arg8 : memref<64x128xf32, #tpu.memory_space<vmem>>) target(%dma_start3A_39 : memref<64x128xf32, #tpu.memory_space<vmem_shared>>) target_semaphore(%run_scoped3A : memref<!tpu.dma_semaphore, #tpu.memory_space<semaphore_mem>>)
      %dma_wait3A = arith.constant 0 : i32
      %dma_wait3A_40 = tpu.memref_slice %arg12[%add3A_15, %dma_wait3A] : memref<10240x128xf32, #tpu.memory_space<vmem_shared>> -> memref<64x128xf32, #tpu.memory_space<vmem_shared>>
      %dma_wait3A_41 = arith.constant 0 : i32
      %dma_wait3A_42 = tpu.memref_slice %arg12[%add3A_15, %dma_wait3A_41] : memref<10240x128xf32, #tpu.memory_space<vmem_shared>> -> memref<64x128xf32, #tpu.memory_space<vmem_shared>>
      tpu.wait_dma2 semaphore(%run_scoped3A : memref<!tpu.dma_semaphore, #tpu.memory_space<semaphore_mem>>) src(%arg8 : memref<64x128xf32, #tpu.memory_space<vmem>>) dst(%dma_wait3A_42 : memref<64x128xf32, #tpu.memory_space<vmem_shared>>)
      tpu.yield
    }) : () -> ()
    %add3A_16 = arith.constant 256 : i32
    %add3A_17 = arith.addi %mul3A_7, %add3A_16 : i32
    "tpu.region"() ({
      %run_scoped3A = tpu.sem_alloc : memref<!tpu.dma_semaphore, #tpu.memory_space<semaphore_mem>>
      %dma_start3A = arith.constant 0 : i32
      %dma_start3A_37 = tpu.memref_slice %arg12[%add3A_17, %dma_start3A] : memref<10240x128xf32, #tpu.memory_space<vmem_shared>> -> memref<64x128xf32, #tpu.memory_space<vmem_shared>>
      %dma_start3A_38 = arith.constant 0 : i32
      %dma_start3A_39 = tpu.memref_slice %arg12[%add3A_17, %dma_start3A_38] : memref<10240x128xf32, #tpu.memory_space<vmem_shared>> -> memref<64x128xf32, #tpu.memory_space<vmem_shared>>
      tpu.enqueue_dma source(%arg8 : memref<64x128xf32, #tpu.memory_space<vmem>>) target(%dma_start3A_39 : memref<64x128xf32, #tpu.memory_space<vmem_shared>>) target_semaphore(%run_scoped3A : memref<!tpu.dma_semaphore, #tpu.memory_space<semaphore_mem>>)
      %dma_wait3A = arith.constant 0 : i32
      %dma_wait3A_40 = tpu.memref_slice %arg12[%add3A_17, %dma_wait3A] : memref<10240x128xf32, #tpu.memory_space<vmem_shared>> -> memref<64x128xf32, #tpu.memory_space<vmem_shared>>
      %dma_wait3A_41 = arith.constant 0 : i32
      %dma_wait3A_42 = tpu.memref_slice %arg12[%add3A_17, %dma_wait3A_41] : memref<10240x128xf32, #tpu.memory_space<vmem_shared>> -> memref<64x128xf32, #tpu.memory_space<vmem_shared>>
      tpu.wait_dma2 semaphore(%run_scoped3A : memref<!tpu.dma_semaphore, #tpu.memory_space<semaphore_mem>>) src(%arg8 : memref<64x128xf32, #tpu.memory_space<vmem>>) dst(%dma_wait3A_42 : memref<64x128xf32, #tpu.memory_space<vmem_shared>>)
      tpu.yield
    }) : () -> ()
    %add3A_18 = arith.constant 320 : i32
    %add3A_19 = arith.addi %mul3A_7, %add3A_18 : i32
    "tpu.region"() ({
      %run_scoped3A = tpu.sem_alloc : memref<!tpu.dma_semaphore, #tpu.memory_space<semaphore_mem>>
      %dma_start3A = arith.constant 0 : i32
      %dma_start3A_37 = tpu.memref_slice %arg12[%add3A_19, %dma_start3A] : memref<10240x128xf32, #tpu.memory_space<vmem_shared>> -> memref<64x128xf32, #tpu.memory_space<vmem_shared>>
      %dma_start3A_38 = arith.constant 0 : i32
      %dma_start3A_39 = tpu.memref_slice %arg12[%add3A_19, %dma_start3A_38] : memref<10240x128xf32, #tpu.memory_space<vmem_shared>> -> memref<64x128xf32, #tpu.memory_space<vmem_shared>>
      tpu.enqueue_dma source(%arg8 : memref<64x128xf32, #tpu.memory_space<vmem>>) target(%dma_start3A_39 : memref<64x128xf32, #tpu.memory_space<vmem_shared>>) target_semaphore(%run_scoped3A : memref<!tpu.dma_semaphore, #tpu.memory_space<semaphore_mem>>)
      %dma_wait3A = arith.constant 0 : i32
      %dma_wait3A_40 = tpu.memref_slice %arg12[%add3A_19, %dma_wait3A] : memref<10240x128xf32, #tpu.memory_space<vmem_shared>> -> memref<64x128xf32, #tpu.memory_space<vmem_shared>>
      %dma_wait3A_41 = arith.constant 0 : i32
      %dma_wait3A_42 = tpu.memref_slice %arg12[%add3A_19, %dma_wait3A_41] : memref<10240x128xf32, #tpu.memory_space<vmem_shared>> -> memref<64x128xf32, #tpu.memory_space<vmem_shared>>
      tpu.wait_dma2 semaphore(%run_scoped3A : memref<!tpu.dma_semaphore, #tpu.memory_space<semaphore_mem>>) src(%arg8 : memref<64x128xf32, #tpu.memory_space<vmem>>) dst(%dma_wait3A_42 : memref<64x128xf32, #tpu.memory_space<vmem_shared>>)
      tpu.yield
    }) : () -> ()
    %add3A_20 = arith.constant 384 : i32
    %add3A_21 = arith.addi %mul3A_7, %add3A_20 : i32
    "tpu.region"() ({
      %run_scoped3A = tpu.sem_alloc : memref<!tpu.dma_semaphore, #tpu.memory_space<semaphore_mem>>
      %dma_start3A = arith.constant 0 : i32
      %dma_start3A_37 = tpu.memref_slice %arg12[%add3A_21, %dma_start3A] : memref<10240x128xf32, #tpu.memory_space<vmem_shared>> -> memref<64x128xf32, #tpu.memory_space<vmem_shared>>
      %dma_start3A_38 = arith.constant 0 : i32
      %dma_start3A_39 = tpu.memref_slice %arg12[%add3A_21, %dma_start3A_38] : memref<10240x128xf32, #tpu.memory_space<vmem_shared>> -> memref<64x128xf32, #tpu.memory_space<vmem_shared>>
      tpu.enqueue_dma source(%arg8 : memref<64x128xf32, #tpu.memory_space<vmem>>) target(%dma_start3A_39 : memref<64x128xf32, #tpu.memory_space<vmem_shared>>) target_semaphore(%run_scoped3A : memref<!tpu.dma_semaphore, #tpu.memory_space<semaphore_mem>>)
      %dma_wait3A = arith.constant 0 : i32
      %dma_wait3A_40 = tpu.memref_slice %arg12[%add3A_21, %dma_wait3A] : memref<10240x128xf32, #tpu.memory_space<vmem_shared>> -> memref<64x128xf32, #tpu.memory_space<vmem_shared>>
      %dma_wait3A_41 = arith.constant 0 : i32
      %dma_wait3A_42 = tpu.memref_slice %arg12[%add3A_21, %dma_wait3A_41] : memref<10240x128xf32, #tpu.memory_space<vmem_shared>> -> memref<64x128xf32, #tpu.memory_space<vmem_shared>>
      tpu.wait_dma2 semaphore(%run_scoped3A : memref<!tpu.dma_semaphore, #tpu.memory_space<semaphore_mem>>) src(%arg8 : memref<64x128xf32, #tpu.memory_space<vmem>>) dst(%dma_wait3A_42 : memref<64x128xf32, #tpu.memory_space<vmem_shared>>)
      tpu.yield
    }) : () -> ()
    %add3A_22 = arith.constant 448 : i32
    %add3A_23 = arith.addi %mul3A_7, %add3A_22 : i32
    "tpu.region"() ({
      %run_scoped3A = tpu.sem_alloc : memref<!tpu.dma_semaphore, #tpu.memory_space<semaphore_mem>>
      %dma_start3A = arith.constant 0 : i32
      %dma_start3A_37 = tpu.memref_slice %arg12[%add3A_23, %dma_start3A] : memref<10240x128xf32, #tpu.memory_space<vmem_shared>> -> memref<64x128xf32, #tpu.memory_space<vmem_shared>>
      %dma_start3A_38 = arith.constant 0 : i32
      %dma_start3A_39 = tpu.memref_slice %arg12[%add3A_23, %dma_start3A_38] : memref<10240x128xf32, #tpu.memory_space<vmem_shared>> -> memref<64x128xf32, #tpu.memory_space<vmem_shared>>
      tpu.enqueue_dma source(%arg8 : memref<64x128xf32, #tpu.memory_space<vmem>>) target(%dma_start3A_39 : memref<64x128xf32, #tpu.memory_space<vmem_shared>>) target_semaphore(%run_scoped3A : memref<!tpu.dma_semaphore, #tpu.memory_space<semaphore_mem>>)
      %dma_wait3A = arith.constant 0 : i32
      %dma_wait3A_40 = tpu.memref_slice %arg12[%add3A_23, %dma_wait3A] : memref<10240x128xf32, #tpu.memory_space<vmem_shared>> -> memref<64x128xf32, #tpu.memory_space<vmem_shared>>
      %dma_wait3A_41 = arith.constant 0 : i32
      %dma_wait3A_42 = tpu.memref_slice %arg12[%add3A_23, %dma_wait3A_41] : memref<10240x128xf32, #tpu.memory_space<vmem_shared>> -> memref<64x128xf32, #tpu.memory_space<vmem_shared>>
      tpu.wait_dma2 semaphore(%run_scoped3A : memref<!tpu.dma_semaphore, #tpu.memory_space<semaphore_mem>>) src(%arg8 : memref<64x128xf32, #tpu.memory_space<vmem>>) dst(%dma_wait3A_42 : memref<64x128xf32, #tpu.memory_space<vmem_shared>>)
      tpu.yield
    }) : () -> ()
    %add3A_24 = arith.constant 512 : i32
    %add3A_25 = arith.addi %mul3A_7, %add3A_24 : i32
    "tpu.region"() ({
      %run_scoped3A = tpu.sem_alloc : memref<!tpu.dma_semaphore, #tpu.memory_space<semaphore_mem>>
      %dma_start3A = arith.constant 0 : i32
      %dma_start3A_37 = tpu.memref_slice %arg12[%add3A_25, %dma_start3A] : memref<10240x128xf32, #tpu.memory_space<vmem_shared>> -> memref<64x128xf32, #tpu.memory_space<vmem_shared>>
      %dma_start3A_38 = arith.constant 0 : i32
      %dma_start3A_39 = tpu.memref_slice %arg12[%add3A_25, %dma_start3A_38] : memref<10240x128xf32, #tpu.memory_space<vmem_shared>> -> memref<64x128xf32, #tpu.memory_space<vmem_shared>>
      tpu.enqueue_dma source(%arg8 : memref<64x128xf32, #tpu.memory_space<vmem>>) target(%dma_start3A_39 : memref<64x128xf32, #tpu.memory_space<vmem_shared>>) target_semaphore(%run_scoped3A : memref<!tpu.dma_semaphore, #tpu.memory_space<semaphore_mem>>)
      %dma_wait3A = arith.constant 0 : i32
      %dma_wait3A_40 = tpu.memref_slice %arg12[%add3A_25, %dma_wait3A] : memref<10240x128xf32, #tpu.memory_space<vmem_shared>> -> memref<64x128xf32, #tpu.memory_space<vmem_shared>>
      %dma_wait3A_41 = arith.constant 0 : i32
      %dma_wait3A_42 = tpu.memref_slice %arg12[%add3A_25, %dma_wait3A_41] : memref<10240x128xf32, #tpu.memory_space<vmem_shared>> -> memref<64x128xf32, #tpu.memory_space<vmem_shared>>
      tpu.wait_dma2 semaphore(%run_scoped3A : memref<!tpu.dma_semaphore, #tpu.memory_space<semaphore_mem>>) src(%arg8 : memref<64x128xf32, #tpu.memory_space<vmem>>) dst(%dma_wait3A_42 : memref<64x128xf32, #tpu.memory_space<vmem_shared>>)
      tpu.yield
    }) : () -> ()
    %add3A_26 = arith.constant 576 : i32
    %add3A_27 = arith.addi %mul3A_7, %add3A_26 : i32
    "tpu.region"() ({
      %run_scoped3A = tpu.sem_alloc : memref<!tpu.dma_semaphore, #tpu.memory_space<semaphore_mem>>
      %dma_start3A = arith.constant 0 : i32
      %dma_start3A_37 = tpu.memref_slice %arg12[%add3A_27, %dma_start3A] : memref<10240x128xf32, #tpu.memory_space<vmem_shared>> -> memref<64x128xf32, #tpu.memory_space<vmem_shared>>
      %dma_start3A_38 = arith.constant 0 : i32
      %dma_start3A_39 = tpu.memref_slice %arg12[%add3A_27, %dma_start3A_38] : memref<10240x128xf32, #tpu.memory_space<vmem_shared>> -> memref<64x128xf32, #tpu.memory_space<vmem_shared>>
      tpu.enqueue_dma source(%arg8 : memref<64x128xf32, #tpu.memory_space<vmem>>) target(%dma_start3A_39 : memref<64x128xf32, #tpu.memory_space<vmem_shared>>) target_semaphore(%run_scoped3A : memref<!tpu.dma_semaphore, #tpu.memory_space<semaphore_mem>>)
      %dma_wait3A = arith.constant 0 : i32
      %dma_wait3A_40 = tpu.memref_slice %arg12[%add3A_27, %dma_wait3A] : memref<10240x128xf32, #tpu.memory_space<vmem_shared>> -> memref<64x128xf32, #tpu.memory_space<vmem_shared>>
      %dma_wait3A_41 = arith.constant 0 : i32
      %dma_wait3A_42 = tpu.memref_slice %arg12[%add3A_27, %dma_wait3A_41] : memref<10240x128xf32, #tpu.memory_space<vmem_shared>> -> memref<64x128xf32, #tpu.memory_space<vmem_shared>>
      tpu.wait_dma2 semaphore(%run_scoped3A : memref<!tpu.dma_semaphore, #tpu.memory_space<semaphore_mem>>) src(%arg8 : memref<64x128xf32, #tpu.memory_space<vmem>>) dst(%dma_wait3A_42 : memref<64x128xf32, #tpu.memory_space<vmem_shared>>)
      tpu.yield
    }) : () -> ()
    %barrier3A = arith.constant 0 : index
    tpu.barrier barrier_id(%barrier3A)
    %scan3A_28 = arith.constant 0 : i32
    %scan3A_29 = arith.constant 0 : i32
    %scan3A_30 = arith.constant 4 : i32
    %scan3A_31 = arith.addi %scan3A_29, %scan3A_30 : i32
    %scan3A_32 = arith.constant 1 : i32
    scf.for %scan3A_37 = %scan3A_29 to %scan3A_31 step %scan3A_32  : i32 {
      %mul3A_38 = arith.constant 40 : i32
      %mul3A_39 = arith.muli %scan3A_37, %mul3A_38 : i32
      "tpu.region"() ({
        %run_scoped3A = tpu.sem_alloc : memref<!tpu.dma_semaphore, #tpu.memory_space<semaphore_mem>>
        %dma_start3A_116 = arith.constant 0 : i32
        %dma_start3A_117 = tpu.memref_slice %arg2[%add3A, %mul3A_39, %dma_start3A_116] : memref<32x160x64xi32, #tpu.memory_space<hbm>> -> memref<1x40x64xi32, #tpu.memory_space<hbm>>
        %dma_start3A_118 = tpu.memref_squeeze %dma_start3A_117 : memref<1x40x64xi32, #tpu.memory_space<hbm>> -> memref<40x64xi32, #tpu.memory_space<hbm>>
        %dma_start3A_119 = arith.constant 0 : i32
        %dma_start3A_120 = tpu.memref_slice %arg2[%add3A, %mul3A_39, %dma_start3A_119] : memref<32x160x64xi32, #tpu.memory_space<hbm>> -> memref<1x40x64xi32, #tpu.memory_space<hbm>>
        %dma_start3A_121 = tpu.memref_squeeze %dma_start3A_120 : memref<1x40x64xi32, #tpu.memory_space<hbm>> -> memref<40x64xi32, #tpu.memory_space<hbm>>
        tpu.enqueue_dma source(%dma_start3A_121 : memref<40x64xi32, #tpu.memory_space<hbm>>) target(%arg6 : memref<40x64xi32, #tpu.memory_space<vmem>>) target_semaphore(%run_scoped3A : memref<!tpu.dma_semaphore, #tpu.memory_space<semaphore_mem>>)
        %dma_wait3A_122 = arith.constant 0 : i32
        %dma_wait3A_123 = tpu.memref_slice %arg2[%add3A, %mul3A_39, %dma_wait3A_122] : memref<32x160x64xi32, #tpu.memory_space<hbm>> -> memref<1x40x64xi32, #tpu.memory_space<hbm>>
        %dma_wait3A_124 = tpu.memref_squeeze %dma_wait3A_123 : memref<1x40x64xi32, #tpu.memory_space<hbm>> -> memref<40x64xi32, #tpu.memory_space<hbm>>
        %dma_wait3A_125 = arith.constant 0 : i32
        %dma_wait3A_126 = tpu.memref_slice %arg2[%add3A, %mul3A_39, %dma_wait3A_125] : memref<32x160x64xi32, #tpu.memory_space<hbm>> -> memref<1x40x64xi32, #tpu.memory_space<hbm>>
        %dma_wait3A_127 = tpu.memref_squeeze %dma_wait3A_126 : memref<1x40x64xi32, #tpu.memory_space<hbm>> -> memref<40x64xi32, #tpu.memory_space<hbm>>
        tpu.wait_dma2 semaphore(%run_scoped3A : memref<!tpu.dma_semaphore, #tpu.memory_space<semaphore_mem>>) src(%dma_wait3A_127 : memref<40x64xi32, #tpu.memory_space<hbm>>) dst(%arg6 : memref<40x64xi32, #tpu.memory_space<vmem>>)
        tpu.yield
      }) : () -> ()
      %mul3A_40 = arith.constant 40 : i32
      %mul3A_41 = arith.muli %scan3A_37, %mul3A_40 : i32
      "tpu.region"() ({
        %run_scoped3A = tpu.sem_alloc : memref<!tpu.dma_semaphore, #tpu.memory_space<semaphore_mem>>
        %dma_start3A_116 = arith.constant 0 : i32
        %dma_start3A_117 = tpu.memref_slice %arg3[%add3A, %mul3A_41, %dma_start3A_116] : memref<32x160x64xi32, #tpu.memory_space<hbm>> -> memref<1x40x64xi32, #tpu.memory_space<hbm>>
        %dma_start3A_118 = tpu.memref_squeeze %dma_start3A_117 : memref<1x40x64xi32, #tpu.memory_space<hbm>> -> memref<40x64xi32, #tpu.memory_space<hbm>>
        %dma_start3A_119 = arith.constant 0 : i32
        %dma_start3A_120 = tpu.memref_slice %arg3[%add3A, %mul3A_41, %dma_start3A_119] : memref<32x160x64xi32, #tpu.memory_space<hbm>> -> memref<1x40x64xi32, #tpu.memory_space<hbm>>
        %dma_start3A_121 = tpu.memref_squeeze %dma_start3A_120 : memref<1x40x64xi32, #tpu.memory_space<hbm>> -> memref<40x64xi32, #tpu.memory_space<hbm>>
        tpu.enqueue_dma source(%dma_start3A_121 : memref<40x64xi32, #tpu.memory_space<hbm>>) target(%arg7 : memref<40x64xi32, #tpu.memory_space<vmem>>) target_semaphore(%run_scoped3A : memref<!tpu.dma_semaphore, #tpu.memory_space<semaphore_mem>>)
        %dma_wait3A_122 = arith.constant 0 : i32
        %dma_wait3A_123 = tpu.memref_slice %arg3[%add3A, %mul3A_41, %dma_wait3A_122] : memref<32x160x64xi32, #tpu.memory_space<hbm>> -> memref<1x40x64xi32, #tpu.memory_space<hbm>>
        %dma_wait3A_124 = tpu.memref_squeeze %dma_wait3A_123 : memref<1x40x64xi32, #tpu.memory_space<hbm>> -> memref<40x64xi32, #tpu.memory_space<hbm>>
        %dma_wait3A_125 = arith.constant 0 : i32
        %dma_wait3A_126 = tpu.memref_slice %arg3[%add3A, %mul3A_41, %dma_wait3A_125] : memref<32x160x64xi32, #tpu.memory_space<hbm>> -> memref<1x40x64xi32, #tpu.memory_space<hbm>>
        %dma_wait3A_127 = tpu.memref_squeeze %dma_wait3A_126 : memref<1x40x64xi32, #tpu.memory_space<hbm>> -> memref<40x64xi32, #tpu.memory_space<hbm>>
        tpu.wait_dma2 semaphore(%run_scoped3A : memref<!tpu.dma_semaphore, #tpu.memory_space<semaphore_mem>>) src(%dma_wait3A_127 : memref<40x64xi32, #tpu.memory_space<hbm>>) dst(%arg7 : memref<40x64xi32, #tpu.memory_space<vmem>>)
        tpu.yield
      }) : () -> ()
      %scan3A_42 = arith.constant 0 : i32
      %scan3A_43 = arith.constant 0 : i32
      %scan3A_44 = arith.constant 10 : i32
      %scan3A_45 = arith.addi %scan3A_43, %scan3A_44 : i32
      %scan3A_46 = arith.constant 1 : i32
      scf.for %scan3A_116 = %scan3A_43 to %scan3A_45 step %scan3A_46  : i32 {
        %mul3A_117 = arith.constant 4 : i32
        %mul3A_118 = arith.muli %scan3A_116, %mul3A_117 : i32
        %add3A_119 = arith.constant 0 : i32
        %add3A_120 = arith.addi %mul3A_118, %add3A_119 : i32
        %gt3A = arith.constant 0 : i32
        %gt3A_121 = arith.cmpi sgt, %scan3A_116, %gt3A : i32
        %convert_element_type3A = arith.extui %gt3A_121 : i1 to i32
        %cond3A = arith.constant 0 : i32
        %cond3A_122 = arith.cmpi ne, %convert_element_type3A, %cond3A : i32
        scf.if %cond3A_122 {
          %sub3A_200 = arith.constant 4 : i32
          %sub3A_201 = arith.subi %add3A_120, %sub3A_200 : i32
          %dma_wait3A_202 = arith.constant 0 : i32
          %dma_wait3A_203 = tpu.memref_slice %arg7[%sub3A_201, %dma_wait3A_202] : memref<40x64xi32, #tpu.memory_space<vmem>> -> memref<1x64xi32, #tpu.memory_space<vmem>>
          %dma_wait3A_204 = tpu.memref_squeeze %dma_wait3A_203 : memref<1x64xi32, #tpu.memory_space<vmem>> -> memref<64xi32, #tpu.memory_space<vmem>>
          %dma_wait3A_205 = arith.constant 0 : i32
          %dma_wait3A_206 = arith.constant 0 : i32
          %dma_wait3A_207 = tpu.memref_slice %arg12[%dma_wait3A_205, %dma_wait3A_206] : memref<10240x128xf32, #tpu.memory_space<vmem_shared>> -> memref<10240x128xf32, #tpu.memory_space<vmem_shared>>
          tpu.wait_indirect_dma semaphore(%arg17 : memref<!tpu.dma_semaphore, #tpu.memory_space<semaphore_mem>>) src(%arg8 : memref<64x128xf32, #tpu.memory_space<vmem>>) dst(%dma_wait3A_207 : memref<10240x128xf32, #tpu.memory_space<vmem_shared>>)
        } else {
        }
        %dma_start3A_123 = arith.constant 0 : i32
        %dma_start3A_124 = tpu.memref_slice %arg6[%add3A_120, %dma_start3A_123] : memref<40x64xi32, #tpu.memory_space<vmem>> -> memref<1x64xi32, #tpu.memory_space<vmem>>
        %dma_start3A_125 = tpu.memref_squeeze %dma_start3A_124 : memref<1x64xi32, #tpu.memory_space<vmem>> -> memref<64xi32, #tpu.memory_space<vmem>>
        %dma_start3A_126 = arith.constant 0 : i32
        %dma_start3A_127 = arith.constant 0 : i32
        %dma_start3A_128 = tpu.memref_slice %arg4[%dma_start3A_126, %dma_start3A_127] : memref<10000x128xf32, #tpu.memory_space<hbm>> -> memref<10000x128xf32, #tpu.memory_space<hbm>>
        tpu.enqueue_indirect_dma source(%dma_start3A_128 : memref<10000x128xf32, #tpu.memory_space<hbm>>) target(%arg8 : memref<64x128xf32, #tpu.memory_space<vmem>>) offsets(%dma_start3A_125 : memref<64xi32, #tpu.memory_space<vmem>>) semaphore(%arg13 : memref<!tpu.dma_semaphore, #tpu.memory_space<semaphore_mem>>)
        %sub3A = arith.constant 3 : i32
        %sub3A_129 = arith.subi %add3A_120, %sub3A : i32
        %ge3A = arith.constant 0 : i32
        %ge3A_130 = arith.cmpi sge, %sub3A_129, %ge3A : i32
        %convert_element_type3A_131 = arith.extui %ge3A_130 : i1 to i32
        %cond3A_132 = arith.constant 0 : i32
        %cond3A_133 = arith.cmpi ne, %convert_element_type3A_131, %cond3A_132 : i32
        scf.if %cond3A_133 {
          %dma_wait3A_200 = arith.constant 0 : i32
          %dma_wait3A_201 = tpu.memref_slice %arg6[%sub3A_129, %dma_wait3A_200] : memref<40x64xi32, #tpu.memory_space<vmem>> -> memref<1x64xi32, #tpu.memory_space<vmem>>
          %dma_wait3A_202 = tpu.memref_squeeze %dma_wait3A_201 : memref<1x64xi32, #tpu.memory_space<vmem>> -> memref<64xi32, #tpu.memory_space<vmem>>
          %dma_wait3A_203 = arith.constant 0 : i32
          %dma_wait3A_204 = arith.constant 0 : i32
          %dma_wait3A_205 = tpu.memref_slice %arg4[%dma_wait3A_203, %dma_wait3A_204] : memref<10000x128xf32, #tpu.memory_space<hbm>> -> memref<10000x128xf32, #tpu.memory_space<hbm>>
          tpu.wait_indirect_dma semaphore(%arg14 : memref<!tpu.dma_semaphore, #tpu.memory_space<semaphore_mem>>) src(%dma_wait3A_205 : memref<10000x128xf32, #tpu.memory_space<hbm>>) dst(%arg9 : memref<64x128xf32, #tpu.memory_space<vmem>>)
          %dma_start3A_206 = arith.constant 0 : i32
          %dma_start3A_207 = tpu.memref_slice %arg7[%sub3A_129, %dma_start3A_206] : memref<40x64xi32, #tpu.memory_space<vmem>> -> memref<1x64xi32, #tpu.memory_space<vmem>>
          %dma_start3A_208 = tpu.memref_squeeze %dma_start3A_207 : memref<1x64xi32, #tpu.memory_space<vmem>> -> memref<64xi32, #tpu.memory_space<vmem>>
          %dma_start3A_209 = arith.constant 0 : i32
          %dma_start3A_210 = arith.constant 0 : i32
          %dma_start3A_211 = tpu.memref_slice %arg12[%dma_start3A_209, %dma_start3A_210] : memref<10240x128xf32, #tpu.memory_space<vmem_shared>> -> memref<10240x128xf32, #tpu.memory_space<vmem_shared>>
          tpu.enqueue_indirect_dma source(%arg9 : memref<64x128xf32, #tpu.memory_space<vmem>>) target(%dma_start3A_211 : memref<10240x128xf32, #tpu.memory_space<vmem_shared>>) offsets(%dma_start3A_208 : memref<64xi32, #tpu.memory_space<vmem>>) semaphore(%arg18 : memref<!tpu.dma_semaphore, #tpu.memory_space<semaphore_mem>>) {add = true}
        } else {
        }
        %mul3A_134 = arith.constant 4 : i32
        %mul3A_135 = arith.muli %scan3A_116, %mul3A_134 : i32
        %add3A_136 = arith.constant 1 : i32
        %add3A_137 = arith.addi %mul3A_135, %add3A_136 : i32
        %gt3A_138 = arith.constant 0 : i32
        %gt3A_139 = arith.cmpi sgt, %scan3A_116, %gt3A_138 : i32
        %convert_element_type3A_140 = arith.extui %gt3A_139 : i1 to i32
        %cond3A_141 = arith.constant 0 : i32
        %cond3A_142 = arith.cmpi ne, %convert_element_type3A_140, %cond3A_141 : i32
        scf.if %cond3A_142 {
          %sub3A_200 = arith.constant 4 : i32
          %sub3A_201 = arith.subi %add3A_137, %sub3A_200 : i32
          %dma_wait3A_202 = arith.constant 0 : i32
          %dma_wait3A_203 = tpu.memref_slice %arg7[%sub3A_201, %dma_wait3A_202] : memref<40x64xi32, #tpu.memory_space<vmem>> -> memref<1x64xi32, #tpu.memory_space<vmem>>
          %dma_wait3A_204 = tpu.memref_squeeze %dma_wait3A_203 : memref<1x64xi32, #tpu.memory_space<vmem>> -> memref<64xi32, #tpu.memory_space<vmem>>
          %dma_wait3A_205 = arith.constant 0 : i32
          %dma_wait3A_206 = arith.constant 0 : i32
          %dma_wait3A_207 = tpu.memref_slice %arg12[%dma_wait3A_205, %dma_wait3A_206] : memref<10240x128xf32, #tpu.memory_space<vmem_shared>> -> memref<10240x128xf32, #tpu.memory_space<vmem_shared>>
          tpu.wait_indirect_dma semaphore(%arg18 : memref<!tpu.dma_semaphore, #tpu.memory_space<semaphore_mem>>) src(%arg9 : memref<64x128xf32, #tpu.memory_space<vmem>>) dst(%dma_wait3A_207 : memref<10240x128xf32, #tpu.memory_space<vmem_shared>>)
        } else {
        }
        %dma_start3A_143 = arith.constant 0 : i32
        %dma_start3A_144 = tpu.memref_slice %arg6[%add3A_137, %dma_start3A_143] : memref<40x64xi32, #tpu.memory_space<vmem>> -> memref<1x64xi32, #tpu.memory_space<vmem>>
        %dma_start3A_145 = tpu.memref_squeeze %dma_start3A_144 : memref<1x64xi32, #tpu.memory_space<vmem>> -> memref<64xi32, #tpu.memory_space<vmem>>
        %dma_start3A_146 = arith.constant 0 : i32
        %dma_start3A_147 = arith.constant 0 : i32
        %dma_start3A_148 = tpu.memref_slice %arg4[%dma_start3A_146, %dma_start3A_147] : memref<10000x128xf32, #tpu.memory_space<hbm>> -> memref<10000x128xf32, #tpu.memory_space<hbm>>
        tpu.enqueue_indirect_dma source(%dma_start3A_148 : memref<10000x128xf32, #tpu.memory_space<hbm>>) target(%arg9 : memref<64x128xf32, #tpu.memory_space<vmem>>) offsets(%dma_start3A_145 : memref<64xi32, #tpu.memory_space<vmem>>) semaphore(%arg14 : memref<!tpu.dma_semaphore, #tpu.memory_space<semaphore_mem>>)
        %sub3A_149 = arith.constant 3 : i32
        %sub3A_150 = arith.subi %add3A_137, %sub3A_149 : i32
        %ge3A_151 = arith.constant 0 : i32
        %ge3A_152 = arith.cmpi sge, %sub3A_150, %ge3A_151 : i32
        %convert_element_type3A_153 = arith.extui %ge3A_152 : i1 to i32
        %cond3A_154 = arith.constant 0 : i32
        %cond3A_155 = arith.cmpi ne, %convert_element_type3A_153, %cond3A_154 : i32
        scf.if %cond3A_155 {
          %dma_wait3A_200 = arith.constant 0 : i32
          %dma_wait3A_201 = tpu.memref_slice %arg6[%sub3A_150, %dma_wait3A_200] : memref<40x64xi32, #tpu.memory_space<vmem>> -> memref<1x64xi32, #tpu.memory_space<vmem>>
          %dma_wait3A_202 = tpu.memref_squeeze %dma_wait3A_201 : memref<1x64xi32, #tpu.memory_space<vmem>> -> memref<64xi32, #tpu.memory_space<vmem>>
          %dma_wait3A_203 = arith.constant 0 : i32
          %dma_wait3A_204 = arith.constant 0 : i32
          %dma_wait3A_205 = tpu.memref_slice %arg4[%dma_wait3A_203, %dma_wait3A_204] : memref<10000x128xf32, #tpu.memory_space<hbm>> -> memref<10000x128xf32, #tpu.memory_space<hbm>>
          tpu.wait_indirect_dma semaphore(%arg15 : memref<!tpu.dma_semaphore, #tpu.memory_space<semaphore_mem>>) src(%dma_wait3A_205 : memref<10000x128xf32, #tpu.memory_space<hbm>>) dst(%arg10 : memref<64x128xf32, #tpu.memory_space<vmem>>)
          %dma_start3A_206 = arith.constant 0 : i32
          %dma_start3A_207 = tpu.memref_slice %arg7[%sub3A_150, %dma_start3A_206] : memref<40x64xi32, #tpu.memory_space<vmem>> -> memref<1x64xi32, #tpu.memory_space<vmem>>
          %dma_start3A_208 = tpu.memref_squeeze %dma_start3A_207 : memref<1x64xi32, #tpu.memory_space<vmem>> -> memref<64xi32, #tpu.memory_space<vmem>>
          %dma_start3A_209 = arith.constant 0 : i32
          %dma_start3A_210 = arith.constant 0 : i32
          %dma_start3A_211 = tpu.memref_slice %arg12[%dma_start3A_209, %dma_start3A_210] : memref<10240x128xf32, #tpu.memory_space<vmem_shared>> -> memref<10240x128xf32, #tpu.memory_space<vmem_shared>>
          tpu.enqueue_indirect_dma source(%arg10 : memref<64x128xf32, #tpu.memory_space<vmem>>) target(%dma_start3A_211 : memref<10240x128xf32, #tpu.memory_space<vmem_shared>>) offsets(%dma_start3A_208 : memref<64xi32, #tpu.memory_space<vmem>>) semaphore(%arg19 : memref<!tpu.dma_semaphore, #tpu.memory_space<semaphore_mem>>) {add = true}
        } else {
        }
        %mul3A_156 = arith.constant 4 : i32
        %mul3A_157 = arith.muli %scan3A_116, %mul3A_156 : i32
        %add3A_158 = arith.constant 2 : i32
        %add3A_159 = arith.addi %mul3A_157, %add3A_158 : i32
        %gt3A_160 = arith.constant 0 : i32
        %gt3A_161 = arith.cmpi sgt, %scan3A_116, %gt3A_160 : i32
        %convert_element_type3A_162 = arith.extui %gt3A_161 : i1 to i32
        %cond3A_163 = arith.constant 0 : i32
        %cond3A_164 = arith.cmpi ne, %convert_element_type3A_162, %cond3A_163 : i32
        scf.if %cond3A_164 {
          %sub3A_200 = arith.constant 4 : i32
          %sub3A_201 = arith.subi %add3A_159, %sub3A_200 : i32
          %dma_wait3A_202 = arith.constant 0 : i32
          %dma_wait3A_203 = tpu.memref_slice %arg7[%sub3A_201, %dma_wait3A_202] : memref<40x64xi32, #tpu.memory_space<vmem>> -> memref<1x64xi32, #tpu.memory_space<vmem>>
          %dma_wait3A_204 = tpu.memref_squeeze %dma_wait3A_203 : memref<1x64xi32, #tpu.memory_space<vmem>> -> memref<64xi32, #tpu.memory_space<vmem>>
          %dma_wait3A_205 = arith.constant 0 : i32
          %dma_wait3A_206 = arith.constant 0 : i32
          %dma_wait3A_207 = tpu.memref_slice %arg12[%dma_wait3A_205, %dma_wait3A_206] : memref<10240x128xf32, #tpu.memory_space<vmem_shared>> -> memref<10240x128xf32, #tpu.memory_space<vmem_shared>>
          tpu.wait_indirect_dma semaphore(%arg19 : memref<!tpu.dma_semaphore, #tpu.memory_space<semaphore_mem>>) src(%arg10 : memref<64x128xf32, #tpu.memory_space<vmem>>) dst(%dma_wait3A_207 : memref<10240x128xf32, #tpu.memory_space<vmem_shared>>)
        } else {
        }
        %dma_start3A_165 = arith.constant 0 : i32
        %dma_start3A_166 = tpu.memref_slice %arg6[%add3A_159, %dma_start3A_165] : memref<40x64xi32, #tpu.memory_space<vmem>> -> memref<1x64xi32, #tpu.memory_space<vmem>>
        %dma_start3A_167 = tpu.memref_squeeze %dma_start3A_166 : memref<1x64xi32, #tpu.memory_space<vmem>> -> memref<64xi32, #tpu.memory_space<vmem>>
        %dma_start3A_168 = arith.constant 0 : i32
        %dma_start3A_169 = arith.constant 0 : i32
        %dma_start3A_170 = tpu.memref_slice %arg4[%dma_start3A_168, %dma_start3A_169] : memref<10000x128xf32, #tpu.memory_space<hbm>> -> memref<10000x128xf32, #tpu.memory_space<hbm>>
        tpu.enqueue_indirect_dma source(%dma_start3A_170 : memref<10000x128xf32, #tpu.memory_space<hbm>>) target(%arg10 : memref<64x128xf32, #tpu.memory_space<vmem>>) offsets(%dma_start3A_167 : memref<64xi32, #tpu.memory_space<vmem>>) semaphore(%arg15 : memref<!tpu.dma_semaphore, #tpu.memory_space<semaphore_mem>>)
        %sub3A_171 = arith.constant 3 : i32
        %sub3A_172 = arith.subi %add3A_159, %sub3A_171 : i32
        %ge3A_173 = arith.constant 0 : i32
        %ge3A_174 = arith.cmpi sge, %sub3A_172, %ge3A_173 : i32
        %convert_element_type3A_175 = arith.extui %ge3A_174 : i1 to i32
        %cond3A_176 = arith.constant 0 : i32
        %cond3A_177 = arith.cmpi ne, %convert_element_type3A_175, %cond3A_176 : i32
        scf.if %cond3A_177 {
          %dma_wait3A_200 = arith.constant 0 : i32
          %dma_wait3A_201 = tpu.memref_slice %arg6[%sub3A_172, %dma_wait3A_200] : memref<40x64xi32, #tpu.memory_space<vmem>> -> memref<1x64xi32, #tpu.memory_space<vmem>>
          %dma_wait3A_202 = tpu.memref_squeeze %dma_wait3A_201 : memref<1x64xi32, #tpu.memory_space<vmem>> -> memref<64xi32, #tpu.memory_space<vmem>>
          %dma_wait3A_203 = arith.constant 0 : i32
          %dma_wait3A_204 = arith.constant 0 : i32
          %dma_wait3A_205 = tpu.memref_slice %arg4[%dma_wait3A_203, %dma_wait3A_204] : memref<10000x128xf32, #tpu.memory_space<hbm>> -> memref<10000x128xf32, #tpu.memory_space<hbm>>
          tpu.wait_indirect_dma semaphore(%arg16 : memref<!tpu.dma_semaphore, #tpu.memory_space<semaphore_mem>>) src(%dma_wait3A_205 : memref<10000x128xf32, #tpu.memory_space<hbm>>) dst(%arg11 : memref<64x128xf32, #tpu.memory_space<vmem>>)
          %dma_start3A_206 = arith.constant 0 : i32
          %dma_start3A_207 = tpu.memref_slice %arg7[%sub3A_172, %dma_start3A_206] : memref<40x64xi32, #tpu.memory_space<vmem>> -> memref<1x64xi32, #tpu.memory_space<vmem>>
          %dma_start3A_208 = tpu.memref_squeeze %dma_start3A_207 : memref<1x64xi32, #tpu.memory_space<vmem>> -> memref<64xi32, #tpu.memory_space<vmem>>
          %dma_start3A_209 = arith.constant 0 : i32
          %dma_start3A_210 = arith.constant 0 : i32
          %dma_start3A_211 = tpu.memref_slice %arg12[%dma_start3A_209, %dma_start3A_210] : memref<10240x128xf32, #tpu.memory_space<vmem_shared>> -> memref<10240x128xf32, #tpu.memory_space<vmem_shared>>
          tpu.enqueue_indirect_dma source(%arg11 : memref<64x128xf32, #tpu.memory_space<vmem>>) target(%dma_start3A_211 : memref<10240x128xf32, #tpu.memory_space<vmem_shared>>) offsets(%dma_start3A_208 : memref<64xi32, #tpu.memory_space<vmem>>) semaphore(%arg20 : memref<!tpu.dma_semaphore, #tpu.memory_space<semaphore_mem>>) {add = true}
        } else {
        }
        %mul3A_178 = arith.constant 4 : i32
        %mul3A_179 = arith.muli %scan3A_116, %mul3A_178 : i32
        %add3A_180 = arith.constant 3 : i32
        %add3A_181 = arith.addi %mul3A_179, %add3A_180 : i32
        %gt3A_182 = arith.constant 0 : i32
        %gt3A_183 = arith.cmpi sgt, %scan3A_116, %gt3A_182 : i32
        %convert_element_type3A_184 = arith.extui %gt3A_183 : i1 to i32
        %cond3A_185 = arith.constant 0 : i32
        %cond3A_186 = arith.cmpi ne, %convert_element_type3A_184, %cond3A_185 : i32
        scf.if %cond3A_186 {
          %sub3A_200 = arith.constant 4 : i32
          %sub3A_201 = arith.subi %add3A_181, %sub3A_200 : i32
          %dma_wait3A_202 = arith.constant 0 : i32
          %dma_wait3A_203 = tpu.memref_slice %arg7[%sub3A_201, %dma_wait3A_202] : memref<40x64xi32, #tpu.memory_space<vmem>> -> memref<1x64xi32, #tpu.memory_space<vmem>>
          %dma_wait3A_204 = tpu.memref_squeeze %dma_wait3A_203 : memref<1x64xi32, #tpu.memory_space<vmem>> -> memref<64xi32, #tpu.memory_space<vmem>>
          %dma_wait3A_205 = arith.constant 0 : i32
          %dma_wait3A_206 = arith.constant 0 : i32
          %dma_wait3A_207 = tpu.memref_slice %arg12[%dma_wait3A_205, %dma_wait3A_206] : memref<10240x128xf32, #tpu.memory_space<vmem_shared>> -> memref<10240x128xf32, #tpu.memory_space<vmem_shared>>
          tpu.wait_indirect_dma semaphore(%arg20 : memref<!tpu.dma_semaphore, #tpu.memory_space<semaphore_mem>>) src(%arg11 : memref<64x128xf32, #tpu.memory_space<vmem>>) dst(%dma_wait3A_207 : memref<10240x128xf32, #tpu.memory_space<vmem_shared>>)
        } else {
        }
        %dma_start3A_187 = arith.constant 0 : i32
        %dma_start3A_188 = tpu.memref_slice %arg6[%add3A_181, %dma_start3A_187] : memref<40x64xi32, #tpu.memory_space<vmem>> -> memref<1x64xi32, #tpu.memory_space<vmem>>
        %dma_start3A_189 = tpu.memref_squeeze %dma_start3A_188 : memref<1x64xi32, #tpu.memory_space<vmem>> -> memref<64xi32, #tpu.memory_space<vmem>>
        %dma_start3A_190 = arith.constant 0 : i32
        %dma_start3A_191 = arith.constant 0 : i32
        %dma_start3A_192 = tpu.memref_slice %arg4[%dma_start3A_190, %dma_start3A_191] : memref<10000x128xf32, #tpu.memory_space<hbm>> -> memref<10000x128xf32, #tpu.memory_space<hbm>>
        tpu.enqueue_indirect_dma source(%dma_start3A_192 : memref<10000x128xf32, #tpu.memory_space<hbm>>) target(%arg11 : memref<64x128xf32, #tpu.memory_space<vmem>>) offsets(%dma_start3A_189 : memref<64xi32, #tpu.memory_space<vmem>>) semaphore(%arg16 : memref<!tpu.dma_semaphore, #tpu.memory_space<semaphore_mem>>)
        %sub3A_193 = arith.constant 3 : i32
        %sub3A_194 = arith.subi %add3A_181, %sub3A_193 : i32
        %ge3A_195 = arith.constant 0 : i32
        %ge3A_196 = arith.cmpi sge, %sub3A_194, %ge3A_195 : i32
        %convert_element_type3A_197 = arith.extui %ge3A_196 : i1 to i32
        %cond3A_198 = arith.constant 0 : i32
        %cond3A_199 = arith.cmpi ne, %convert_element_type3A_197, %cond3A_198 : i32
        scf.if %cond3A_199 {
          %dma_wait3A_200 = arith.constant 0 : i32
          %dma_wait3A_201 = tpu.memref_slice %arg6[%sub3A_194, %dma_wait3A_200] : memref<40x64xi32, #tpu.memory_space<vmem>> -> memref<1x64xi32, #tpu.memory_space<vmem>>
          %dma_wait3A_202 = tpu.memref_squeeze %dma_wait3A_201 : memref<1x64xi32, #tpu.memory_space<vmem>> -> memref<64xi32, #tpu.memory_space<vmem>>
          %dma_wait3A_203 = arith.constant 0 : i32
          %dma_wait3A_204 = arith.constant 0 : i32
          %dma_wait3A_205 = tpu.memref_slice %arg4[%dma_wait3A_203, %dma_wait3A_204] : memref<10000x128xf32, #tpu.memory_space<hbm>> -> memref<10000x128xf32, #tpu.memory_space<hbm>>
          tpu.wait_indirect_dma semaphore(%arg13 : memref<!tpu.dma_semaphore, #tpu.memory_space<semaphore_mem>>) src(%dma_wait3A_205 : memref<10000x128xf32, #tpu.memory_space<hbm>>) dst(%arg8 : memref<64x128xf32, #tpu.memory_space<vmem>>)
          %dma_start3A_206 = arith.constant 0 : i32
          %dma_start3A_207 = tpu.memref_slice %arg7[%sub3A_194, %dma_start3A_206] : memref<40x64xi32, #tpu.memory_space<vmem>> -> memref<1x64xi32, #tpu.memory_space<vmem>>
          %dma_start3A_208 = tpu.memref_squeeze %dma_start3A_207 : memref<1x64xi32, #tpu.memory_space<vmem>> -> memref<64xi32, #tpu.memory_space<vmem>>
          %dma_start3A_209 = arith.constant 0 : i32
          %dma_start3A_210 = arith.constant 0 : i32
          %dma_start3A_211 = tpu.memref_slice %arg12[%dma_start3A_209, %dma_start3A_210] : memref<10240x128xf32, #tpu.memory_space<vmem_shared>> -> memref<10240x128xf32, #tpu.memory_space<vmem_shared>>
          tpu.enqueue_indirect_dma source(%arg8 : memref<64x128xf32, #tpu.memory_space<vmem>>) target(%dma_start3A_211 : memref<10240x128xf32, #tpu.memory_space<vmem_shared>>) offsets(%dma_start3A_208 : memref<64xi32, #tpu.memory_space<vmem>>) semaphore(%arg17 : memref<!tpu.dma_semaphore, #tpu.memory_space<semaphore_mem>>) {add = true}
        } else {
        }
      }
      %scan3A_47 = arith.constant 10 : i32
      %dma_wait3A = arith.constant 37 : i32
      %dma_wait3A_48 = arith.constant 0 : i32
      %dma_wait3A_49 = tpu.memref_slice %arg6[%dma_wait3A, %dma_wait3A_48] : memref<40x64xi32, #tpu.memory_space<vmem>> -> memref<1x64xi32, #tpu.memory_space<vmem>>
      %dma_wait3A_50 = tpu.memref_squeeze %dma_wait3A_49 : memref<1x64xi32, #tpu.memory_space<vmem>> -> memref<64xi32, #tpu.memory_space<vmem>>
      %dma_wait3A_51 = arith.constant 0 : i32
      %dma_wait3A_52 = arith.constant 0 : i32
      %dma_wait3A_53 = tpu.memref_slice %arg4[%dma_wait3A_51, %dma_wait3A_52] : memref<10000x128xf32, #tpu.memory_space<hbm>> -> memref<10000x128xf32, #tpu.memory_space<hbm>>
      tpu.wait_indirect_dma semaphore(%arg14 : memref<!tpu.dma_semaphore, #tpu.memory_space<semaphore_mem>>) src(%dma_wait3A_53 : memref<10000x128xf32, #tpu.memory_space<hbm>>) dst(%arg9 : memref<64x128xf32, #tpu.memory_space<vmem>>)
      %dma_start3A = arith.constant 37 : i32
      %dma_start3A_54 = arith.constant 0 : i32
      %dma_start3A_55 = tpu.memref_slice %arg7[%dma_start3A, %dma_start3A_54] : memref<40x64xi32, #tpu.memory_space<vmem>> -> memref<1x64xi32, #tpu.memory_space<vmem>>
      %dma_start3A_56 = tpu.memref_squeeze %dma_start3A_55 : memref<1x64xi32, #tpu.memory_space<vmem>> -> memref<64xi32, #tpu.memory_space<vmem>>
      %dma_start3A_57 = arith.constant 0 : i32
      %dma_start3A_58 = arith.constant 0 : i32
      %dma_start3A_59 = tpu.memref_slice %arg12[%dma_start3A_57, %dma_start3A_58] : memref<10240x128xf32, #tpu.memory_space<vmem_shared>> -> memref<10240x128xf32, #tpu.memory_space<vmem_shared>>
      tpu.enqueue_indirect_dma source(%arg9 : memref<64x128xf32, #tpu.memory_space<vmem>>) target(%dma_start3A_59 : memref<10240x128xf32, #tpu.memory_space<vmem_shared>>) offsets(%dma_start3A_56 : memref<64xi32, #tpu.memory_space<vmem>>) semaphore(%arg18 : memref<!tpu.dma_semaphore, #tpu.memory_space<semaphore_mem>>) {add = true}
      %dma_wait3A_60 = arith.constant 38 : i32
      %dma_wait3A_61 = arith.constant 0 : i32
      %dma_wait3A_62 = tpu.memref_slice %arg6[%dma_wait3A_60, %dma_wait3A_61] : memref<40x64xi32, #tpu.memory_space<vmem>> -> memref<1x64xi32, #tpu.memory_space<vmem>>
      %dma_wait3A_63 = tpu.memref_squeeze %dma_wait3A_62 : memref<1x64xi32, #tpu.memory_space<vmem>> -> memref<64xi32, #tpu.memory_space<vmem>>
      %dma_wait3A_64 = arith.constant 0 : i32
      %dma_wait3A_65 = arith.constant 0 : i32
      %dma_wait3A_66 = tpu.memref_slice %arg4[%dma_wait3A_64, %dma_wait3A_65] : memref<10000x128xf32, #tpu.memory_space<hbm>> -> memref<10000x128xf32, #tpu.memory_space<hbm>>
      tpu.wait_indirect_dma semaphore(%arg15 : memref<!tpu.dma_semaphore, #tpu.memory_space<semaphore_mem>>) src(%dma_wait3A_66 : memref<10000x128xf32, #tpu.memory_space<hbm>>) dst(%arg10 : memref<64x128xf32, #tpu.memory_space<vmem>>)
      %dma_start3A_67 = arith.constant 38 : i32
      %dma_start3A_68 = arith.constant 0 : i32
      %dma_start3A_69 = tpu.memref_slice %arg7[%dma_start3A_67, %dma_start3A_68] : memref<40x64xi32, #tpu.memory_space<vmem>> -> memref<1x64xi32, #tpu.memory_space<vmem>>
      %dma_start3A_70 = tpu.memref_squeeze %dma_start3A_69 : memref<1x64xi32, #tpu.memory_space<vmem>> -> memref<64xi32, #tpu.memory_space<vmem>>
      %dma_start3A_71 = arith.constant 0 : i32
      %dma_start3A_72 = arith.constant 0 : i32
      %dma_start3A_73 = tpu.memref_slice %arg12[%dma_start3A_71, %dma_start3A_72] : memref<10240x128xf32, #tpu.memory_space<vmem_shared>> -> memref<10240x128xf32, #tpu.memory_space<vmem_shared>>
      tpu.enqueue_indirect_dma source(%arg10 : memref<64x128xf32, #tpu.memory_space<vmem>>) target(%dma_start3A_73 : memref<10240x128xf32, #tpu.memory_space<vmem_shared>>) offsets(%dma_start3A_70 : memref<64xi32, #tpu.memory_space<vmem>>) semaphore(%arg19 : memref<!tpu.dma_semaphore, #tpu.memory_space<semaphore_mem>>) {add = true}
      %dma_wait3A_74 = arith.constant 39 : i32
      %dma_wait3A_75 = arith.constant 0 : i32
      %dma_wait3A_76 = tpu.memref_slice %arg6[%dma_wait3A_74, %dma_wait3A_75] : memref<40x64xi32, #tpu.memory_space<vmem>> -> memref<1x64xi32, #tpu.memory_space<vmem>>
      %dma_wait3A_77 = tpu.memref_squeeze %dma_wait3A_76 : memref<1x64xi32, #tpu.memory_space<vmem>> -> memref<64xi32, #tpu.memory_space<vmem>>
      %dma_wait3A_78 = arith.constant 0 : i32
      %dma_wait3A_79 = arith.constant 0 : i32
      %dma_wait3A_80 = tpu.memref_slice %arg4[%dma_wait3A_78, %dma_wait3A_79] : memref<10000x128xf32, #tpu.memory_space<hbm>> -> memref<10000x128xf32, #tpu.memory_space<hbm>>
      tpu.wait_indirect_dma semaphore(%arg16 : memref<!tpu.dma_semaphore, #tpu.memory_space<semaphore_mem>>) src(%dma_wait3A_80 : memref<10000x128xf32, #tpu.memory_space<hbm>>) dst(%arg11 : memref<64x128xf32, #tpu.memory_space<vmem>>)
      %dma_start3A_81 = arith.constant 39 : i32
      %dma_start3A_82 = arith.constant 0 : i32
      %dma_start3A_83 = tpu.memref_slice %arg7[%dma_start3A_81, %dma_start3A_82] : memref<40x64xi32, #tpu.memory_space<vmem>> -> memref<1x64xi32, #tpu.memory_space<vmem>>
      %dma_start3A_84 = tpu.memref_squeeze %dma_start3A_83 : memref<1x64xi32, #tpu.memory_space<vmem>> -> memref<64xi32, #tpu.memory_space<vmem>>
      %dma_start3A_85 = arith.constant 0 : i32
      %dma_start3A_86 = arith.constant 0 : i32
      %dma_start3A_87 = tpu.memref_slice %arg12[%dma_start3A_85, %dma_start3A_86] : memref<10240x128xf32, #tpu.memory_space<vmem_shared>> -> memref<10240x128xf32, #tpu.memory_space<vmem_shared>>
      tpu.enqueue_indirect_dma source(%arg11 : memref<64x128xf32, #tpu.memory_space<vmem>>) target(%dma_start3A_87 : memref<10240x128xf32, #tpu.memory_space<vmem_shared>>) offsets(%dma_start3A_84 : memref<64xi32, #tpu.memory_space<vmem>>) semaphore(%arg20 : memref<!tpu.dma_semaphore, #tpu.memory_space<semaphore_mem>>) {add = true}
      %dma_wait3A_88 = arith.constant 36 : i32
      %dma_wait3A_89 = arith.constant 0 : i32
      %dma_wait3A_90 = tpu.memref_slice %arg7[%dma_wait3A_88, %dma_wait3A_89] : memref<40x64xi32, #tpu.memory_space<vmem>> -> memref<1x64xi32, #tpu.memory_space<vmem>>
      %dma_wait3A_91 = tpu.memref_squeeze %dma_wait3A_90 : memref<1x64xi32, #tpu.memory_space<vmem>> -> memref<64xi32, #tpu.memory_space<vmem>>
      %dma_wait3A_92 = arith.constant 0 : i32
      %dma_wait3A_93 = arith.constant 0 : i32
      %dma_wait3A_94 = tpu.memref_slice %arg12[%dma_wait3A_92, %dma_wait3A_93] : memref<10240x128xf32, #tpu.memory_space<vmem_shared>> -> memref<10240x128xf32, #tpu.memory_space<vmem_shared>>
      tpu.wait_indirect_dma semaphore(%arg17 : memref<!tpu.dma_semaphore, #tpu.memory_space<semaphore_mem>>) src(%arg8 : memref<64x128xf32, #tpu.memory_space<vmem>>) dst(%dma_wait3A_94 : memref<10240x128xf32, #tpu.memory_space<vmem_shared>>)
      %dma_wait3A_95 = arith.constant 37 : i32
      %dma_wait3A_96 = arith.constant 0 : i32
      %dma_wait3A_97 = tpu.memref_slice %arg7[%dma_wait3A_95, %dma_wait3A_96] : memref<40x64xi32, #tpu.memory_space<vmem>> -> memref<1x64xi32, #tpu.memory_space<vmem>>
      %dma_wait3A_98 = tpu.memref_squeeze %dma_wait3A_97 : memref<1x64xi32, #tpu.memory_space<vmem>> -> memref<64xi32, #tpu.memory_space<vmem>>
      %dma_wait3A_99 = arith.constant 0 : i32
      %dma_wait3A_100 = arith.constant 0 : i32
      %dma_wait3A_101 = tpu.memref_slice %arg12[%dma_wait3A_99, %dma_wait3A_100] : memref<10240x128xf32, #tpu.memory_space<vmem_shared>> -> memref<10240x128xf32, #tpu.memory_space<vmem_shared>>
      tpu.wait_indirect_dma semaphore(%arg18 : memref<!tpu.dma_semaphore, #tpu.memory_space<semaphore_mem>>) src(%arg9 : memref<64x128xf32, #tpu.memory_space<vmem>>) dst(%dma_wait3A_101 : memref<10240x128xf32, #tpu.memory_space<vmem_shared>>)
      %dma_wait3A_102 = arith.constant 38 : i32
      %dma_wait3A_103 = arith.constant 0 : i32
      %dma_wait3A_104 = tpu.memref_slice %arg7[%dma_wait3A_102, %dma_wait3A_103] : memref<40x64xi32, #tpu.memory_space<vmem>> -> memref<1x64xi32, #tpu.memory_space<vmem>>
      %dma_wait3A_105 = tpu.memref_squeeze %dma_wait3A_104 : memref<1x64xi32, #tpu.memory_space<vmem>> -> memref<64xi32, #tpu.memory_space<vmem>>
      %dma_wait3A_106 = arith.constant 0 : i32
      %dma_wait3A_107 = arith.constant 0 : i32
      %dma_wait3A_108 = tpu.memref_slice %arg12[%dma_wait3A_106, %dma_wait3A_107] : memref<10240x128xf32, #tpu.memory_space<vmem_shared>> -> memref<10240x128xf32, #tpu.memory_space<vmem_shared>>
      tpu.wait_indirect_dma semaphore(%arg19 : memref<!tpu.dma_semaphore, #tpu.memory_space<semaphore_mem>>) src(%arg10 : memref<64x128xf32, #tpu.memory_space<vmem>>) dst(%dma_wait3A_108 : memref<10240x128xf32, #tpu.memory_space<vmem_shared>>)
      %dma_wait3A_109 = arith.constant 39 : i32
      %dma_wait3A_110 = arith.constant 0 : i32
      %dma_wait3A_111 = tpu.memref_slice %arg7[%dma_wait3A_109, %dma_wait3A_110] : memref<40x64xi32, #tpu.memory_space<vmem>> -> memref<1x64xi32, #tpu.memory_space<vmem>>
      %dma_wait3A_112 = tpu.memref_squeeze %dma_wait3A_111 : memref<1x64xi32, #tpu.memory_space<vmem>> -> memref<64xi32, #tpu.memory_space<vmem>>
      %dma_wait3A_113 = arith.constant 0 : i32
      %dma_wait3A_114 = arith.constant 0 : i32
      %dma_wait3A_115 = tpu.memref_slice %arg12[%dma_wait3A_113, %dma_wait3A_114] : memref<10240x128xf32, #tpu.memory_space<vmem_shared>> -> memref<10240x128xf32, #tpu.memory_space<vmem_shared>>
      tpu.wait_indirect_dma semaphore(%arg20 : memref<!tpu.dma_semaphore, #tpu.memory_space<semaphore_mem>>) src(%arg11 : memref<64x128xf32, #tpu.memory_space<vmem>>) dst(%dma_wait3A_115 : memref<10240x128xf32, #tpu.memory_space<vmem_shared>>)
    }
    %scan3A_33 = arith.constant 4 : i32
    %barrier3A_34 = arith.constant 0 : index
    tpu.barrier barrier_id(%barrier3A_34)
    %mul3A_35 = arith.constant 640 : i32
    %mul3A_36 = arith.muli %arg1, %mul3A_35 : i32
    "tpu.region"() ({
      %run_scoped3A = tpu.sem_alloc : memref<!tpu.dma_semaphore, #tpu.memory_space<semaphore_mem>>
      %dma_start3A = arith.constant 0 : i32
      %dma_start3A_37 = tpu.memref_slice %arg5[%arg0, %mul3A_36, %dma_start3A] : memref<2x10240x128xf32, #tpu.memory_space<hbm>> -> memref<1x640x128xf32, #tpu.memory_space<hbm>>
      %dma_start3A_38 = tpu.memref_squeeze %dma_start3A_37 : memref<1x640x128xf32, #tpu.memory_space<hbm>> -> memref<640x128xf32, #tpu.memory_space<hbm>>
      %dma_start3A_39 = arith.constant 0 : i32
      %dma_start3A_40 = tpu.memref_slice %arg12[%mul3A_36, %dma_start3A_39] : memref<10240x128xf32, #tpu.memory_space<vmem_shared>> -> memref<640x128xf32, #tpu.memory_space<vmem_shared>>
      tpu.enqueue_dma source(%dma_start3A_40 : memref<640x128xf32, #tpu.memory_space<vmem_shared>>) target(%dma_start3A_38 : memref<640x128xf32, #tpu.memory_space<hbm>>) target_semaphore(%run_scoped3A : memref<!tpu.dma_semaphore, #tpu.memory_space<semaphore_mem>>)
      %dma_wait3A = arith.constant 0 : i32
      %dma_wait3A_41 = tpu.memref_slice %arg5[%arg0, %mul3A_36, %dma_wait3A] : memref<2x10240x128xf32, #tpu.memory_space<hbm>> -> memref<1x640x128xf32, #tpu.memory_space<hbm>>
      %dma_wait3A_42 = tpu.memref_squeeze %dma_wait3A_41 : memref<1x640x128xf32, #tpu.memory_space<hbm>> -> memref<640x128xf32, #tpu.memory_space<hbm>>
      %dma_wait3A_43 = arith.constant 0 : i32
      %dma_wait3A_44 = tpu.memref_slice %arg12[%mul3A_36, %dma_wait3A_43] : memref<10240x128xf32, #tpu.memory_space<vmem_shared>> -> memref<640x128xf32, #tpu.memory_space<vmem_shared>>
      tpu.wait_dma2 semaphore(%run_scoped3A : memref<!tpu.dma_semaphore, #tpu.memory_space<semaphore_mem>>) src(%dma_wait3A_44 : memref<640x128xf32, #tpu.memory_space<vmem_shared>>) dst(%dma_wait3A_42 : memref<640x128xf32, #tpu.memory_space<hbm>>)
      tpu.yield
    }) : () -> ()
    return
  }
}

module attributes {stable_mosaic.version = 14 : i64} {
  func.func @_tc_mm1_body(%arg0: memref<10000x128xf32, #tpu.memory_space<vmem>>, %arg1: memref<128x128xf32, #tpu.memory_space<vmem>>, %arg2: memref<10000x128xf32, #tpu.memory_space<vmem>>) attributes {dimension_semantics = [], scalar_prefetch = 0 : i64, scratch_operands = 0 : i64, tpu.core_type = #tpu.core_type<tc>} {
    %get3A = arith.constant 0 : index
    %get3A_0 = arith.constant 0 : index
    %get3A_1 = vector.load %arg0[%get3A, %get3A_0] : memref<10000x128xf32, #tpu.memory_space<vmem>>, vector<10000x128xf32>
    %get3A_2 = arith.constant 0 : index
    %get3A_3 = arith.constant 0 : index
    %get3A_4 = vector.load %arg1[%get3A_2, %get3A_3] : memref<128x128xf32, #tpu.memory_space<vmem>>, vector<128x128xf32>
    %dot_general3A = arith.constant dense<0.000000e+00> : vector<10000x128xf32>
    %dot_general3A_5 = tpu.matmul %get3A_1, %get3A_4, %dot_general3A {dimension_numbers = #tpu.dot_dimension_numbers<[1], [0], [0], [1], [0, 0, 1, 1], [], []>, transpose_lhs_hint = false} : vector<10000x128xf32>, vector<128x128xf32>, vector<10000x128xf32> -> vector<10000x128xf32>
    %swap3A = arith.constant 0 : index
    %swap3A_6 = arith.constant 0 : index
    %swap3A_7 = vector.load %arg2[%swap3A, %swap3A_6] : memref<10000x128xf32, #tpu.memory_space<vmem>>, vector<10000x128xf32>
    tpu.vector_store %arg2[%swap3A, %swap3A_6], %dot_general3A_5 {strides = array<i32>} : memref<10000x128xf32, #tpu.memory_space<vmem>>, vector<10000x128xf32>,
    return
  }
}

module attributes {stable_mosaic.version = 14 : i64} {
  func.func @_tc_predis_body(%arg0: memref<2x10240xf32, #tpu.memory_space<vmem>>, %arg1: memref<10000x128xf32, #tpu.memory_space<vmem>>, %arg2: memref<10000x1xf32, #tpu.memory_space<vmem>>, %arg3: memref<10000x128xf32, #tpu.memory_space<vmem>>) attributes {dimension_semantics = [], scalar_prefetch = 0 : i64, scratch_operands = 0 : i64, tpu.core_type = #tpu.core_type<tc>} {
    %get3A = arith.constant 0 : index
    %get3A_0 = arith.constant 0 : index
    %get3A_1 = vector.load %arg0[%get3A, %get3A_0] : memref<2x10240xf32, #tpu.memory_space<vmem>>, vector<2x10240xf32>
    %reduce_sum3A = arith.constant dense<0.000000e+00> : vector<10240xf32>
    %reduce_sum3A_2 = vector.multi_reduction <add>, %get3A_1, %reduce_sum3A [0] : vector<2x10240xf32> to vector<10240xf32>
    %broadcast_in_dim3A = vector.shape_cast %reduce_sum3A_2 : vector<10240xf32> to vector<1x10240xf32>
    %add3A = arith.constant 1.000000e+00 : f32
    %add3A_3 = vector.broadcast %add3A : f32 to vector<1x10240xf32>
    %add3A_4 = arith.addf %broadcast_in_dim3A, %add3A_3 : vector<1x10240xf32>
    %rsqrt3A = math.rsqrt %add3A_4 : vector<1x10240xf32>
    %slice3A = vector.extract_strided_slice %rsqrt3A {offsets = [0, 0], sizes = [1, 10000], strides = [1, 1]} : vector<1x10240xf32> to vector<1x10000xf32>
    %transpose3A = tpu.transpose %slice3A, [1, 0] : vector<1x10000xf32> -> vector<10000x1xf32>
    %swap3A = arith.constant 0 : index
    %swap3A_5 = arith.constant 0 : index
    %swap3A_6 = vector.load %arg2[%swap3A, %swap3A_5] : memref<10000x1xf32, #tpu.memory_space<vmem>>, vector<10000x1xf32>
    tpu.vector_store %arg2[%swap3A, %swap3A_5], %transpose3A {strides = array<i32>} : memref<10000x1xf32, #tpu.memory_space<vmem>>, vector<10000x1xf32>,
    %get3A_7 = arith.constant 0 : index
    %get3A_8 = arith.constant 0 : index
    %get3A_9 = vector.load %arg1[%get3A_7, %get3A_8] : memref<10000x128xf32, #tpu.memory_space<vmem>>, vector<10000x128xf32>
    %mul3A = vector.broadcast %transpose3A : vector<10000x1xf32> to vector<10000x128xf32>
    %mul3A_10 = arith.mulf %get3A_9, %mul3A : vector<10000x128xf32>
    %swap3A_11 = arith.constant 0 : index
    %swap3A_12 = arith.constant 0 : index
    %swap3A_13 = vector.load %arg3[%swap3A_11, %swap3A_12] : memref<10000x128xf32, #tpu.memory_space<vmem>>, vector<10000x128xf32>
    tpu.vector_store %arg3[%swap3A_11, %swap3A_12], %mul3A_10 {strides = array<i32>} : memref<10000x128xf32, #tpu.memory_space<vmem>>, vector<10000x128xf32>,
    return
  }
}

module attributes {stable_mosaic.version = 14 : i64} {
  func.func @_tc_mid_body(%arg0: memref<2x10240x128xf32, #tpu.memory_space<vmem>>, %arg1: memref<10000x128xf32, #tpu.memory_space<vmem>>, %arg2: memref<10000x1xf32, #tpu.memory_space<vmem>>, %arg3: memref<1x128xf32, #tpu.memory_space<vmem>>, %arg4: memref<1x128xf32, #tpu.memory_space<vmem>>, %arg5: memref<1x128xf32, #tpu.memory_space<vmem>>, %arg6: memref<1x1xf32, #tpu.memory_space<vmem>>, %arg7: memref<128x128xf32, #tpu.memory_space<vmem>>, %arg8: memref<10000x128xf32, #tpu.memory_space<vmem>>) attributes {dimension_semantics = [], scalar_prefetch = 0 : i64, scratch_operands = 0 : i64, tpu.core_type = #tpu.core_type<tc>} {
    %get3A = arith.constant 0 : index
    %get3A_0 = arith.constant 0 : index
    %get3A_1 = arith.constant 0 : index
    %get3A_2 = vector.load %arg0[%get3A, %get3A_0, %get3A_1] : memref<2x10240x128xf32, #tpu.memory_space<vmem>>, vector<1x10000x128xf32>
    %get3A_3 = vector.shape_cast %get3A_2 : vector<1x10000x128xf32> to vector<10000x128xf32>
    %get3A_4 = arith.constant 1 : index
    %get3A_5 = arith.constant 0 : index
    %get3A_6 = arith.constant 0 : index
    %get3A_7 = vector.load %arg0[%get3A_4, %get3A_5, %get3A_6] : memref<2x10240x128xf32, #tpu.memory_space<vmem>>, vector<1x10000x128xf32>
    %get3A_8 = vector.shape_cast %get3A_7 : vector<1x10000x128xf32> to vector<10000x128xf32>
    %add3A = arith.addf %get3A_3, %get3A_8 : vector<10000x128xf32>
    %get3A_9 = arith.constant 0 : index
    %get3A_10 = arith.constant 0 : index
    %get3A_11 = vector.load %arg1[%get3A_9, %get3A_10] : memref<10000x128xf32, #tpu.memory_space<vmem>>, vector<10000x128xf32>
    %add3A_12 = arith.addf %add3A, %get3A_11 : vector<10000x128xf32>
    %get3A_13 = arith.constant 0 : index
    %get3A_14 = arith.constant 0 : index
    %get3A_15 = vector.load %arg2[%get3A_13, %get3A_14] : memref<10000x1xf32, #tpu.memory_space<vmem>>, vector<10000x1xf32>
    %mul3A = vector.broadcast %get3A_15 : vector<10000x1xf32> to vector<10000x128xf32>
    %mul3A_16 = arith.mulf %add3A_12, %mul3A : vector<10000x128xf32>
    %get3A_17 = arith.constant 0 : index
    %get3A_18 = arith.constant 0 : index
    %get3A_19 = vector.load %arg3[%get3A_17, %get3A_18] : memref<1x128xf32, #tpu.memory_space<vmem>>, vector<1x128xf32>
    %add3A_20 = vector.broadcast %get3A_19 : vector<1x128xf32> to vector<10000x128xf32>
    %add3A_21 = arith.addf %mul3A_16, %add3A_20 : vector<10000x128xf32>
    %get3A_22 = arith.constant 0 : index
    %get3A_23 = arith.constant 0 : index
    %get3A_24 = vector.load %arg4[%get3A_22, %get3A_23] : memref<1x128xf32, #tpu.memory_space<vmem>>, vector<1x128xf32>
    %get3A_25 = arith.constant 0 : index
    %get3A_26 = arith.constant 0 : index
    %get3A_27 = vector.load %arg5[%get3A_25, %get3A_26] : memref<1x128xf32, #tpu.memory_space<vmem>>, vector<1x128xf32>
    %get3A_28 = arith.constant 0 : index
    %get3A_29 = arith.constant 0 : index
    %get3A_30 = vector.load %arg6[%get3A_28, %get3A_29] : memref<1x1xf32, #tpu.memory_space<vmem>>, vector<1x1xf32>
    %reduce_sum3A = arith.constant dense<0.000000e+00> : vector<128xf32>
    %reduce_sum3A_31 = vector.multi_reduction <add>, %add3A_21, %reduce_sum3A [0] : vector<10000x128xf32> to vector<128xf32>
    %broadcast_in_dim3A = vector.shape_cast %reduce_sum3A_31 : vector<128xf32> to vector<1x128xf32>
    %div3A = arith.constant 1.000000e+04 : f32
    %div3A_32 = vector.broadcast %div3A : f32 to vector<1x128xf32>
    %div3A_33 = arith.divf %broadcast_in_dim3A, %div3A_32 : vector<1x128xf32>
    %sub3A = vector.broadcast %div3A_33 : vector<1x128xf32> to vector<10000x128xf32>
    %sub3A_34 = arith.subf %add3A_21, %sub3A : vector<10000x128xf32>
    %mul3A_35 = arith.mulf %sub3A_34, %sub3A_34 : vector<10000x128xf32>
    %reduce_sum3A_36 = arith.constant dense<0.000000e+00> : vector<128xf32>
    %reduce_sum3A_37 = vector.multi_reduction <add>, %mul3A_35, %reduce_sum3A_36 [0] : vector<10000x128xf32> to vector<128xf32>
    %broadcast_in_dim3A_38 = vector.shape_cast %reduce_sum3A_37 : vector<128xf32> to vector<1x128xf32>
    %div3A_39 = arith.constant 1.000000e+04 : f32
    %div3A_40 = vector.broadcast %div3A_39 : f32 to vector<1x128xf32>
    %div3A_41 = arith.divf %broadcast_in_dim3A_38, %div3A_40 : vector<1x128xf32>
    %add3A_42 = arith.constant 9.99999974E-6 : f32
    %add3A_43 = vector.broadcast %add3A_42 : f32 to vector<1x128xf32>
    %add3A_44 = arith.addf %div3A_41, %add3A_43 : vector<1x128xf32>
    %rsqrt3A = math.rsqrt %add3A_44 : vector<1x128xf32>
    %mul3A_45 = vector.broadcast %rsqrt3A : vector<1x128xf32> to vector<10000x128xf32>
    %mul3A_46 = arith.mulf %sub3A_34, %mul3A_45 : vector<10000x128xf32>
    %mul3A_47 = vector.broadcast %get3A_24 : vector<1x128xf32> to vector<10000x128xf32>
    %mul3A_48 = arith.mulf %mul3A_46, %mul3A_47 : vector<10000x128xf32>
    %add3A_49 = vector.broadcast %get3A_27 : vector<1x128xf32> to vector<10000x128xf32>
    %add3A_50 = arith.addf %mul3A_48, %add3A_49 : vector<10000x128xf32>
    %ge3A = arith.constant 0.000000e+00 : f32
    %ge3A_51 = vector.broadcast %ge3A : f32 to vector<10000x128xf32>
    %ge3A_52 = arith.cmpf oge, %add3A_50, %ge3A_51 : vector<10000x128xf32>
    %mul3A_53 = vector.broadcast %get3A_30 : vector<1x1xf32> to vector<10000x128xf32>
    %mul3A_54 = arith.mulf %mul3A_53, %add3A_50 : vector<10000x128xf32>
    %select_n3A = arith.select %ge3A_52, %add3A_50, %mul3A_54 : vector<10000x128xi1>, vector<10000x128xf32>
    %get3A_55 = arith.constant 0 : index
    %get3A_56 = arith.constant 0 : index
    %get3A_57 = vector.load %arg7[%get3A_55, %get3A_56] : memref<128x128xf32, #tpu.memory_space<vmem>>, vector<128x128xf32>
    %dot_general3A = arith.constant dense<0.000000e+00> : vector<10000x128xf32>
    %dot_general3A_58 = tpu.matmul %select_n3A, %get3A_57, %dot_general3A {dimension_numbers = #tpu.dot_dimension_numbers<[1], [0], [0], [1], [0, 0, 1, 1], [], []>, transpose_lhs_hint = false} : vector<10000x128xf32>, vector<128x128xf32>, vector<10000x128xf32> -> vector<10000x128xf32>
    %get3A_59 = arith.constant 0 : index
    %get3A_60 = arith.constant 0 : index
    %get3A_61 = vector.load %arg2[%get3A_59, %get3A_60] : memref<10000x1xf32, #tpu.memory_space<vmem>>, vector<10000x1xf32>
    %mul3A_62 = vector.broadcast %get3A_61 : vector<10000x1xf32> to vector<10000x128xf32>
    %mul3A_63 = arith.mulf %dot_general3A_58, %mul3A_62 : vector<10000x128xf32>
    %swap3A = arith.constant 0 : index
    %swap3A_64 = arith.constant 0 : index
    %swap3A_65 = vector.load %arg8[%swap3A, %swap3A_64] : memref<10000x128xf32, #tpu.memory_space<vmem>>, vector<10000x128xf32>
    tpu.vector_store %arg8[%swap3A, %swap3A_64], %mul3A_63 {strides = array<i32>} : memref<10000x128xf32, #tpu.memory_space<vmem>>, vector<10000x128xf32>,
    return
  }
}

module attributes {stable_mosaic.version = 14 : i64} {
  func.func @_tc_post_body(%arg0: memref<2x10240x128xf32, #tpu.memory_space<vmem>>, %arg1: memref<10000x128xf32, #tpu.memory_space<vmem>>, %arg2: memref<10000x1xf32, #tpu.memory_space<vmem>>, %arg3: memref<1x128xf32, #tpu.memory_space<vmem>>, %arg4: memref<1x128xf32, #tpu.memory_space<vmem>>, %arg5: memref<1x128xf32, #tpu.memory_space<vmem>>, %arg6: memref<1x1xf32, #tpu.memory_space<vmem>>, %arg7: memref<10000x128xf32, #tpu.memory_space<vmem>>) attributes {dimension_semantics = [], scalar_prefetch = 0 : i64, scratch_operands = 0 : i64, tpu.core_type = #tpu.core_type<tc>} {
    %get3A = arith.constant 0 : index
    %get3A_0 = arith.constant 0 : index
    %get3A_1 = arith.constant 0 : index
    %get3A_2 = vector.load %arg0[%get3A, %get3A_0, %get3A_1] : memref<2x10240x128xf32, #tpu.memory_space<vmem>>, vector<1x10000x128xf32>
    %get3A_3 = vector.shape_cast %get3A_2 : vector<1x10000x128xf32> to vector<10000x128xf32>
    %get3A_4 = arith.constant 1 : index
    %get3A_5 = arith.constant 0 : index
    %get3A_6 = arith.constant 0 : index
    %get3A_7 = vector.load %arg0[%get3A_4, %get3A_5, %get3A_6] : memref<2x10240x128xf32, #tpu.memory_space<vmem>>, vector<1x10000x128xf32>
    %get3A_8 = vector.shape_cast %get3A_7 : vector<1x10000x128xf32> to vector<10000x128xf32>
    %add3A = arith.addf %get3A_3, %get3A_8 : vector<10000x128xf32>
    %get3A_9 = arith.constant 0 : index
    %get3A_10 = arith.constant 0 : index
    %get3A_11 = vector.load %arg1[%get3A_9, %get3A_10] : memref<10000x128xf32, #tpu.memory_space<vmem>>, vector<10000x128xf32>
    %add3A_12 = arith.addf %add3A, %get3A_11 : vector<10000x128xf32>
    %get3A_13 = arith.constant 0 : index
    %get3A_14 = arith.constant 0 : index
    %get3A_15 = vector.load %arg2[%get3A_13, %get3A_14] : memref<10000x1xf32, #tpu.memory_space<vmem>>, vector<10000x1xf32>
    %mul3A = vector.broadcast %get3A_15 : vector<10000x1xf32> to vector<10000x128xf32>
    %mul3A_16 = arith.mulf %add3A_12, %mul3A : vector<10000x128xf32>
    %get3A_17 = arith.constant 0 : index
    %get3A_18 = arith.constant 0 : index
    %get3A_19 = vector.load %arg3[%get3A_17, %get3A_18] : memref<1x128xf32, #tpu.memory_space<vmem>>, vector<1x128xf32>
    %add3A_20 = vector.broadcast %get3A_19 : vector<1x128xf32> to vector<10000x128xf32>
    %add3A_21 = arith.addf %mul3A_16, %add3A_20 : vector<10000x128xf32>
    %get3A_22 = arith.constant 0 : index
    %get3A_23 = arith.constant 0 : index
    %get3A_24 = vector.load %arg4[%get3A_22, %get3A_23] : memref<1x128xf32, #tpu.memory_space<vmem>>, vector<1x128xf32>
    %get3A_25 = arith.constant 0 : index
    %get3A_26 = arith.constant 0 : index
    %get3A_27 = vector.load %arg5[%get3A_25, %get3A_26] : memref<1x128xf32, #tpu.memory_space<vmem>>, vector<1x128xf32>
    %get3A_28 = arith.constant 0 : index
    %get3A_29 = arith.constant 0 : index
    %get3A_30 = vector.load %arg6[%get3A_28, %get3A_29] : memref<1x1xf32, #tpu.memory_space<vmem>>, vector<1x1xf32>
    %reduce_sum3A = arith.constant dense<0.000000e+00> : vector<128xf32>
    %reduce_sum3A_31 = vector.multi_reduction <add>, %add3A_21, %reduce_sum3A [0] : vector<10000x128xf32> to vector<128xf32>
    %broadcast_in_dim3A = vector.shape_cast %reduce_sum3A_31 : vector<128xf32> to vector<1x128xf32>
    %div3A = arith.constant 1.000000e+04 : f32
    %div3A_32 = vector.broadcast %div3A : f32 to vector<1x128xf32>
    %div3A_33 = arith.divf %broadcast_in_dim3A, %div3A_32 : vector<1x128xf32>
    %sub3A = vector.broadcast %div3A_33 : vector<1x128xf32> to vector<10000x128xf32>
    %sub3A_34 = arith.subf %add3A_21, %sub3A : vector<10000x128xf32>
    %mul3A_35 = arith.mulf %sub3A_34, %sub3A_34 : vector<10000x128xf32>
    %reduce_sum3A_36 = arith.constant dense<0.000000e+00> : vector<128xf32>
    %reduce_sum3A_37 = vector.multi_reduction <add>, %mul3A_35, %reduce_sum3A_36 [0] : vector<10000x128xf32> to vector<128xf32>
    %broadcast_in_dim3A_38 = vector.shape_cast %reduce_sum3A_37 : vector<128xf32> to vector<1x128xf32>
    %div3A_39 = arith.constant 1.000000e+04 : f32
    %div3A_40 = vector.broadcast %div3A_39 : f32 to vector<1x128xf32>
    %div3A_41 = arith.divf %broadcast_in_dim3A_38, %div3A_40 : vector<1x128xf32>
    %add3A_42 = arith.constant 9.99999974E-6 : f32
    %add3A_43 = vector.broadcast %add3A_42 : f32 to vector<1x128xf32>
    %add3A_44 = arith.addf %div3A_41, %add3A_43 : vector<1x128xf32>
    %rsqrt3A = math.rsqrt %add3A_44 : vector<1x128xf32>
    %mul3A_45 = vector.broadcast %rsqrt3A : vector<1x128xf32> to vector<10000x128xf32>
    %mul3A_46 = arith.mulf %sub3A_34, %mul3A_45 : vector<10000x128xf32>
    %mul3A_47 = vector.broadcast %get3A_24 : vector<1x128xf32> to vector<10000x128xf32>
    %mul3A_48 = arith.mulf %mul3A_46, %mul3A_47 : vector<10000x128xf32>
    %add3A_49 = vector.broadcast %get3A_27 : vector<1x128xf32> to vector<10000x128xf32>
    %add3A_50 = arith.addf %mul3A_48, %add3A_49 : vector<10000x128xf32>
    %ge3A = arith.constant 0.000000e+00 : f32
    %ge3A_51 = vector.broadcast %ge3A : f32 to vector<10000x128xf32>
    %ge3A_52 = arith.cmpf oge, %add3A_50, %ge3A_51 : vector<10000x128xf32>
    %mul3A_53 = vector.broadcast %get3A_30 : vector<1x1xf32> to vector<10000x128xf32>
    %mul3A_54 = arith.mulf %mul3A_53, %add3A_50 : vector<10000x128xf32>
    %select_n3A = arith.select %ge3A_52, %add3A_50, %mul3A_54 : vector<10000x128xi1>, vector<10000x128xf32>
    %swap3A = arith.constant 0 : index
    %swap3A_55 = arith.constant 0 : index
    %swap3A_56 = vector.load %arg7[%swap3A, %swap3A_55] : memref<10000x128xf32, #tpu.memory_space<vmem>>, vector<10000x128xf32>
    tpu.vector_store %arg7[%swap3A, %swap3A_55], %select_n3A {strides = array<i32>} : memref<10000x128xf32, #tpu.memory_space<vmem>>, vector<10000x128xf32>,
    return
  }
}

</mosaic_0001>

<sc_bundles>
// kernel: kernel.12.cloned.1.call-start
scs
__scs_entry_jumppad:
0x0: {  	(pc) =	sbr.rel $0x88, $3  }
0x1: {  	(tag) =	ssettag $0x0;
	lr =	simm.s32 $0x1  }
0x2: {  	[smem:$0x3F95] =	sst lr;
	_ =	strace $0xD0000000  }
0x3: {  	_ = 	snop  }
0x4: {  	_ = 	snop  }
0x5: {  	_ = 	snop  }
0x6: {  	_ = 	snop  }
0x7: {  	_ = 	snop  }
__scs_overlays_trampoline_lowered:
0x8: {  	[smem:$0x3FA4] =	sst s0  }
0x9: {  	[smem:$0x3FA5] =	sst s1  }
0xa: {  	[smem:$0x3FA6] =	sst s2  }
0xb: {  	[smem:$0x3FA7] =	sst s3  }
0xc: {  	[smem:$0x3FA8] =	sst s4  }
0xd: {  	[smem:$0x3FA9] =	sst s5  }
0xe: {  	[smem:$0x3FAA] =	sst s6  }
0xf: {  	[smem:$0x3FAB] =	sst s7  }
0x10: {  	[smem:$0x3FAC] =	sst s8  }
0x11: {  	[smem:$0x3FAD] =	sst s9;
	s0 =	simm.s32 @!p0 $0x0  }
0x12: {  	s1 =	sld [smem:$0x3F93];
	s0 =	simm.s32 @p0 $0x1  }
0x13: {  	[smem:$0x3FAE] =	sst s0;
	s0 =	simm.s32 @!p1 $0x0  }
0x14: {  	s2 =	sld [smem:$0x3F92];
	s0 =	simm.s32 @p1 $0x1  }
0x15: {  	[smem:$0x3FAF] =	sst s0;
	s0 =	simm.s32 @!p2 $0x0  }
0x16: {  	s3 =	sld [smem:$0x3FDB];
	s0 =	simm.s32 @p2 $0x1  }
0x17: {  	s4 =	simm.s32 $0x1BF5;
	[smem:$0x3FB1] =	sst s0  }
0x18: {  	s0 =	sld [smem:$0x3F94];
	_ =	swait.ge [sflag:s4], $0x0  }
0x19: {  	s7 =	sld [smem:$0x3F95]  }
0x1a: {  	s8 =	sadd.s32 $0xFFFFE003, lr  }
0x1b: {  	s9 =	sadd.s32 $0xFFFFFEF7, lr;
	s5 =	simm.s32 $0xFFFFFFFF;
	p2 =	slt.u32 s8, $0xFFFFF086  }
0x1c: {  	p1 =	slt.u32 s9, $0xF7A;
	s5 =	simm.s32 @!p2 $0x0  }
0x1d: {  	s5 =	simm.s32 @p1 $0x1;
	p0 =	seq.s32 s7, s2  }
0x1e: {  	s7 =	smul.u32 @!p0 $0xF7A, s2;
	p2 =	seq.s32 @!p0 s5, $0x0  }
0x1f: {  	s9 =	smul.u32 $0xF7A, s1;
	s8 =	simm.s32 @!p0 $0x1BF5;
	p2 =	por !p2, p0  }
0x20: {  	[sflag:s8] =	ssyncset.s32 @!p0 $0xFFFFF086;
	s6 =	sadd.s32 @!p0 s3, s7;
	s7 =	simm.s32 @!p0 $0x108  }
0x21: {  	s3 =	sadd.s32 s3, s9;
	s6 =	sadd.s32 @!p0 $0x88, s6;
	s7 =	simm.s32 @p2 $0x1082  }
0x22: {  	[simem:s7], [sflag:s8] =	dma.local @!p0 [hbm:s6], $0xF7A  }
0x23: {  	s9 =	sor.u32 $0xD0000000, s2;
	s6 =	simm.s32 $0x108;
	_ =	swait.ge @!p0 [sflag:s8], $0x0  }
0x24: {  	s3 =	sadd.s32 $0x88, s3;
	s6 =	simm.s32 @!p1 $0x1082;
	[sflag:s4] =	ssyncset.s32 $0xFFFFF086  }
0x25: {  	[simem:s6], [sflag:s4] =	dma.local [hbm:s3], $0xF7A  }
0x26: {  	[smem:$0x3F95] =	sst s1;
	(tag) =	ssettag s2;
	_ =	strace s9  }
0x27: {  	s1 =	sld [smem:$0x3FA5]  }
0x28: {  	s2 =	sld [smem:$0x3FA6]  }
0x29: {  	s4 =	sld [smem:$0x3FA8]  }
0x2a: {  	p0 =	seq.s32 s5, $0x0;
	s5 =	sld [smem:$0x3FA9]  }
0x2b: {  	s6 =	sld [smem:$0x3FAA]  }
0x2c: {  	s7 =	sld [smem:$0x3FAB]  }
0x2d: {  	s3 =	simm.s32 $0x108;
	s8 =	sld [smem:$0x3FAC]  }
0x2e: {  	s3 =	simm.s32 @!p0 $0x1082;
	s9 =	sld [smem:$0x3FAD]  }
0x2f: {  	lr =	sadd.s32 s0, s3;
	s0 =	sld [smem:$0x3FA4]  }
0x30: {  	s3 =	sld [smem:$0x3FA7]  }
0x31: {  	[smem:$0x3FB0] =	sst s10  }
0x32: {  	s10 =	sld [smem:$0x3FAE];
	_ =	sdelay $0x3  }
0x33: {  	p0 =	seq.s32 s10, $0x1;
	s10 =	sld [smem:$0x3FB0];
	_ =	sdelay $0x3  }
0x34: {  	[smem:$0x3FB0] =	sst s10  }
0x35: {  	s10 =	sld [smem:$0x3FAF];
	_ =	sdelay $0x3  }
0x36: {  	p1 =	seq.s32 s10, $0x1;
	s10 =	sld [smem:$0x3FB0];
	_ =	sdelay $0x3  }
0x37: {  	[smem:$0x3FB0] =	sst s10  }
0x38: {  	s10 =	sld [smem:$0x3FB1]  }
0x39: {  	_ = 	snop;
	(pc) =	sbr.ind lr, $3  }
0x3a: {  	_ = 	snop  }
0x3b: {  	_ = 	snop  }
0x3c: {  	p2 =	seq.s32 s10, $0x1;
	s10 =	sld [smem:$0x3FB0]  }
0x3d: {  	_ =	shalt  }
0x3e: {  	_ =	shalt  }
0x3f: {  	_ =	shalt  }
0x40: {  	_ =	shalt  }
0x41: {  	_ =	shalt  }
0x42: {  	_ =	shalt  }
0x43: {  	_ =	shalt  }
0x44: {  	_ =	shalt  }
0x45: {  	_ =	shalt  }
0x46: {  	_ =	shalt  }
0x47: {  	_ =	shalt  }
0x48: {  	_ =	shalt  }
0x49: {  	_ =	shalt  }
0x4a: {  	_ =	shalt  }
0x4b: {  	_ =	shalt  }
0x4c: {  	_ =	shalt  }
0x4d: {  	_ =	shalt  }
0x4e: {  	_ =	shalt  }
0x4f: {  	_ =	shalt  }
0x50: {  	_ =	shalt  }
0x51: {  	_ =	shalt  }
0x52: {  	_ =	shalt  }
0x53: {  	_ =	shalt  }
0x54: {  	_ =	shalt  }
0x55: {  	_ =	shalt  }
0x56: {  	_ =	shalt  }
0x57: {  	_ =	shalt  }
0x58: {  	_ =	shalt  }
0x59: {  	_ =	shalt  }
0x5a: {  	_ =	shalt  }
0x5b: {  	_ =	shalt  }
0x5c: {  	_ =	shalt  }
0x5d: {  	_ =	shalt  }
0x5e: {  	_ =	shalt  }
0x5f: {  	_ =	shalt  }
0x60: {  	_ =	shalt  }
0x61: {  	_ =	shalt  }
0x62: {  	_ =	shalt  }
0x63: {  	_ =	shalt  }
0x64: {  	_ =	shalt  }
0x65: {  	_ =	shalt  }
0x66: {  	_ =	shalt  }
0x67: {  	_ =	shalt  }
0x68: {  	_ =	shalt  }
0x69: {  	_ =	shalt  }
0x6a: {  	_ =	shalt  }
0x6b: {  	_ =	shalt  }
0x6c: {  	_ =	shalt  }
0x6d: {  	_ =	shalt  }
0x6e: {  	_ =	shalt  }
0x6f: {  	_ =	shalt  }
0x70: {  	_ =	shalt  }
0x71: {  	_ =	shalt  }
0x72: {  	_ =	shalt  }
0x73: {  	_ =	shalt  }
0x74: {  	_ =	shalt  }
0x75: {  	_ =	shalt  }
0x76: {  	_ =	shalt  }
0x77: {  	_ =	shalt  }
0x78: {  	_ =	shalt  }
0x79: {  	_ =	shalt  }
0x7a: {  	_ =	shalt  }
0x7b: {  	_ =	shalt  }
0x7c: {  	_ =	shalt  }
0x7d: {  	_ =	shalt  }
0x7e: {  	_ =	shalt  }
0x7f: {  	_ =	shalt  }
0x80: {  	_ =	shalt  }
0x81: {  	_ =	shalt  }
0x82: {  	_ =	shalt  }
0x83: {  	_ =	shalt  }
0x84: {  	_ =	shalt  }
0x85: {  	_ =	shalt  }
0x86: {  	_ =	shalt  }
0x87: {  	_ =	shalt  }
.Lfunc_end0:
.L_simem_size_0:
called_computation.1_lowered:
.L_overlay_start_0:
0x88: {  	s2 =	sld [smem:$0x3FD9]  }
0x89: {  	s3 =	sld [smem:$0x3FFE];
	_ =	sdelay $0x1  }
0x8a: {  	s1 =	srdreg.scid  }
0x8b: {  	s0 =	sand.u32 $0x1, s1  }
0x8c: {  	s17 =	sshll.u32 s0, $0xA;
	s2 =	sadd.s32 s3, s2  }
0x8d: {  	s2 =	sadd.s32 s2, s17  }
0x8e: {  	[smem:$0x3FBC] =	sst s2  }
0x8f: {  	_ = 	snop  }
0x90: {  	s2 =	sld [smem:$0x3FD0];
	(tm) =	ssettm $0x1  }
0x91: {  	s18 =	sld [smem:$0x3FFB];
	_ =	sdelay $0x3  }
0x92: {  	_ =	strace s18  }
0x93: {  	s3 =	sld [smem:$0x3FFC];
	_ =	sdelay $0x3  }
0x94: {  	_ =	strace s3  }
0x95: {  	s3 =	sld [smem:$0x3FFD];
	_ =	sdelay $0x3  }
0x96: {  	_ =	strace s3  }
0x97: {  	_ =	strace $0x8FFFFFFF  }
0x98: {  	s19 =	sld [smem:$0x3FDB];
	_ =	sdelay $0x1  }
0x99: {  	s4 =	simm.s32 $_scs_section_size  }
0x9a: {  	s5 =	simm.s32 $_size__tile_overlayer_lowered;
	s6 =	simm.s32 $_tile_overlayer_lowered  }
0x9b: {  	s22 =	simm.s32 $0x1BFF;
	s21 =	sshll.u32 s6, $0x1;
	s3 =	sadd.s32 s4, s19  }
0x9c: {  	s7 =	simm.s32 $0x0;
	s20 =	sshll.u32 s5, $0x1;
	s5 =	sadd.s32 s21, s3  }
0x9d: {  	[timem:s7], [sflag:s22] =	dma.local [hbm:s5], s20  }
0x9e: {  	_ =	swait.ge [sflag:s22], s20  }
0x9f: {  	s4 =	ssub.s32 $0x0, s20;
	[sflag:s22] =	ssyncset.done $0x0  }
0xa0: {  	[sflag:s22] =	ssyncadd.s32 s4;
	_ =	sdelay $0x1  }
0xa1: {  	s23 =	simm.s32 $0x1B8B  }
0xa2: {  	_ =	swait.ge [sflag:s23], $0x1  }
0xa3: {  	[sflag:s23] =	ssyncset.done $0x0  }
0xa4: {  	s25 =	simm.s32 $0x1B8E;
	s24 =	sld [smem:$0x3FFE];
	[sflag:s23] =	ssyncadd.s32 $0xFFFFFFFF  }
0xa5: {  	s26 =	simm.s32 $execute0_lowered;
	[smem:$0x3FD2] =	sst s25  }
0xa6: {  	s5 =	sshll.u32 s26, $0x1;
	_ =	strace $0x80000049;
	[dreg:$0x1] =	wrdreg $0xFFFFFFFF  }
0xa7: {  	s28 =	simm.s32 $_size_execute0_lowered;
	s3 =	sadd.s32 s3, s5;
	[dreg:$0x0] =	wrdreg $0x0  }
0xa8: {  	s5 =	sshll.u32 s28, $0x1;
	[dreg:$0x2] =	wrdreg s3  }
0xa9: {  	[dreg:$0x3] =	wrdreg s5  }
0xaa: {  	[dreg:$0x4] =	wrdreg $0xC0  }
0xab: {  	_ =	task [dreg:s7], $0x5FFFF  }
0xac: {  	[dreg:$0x1] =	wrdreg $0xFFFFFFFF  }
0xad: {  	[dreg:$0x0] =	wrdreg $0x60  }
0xae: {  	[dreg:$0x2] =	wrdreg s24  }
0xaf: {  	[dreg:$0x3] =	wrdreg s2  }
0xb0: {  	[dreg:$0x4] =	wrdreg $0xA8000  }
0xb1: {  	[dreg:$0x5] =	wrdreg $0x9  }
0xb2: {  	_ =	task.clear_ibuf [dreg:s7], $0x6FFFF;
	_ =	strace $0x90000049  }
0xb3: {  	s29 =	simm.s32 $0x9;
	_ =	strace $0x8000004B  }
0xb4: {  	_ =	swait.ge [sflag:s29], $0x1  }
0xb5: {  	[sflag:s29] =	ssyncadd.s32 $0xFFFFFFFF  }
0xb6: {  	_ =	strace $0x9000004B  }
0xb7: {  	_ =	sfence  }
0xb8: {  	s30 =	sld [smem:$0x0];
	_ =	sdelay $0x2  }
0xb9: {  	s31 =	sshll.u32 s1, $0xD;
	s1 =	sshrl.u32 s1, $0x2  }
0xba: {  	s3 =	sand.u32 $0x4000, s31;
	s1 =	sadd.s32 s1, s30  }
0xbb: {  	s0 =	sor.u32 s3, s0;
	s1 =	sshll.u32 s1, $0x11  }
0xbc: {  	s0 =	sor.u32 s1, s0  }
0xbd: {  	s0 =	sadd.s32 $0x8F2B, s0  }
0xbe: {  	[sflag:s0] =	ssyncadd.remote.s32 $0x1  }
0xbf: {  	_ =	sfence.sel $0xFFFF  }
0xc0: {  	[dreg:$0x0] =	wrdreg $0xFFFFFFFF;
	(pc) =	sbr.abs _section_cstart, $3  }
0xc1: {  	[dreg:$0x1] =	wrdreg $0xFFFFFFFF  }
0xc2: {  	_ =	task.clear_ibuf [dreg:s7], $0x2FFFF;
	_ =	strace $0x9FFFFFFF  }
0xc3: {  	(tm) =	ssettm $0x7FFFFFFF  }
tec
execute0_lowered:
.L_overlay_start_1:
0x0: {  	(tag) =	ssettag $0x1  }
0x1: {  	s0 =	rddreg [dreg:$0x0]  }
0x2: {  	s2 =	rddreg [dreg:$0x1];
	s1 =	srdreg.scid  }
0x3: {  	s3 =	rddreg [dreg:$0x2];
	s4 =	stileid.u32;
	s16 =	simm.s32 $0x0  }
0x4: {  	s28 =	simm.s32 $0x6800;
	s29 =	simm.s32 $0x180;
	s30 =	simm.s32 $0x8800  }
0x5: {  	s31 =	simm.s32 $0x1;
	s10 =	simm.s32 $0x7;
	s11 =	simm.s32 $0x4  }
0x6: {  	s12 =	simm.s32 $0x8;
	s13 =	simm.s32 $0x2680;
	s8 =	smul.u32 $0x50000, s4  }
0x7: {  	s1 =	sand.u32 $0x1, s1;
	s6 =	smul.u32 $0x14000, s4;
	[smem:$0x7FF] =	sst s16  }
0x8: {  	s5 =	smul.u32 $0x140000, s1;
	_ =	strace $0x8000004A;
	s8 =	sshrl.u32 s8, $0x2  }
0x9: {  	s14 =	ssub.s32 $0x2, s1;
	s1 =	sshll.u32 s1, $0x4;
	s18 =	sadd.s32 s8, s3  }
0xa: {  	s9 =	sshrl.u32 s14, $0x1;
	s15 =	sadd.s32 $0x2000, s18;
	[dreg:$0x5] =	wrdreg s18  }
0xb: {  	s1 =	sor.u32 s4, s1;
	s17 =	sadd.s32 $0x4000, s18;
	[dreg:$0x6] =	wrdreg s15  }
0xc: {  	s6 =	sadd.s32 s6, s5;
	s19 =	sadd.s32 $0x6000, s18;
	[dreg:$0x7] =	wrdreg s17  }
0xd: {  	s5 =	sadd.s32 $0x17200, s0;
	s20 =	sadd.s32 $0x8000, s18;
	[dreg:$0x8] =	wrdreg s19  }
0xe: {  	s8 =	simm.s32 $0x6;
	s21 =	sadd.s32 $0xA000, s18;
	[dreg:$0x9] =	wrdreg s20  }
0xf: {  	s7 =	sshrl.u32 s6, $0x3;
	s22 =	sadd.s32 $0xC000, s18;
	[dreg:$0xa] =	wrdreg s21  }
0x10: {  	s6 =	sadd.s32 $0x3200, s0;
	s23 =	sadd.s32 $0xE000, s18;
	[dreg:$0xb] =	wrdreg s22  }
0x11: {  	s24 =	sadd.s32 $0x10000, s18;
	s25 =	sadd.s32 $0x12000, s18;
	[dreg:$0xc] =	wrdreg s23  }
0x12: {  	s0 =	sadd.s32 s7, s0;
	s7 =	ssub.s32 s14, s9;
	[dreg:$0xd] =	wrdreg s24  }
0x13: {  	[dreg:$0xe] =	wrdreg s25;
	s17 =	smul.u32 $0x5000, s1;
	s20 =	simm.s32 $0x2800  }
0x14: {  	s21 =	simm.s32 $0x9;
	s22 =	simm.s32 $0x1400;
	s23 =	simm.s32 $0x40  }
0x15: {  	s24 =	simm.s32 $0x80;
	s25 =	simm.s32 $0x4800;
	s1 =	simm.s32 $0x2  }
0x16: {  	s9 =	simm.s32 $0x3;
	s14 =	simm.s32 $0x2700;
	s0 =	sadd.s32 $0x2B200, s0  }
0x17: {  	s15 =	simm.s32 $0x2780;
	s26 =	smax.u32 s7, $0x1;
	[dreg:$0xf] =	wrdreg s0  }
0x18: {  	v0 =	vimm.f32 $0.0e+00;
	[dreg:$0x10] =	wrdreg s26;
	s26 =	simm.s32 $0x100;
	s0 =	simm.s32 $0x5  }
.LBB2_1:
0x19: {  	[dreg:$0x4] =	wrdreg s16;
	s7 =	simm.s32 $0x0;
	s16 =	simm.s32 $0x200  }
.LBB2_2:
0x1a: {  	p0 =	sne.s32 s16, $0x7E00;
	[tilespmem:s7+$0x2870] =	vst v0  }
0x1b: {  	[tilespmem:s7+$0x2800] =	vst v0  }
0x1c: {  	[tilespmem:s7+$0x2810] =	vst v0  }
.Ltmp0:
0x1d: {  	[tilespmem:s7+$0x2820] =	vst v0;
	(pc) =	sbr.rel @p0 .LBB2_2-.Ltmp0, $4  }
0x1e: {  	[tilespmem:s7+$0x2830] =	vst v0  }
0x1f: {  	[tilespmem:s7+$0x2840] =	vst v0  }
0x20: {  	[tilespmem:s7+$0x2850] =	vst v0  }
0x21: {  	[tilespmem:s7+$0x2860] =	vst v0;
	s7 =	sshra.s32 s16, $0x2;
	s16 =	sadd.s32 $0x200, s16  }
0x22: {  	[tilespmem:s7+$0x2870] =	vst v0  }
0x23: {  	[tilespmem:s7+$0x2800] =	vst v0  }
0x24: {  	[tilespmem:s7+$0x2810] =	vst v0  }
0x25: {  	[tilespmem:s7+$0x2820] =	vst v0  }
0x26: {  	[tilespmem:s7+$0x2830] =	vst v0  }
0x27: {  	[tilespmem:s7+$0x2840] =	vst v0  }
0x28: {  	[tilespmem:s7+$0x2850] =	vst v0  }
0x29: {  	[tilespmem:s7+$0x2860] =	vst v0  }
0x2a: {  	[spmem:s18] =	stream.linear.scatter [tilespmem:s20], [sflag:$0x9], $0x2000, $0x38;
	[tilespmem:$0x1E800] =	vst v63  }
0x2b: {  	_ =	swait.ge [sflag:s21], $0x2000  }
0x2c: {  	[sflag:s21] =	ssyncset.done $0x0  }
0x2d: {  	s4 =	rddreg [dreg:$0x6];
	[sflag:s21] =	ssyncadd.s32 $0xFFFFE000  }
0x2e: {  	[spmem:s4] =	stream.linear.scatter [tilespmem:s20], [sflag:$0x9], $0x2000, $0x38;
	[tilespmem:$0x1E800] =	vst v63  }
0x2f: {  	_ =	swait.ge [sflag:s21], $0x2000  }
0x30: {  	[sflag:s21] =	ssyncset.done $0x0  }
0x31: {  	s7 =	rddreg [dreg:$0x7];
	[sflag:s21] =	ssyncadd.s32 $0xFFFFE000  }
0x32: {  	[spmem:s7] =	stream.linear.scatter [tilespmem:s20], [sflag:$0x9], $0x2000, $0x38;
	[tilespmem:$0x1E800] =	vst v63  }
0x33: {  	_ =	swait.ge [sflag:s21], $0x2000  }
0x34: {  	[sflag:s21] =	ssyncset.done $0x0  }
0x35: {  	s16 =	rddreg [dreg:$0x8];
	[sflag:s21] =	ssyncadd.s32 $0xFFFFE000  }
0x36: {  	[spmem:s16] =	stream.linear.scatter [tilespmem:s20], [sflag:$0x9], $0x2000, $0x38;
	[tilespmem:$0x1E800] =	vst v63  }
0x37: {  	_ =	swait.ge [sflag:s21], $0x2000  }
0x38: {  	[sflag:s21] =	ssyncset.done $0x0  }
0x39: {  	s18 =	rddreg [dreg:$0x9];
	[sflag:s21] =	ssyncadd.s32 $0xFFFFE000  }
0x3a: {  	[spmem:s18] =	stream.linear.scatter [tilespmem:s20], [sflag:$0x9], $0x2000, $0x38;
	[tilespmem:$0x1E800] =	vst v63  }
0x3b: {  	_ =	swait.ge [sflag:s21], $0x2000  }
0x3c: {  	[sflag:s21] =	ssyncset.done $0x0  }
0x3d: {  	s19 =	rddreg [dreg:$0xa];
	[sflag:s21] =	ssyncadd.s32 $0xFFFFE000  }
0x3e: {  	[spmem:s19] =	stream.linear.scatter [tilespmem:s20], [sflag:$0x9], $0x2000, $0x38;
	[tilespmem:$0x1E800] =	vst v63  }
0x3f: {  	_ =	swait.ge [sflag:s21], $0x2000  }
0x40: {  	[sflag:s21] =	ssyncset.done $0x0  }
0x41: {  	s7 =	rddreg [dreg:$0xb];
	[sflag:s21] =	ssyncadd.s32 $0xFFFFE000  }
0x42: {  	[spmem:s7] =	stream.linear.scatter [tilespmem:s20], [sflag:$0x9], $0x2000, $0x38;
	[tilespmem:$0x1E800] =	vst v63  }
0x43: {  	_ =	swait.ge [sflag:s21], $0x2000  }
0x44: {  	[sflag:s21] =	ssyncset.done $0x0  }
0x45: {  	s16 =	rddreg [dreg:$0xc];
	[sflag:s21] =	ssyncadd.s32 $0xFFFFE000  }
0x46: {  	[spmem:s16] =	stream.linear.scatter [tilespmem:s20], [sflag:$0x9], $0x2000, $0x38;
	[tilespmem:$0x1E800] =	vst v63  }
0x47: {  	_ =	swait.ge [sflag:s21], $0x2000  }
0x48: {  	[sflag:s21] =	ssyncset.done $0x0  }
0x49: {  	s18 =	rddreg [dreg:$0xd];
	[sflag:s21] =	ssyncadd.s32 $0xFFFFE000  }
0x4a: {  	[spmem:s18] =	stream.linear.scatter [tilespmem:s20], [sflag:$0x9], $0x2000, $0x38;
	[tilespmem:$0x1E800] =	vst v63  }
0x4b: {  	_ =	swait.ge [sflag:s21], $0x2000  }
0x4c: {  	[sflag:s21] =	ssyncset.done $0x0  }
0x4d: {  	s19 =	rddreg [dreg:$0xe];
	[sflag:s21] =	ssyncadd.s32 $0xFFFFE000  }
0x4e: {  	[spmem:s19] =	stream.linear.scatter [tilespmem:s20], [sflag:$0x9], $0x2000, $0x38;
	[tilespmem:$0x1E800] =	vst v63  }
0x4f: {  	_ =	swait.ge [sflag:s21], $0x2000  }
0x50: {  	[sflag:s21] =	ssyncset.done $0x0  }
0x51: {  	[sflag:s21] =	ssyncadd.s32 $0xFFFFE000  }
0x52: {  	s16 =	simm.s32 $0x0;
	s18 =	simm.s32 $0x0;
	[bflag:$0x0] =	sbarrier.arrive $0xFFFF  }
.LBB2_4:
0x53: {  	s7 =	smul.u32 $0x1400, s18;
	_ =	sdelay $0x1  }
0x54: {  	s7 =	sadd.s32 s17, s7  }
0x55: {  	s7 =	sshrl.u32 s7, $0x3  }
0x56: {  	s19 =	sadd.s32 s5, s7  }
0x57: {  	[tilespmem:s16], [sflag:$0x9] =	stream.linear.gather [hbm4b:s19+s16], $0x1400, $0x38;
	[tilespmem:$0x1E800] =	vst v63  }
0x58: {  	_ =	swait.ge [sflag:s21], $0x1400  }
0x59: {  	[sflag:s21] =	ssyncset.done $0x0  }
0x5a: {  	s7 =	sadd.s32 s6, s7;
	[sflag:s21] =	ssyncadd.s32 $0xFFFFEC00  }
0x5b: {  	[tilespmem:s22], [sflag:$0x9] =	stream.linear.gather [hbm4b:s7+s16], $0x1400, $0x38;
	[tilespmem:$0x1E800] =	vst v63  }
0x5c: {  	_ =	swait.ge [sflag:s21], $0x1400  }
0x5d: {  	[sflag:s21] =	ssyncset.done $0x0  }
0x5e: {  	[sflag:s21] =	ssyncadd.s32 $0xFFFFEC00  }
0x5f: {  	[tilespmem:s20], [sflag:$0x1] =	stream.indirect.gather [hbm4b:s2+s23], $0x80, s16, s23, $0xb8;
	[tilespmem:$0x1E800] =	vst v63  }
0x60: {  	_ = 	snop  }
0x61: {  	[tilespmem:s25], [sflag:$0x2] =	stream.indirect.gather [hbm4b:s2+s23], $0x80, s24, s23, $0xb8;
	[tilespmem:$0x1E800] =	vst v63  }
0x62: {  	_ = 	snop  }
0x63: {  	[tilespmem:s28], [sflag:$0x3] =	stream.indirect.gather [hbm4b:s2+s23], $0x80, s26, s23, $0xb8;
	[tilespmem:$0x1E800] =	vst v63  }
0x64: {  	_ = 	snop  }
0x65: {  	[tilespmem:s30], [sflag:$0x4] =	stream.indirect.gather [hbm4b:s2+s23], $0x80, s29, s23, $0xb8;
	[tilespmem:$0x1E800] =	vst v63  }
0x66: {  	_ =	swait.ge [sflag:s31], $0x2000  }
0x67: {  	[sflag:s31] =	ssyncset.done $0x0  }
0x68: {  	[sflag:s31] =	ssyncadd.s32 $0xFFFFE000  }
0x69: {  	[spmem:s3] =	stream.indirect.scatter.add.f32 [tilespmem:s20], [sflag:$0x5], $0x80, s22, s23, $0xb8;
	[tilespmem:$0x1E800] =	vst v63  }
0x6a: {  	_ =	swait.ge [sflag:s0], $0x2000  }
0x6b: {  	[sflag:s0] =	ssyncset.done $0x0  }
0x6c: {  	s19 =	simm.s32 $0x200;
	[sflag:s0] =	ssyncadd.s32 $0xFFFFE000  }
0x6d: {  	[tilespmem:s20], [sflag:$0x1] =	stream.indirect.gather [hbm4b:s2+s23], $0x80, s19, s23, $0xb8;
	[tilespmem:$0x1E800] =	vst v63  }
0x6e: {  	_ =	swait.ge [sflag:s1], $0x2000  }
0x6f: {  	[sflag:s1] =	ssyncset.done $0x0  }
0x70: {  	s4 =	simm.s32 $0x1480;
	[sflag:s1] =	ssyncadd.s32 $0xFFFFE000  }
0x71: {  	[spmem:s3] =	stream.indirect.scatter.add.f32 [tilespmem:s25], [sflag:$0x6], $0x80, s4, s23, $0xb8;
	[tilespmem:$0x1E800] =	vst v63  }
0x72: {  	_ =	swait.ge [sflag:s8], $0x2000  }
0x73: {  	[sflag:s8] =	ssyncset.done $0x0  }
0x74: {  	s19 =	simm.s32 $0x280;
	[sflag:s8] =	ssyncadd.s32 $0xFFFFE000  }
0x75: {  	[tilespmem:s25], [sflag:$0x2] =	stream.indirect.gather [hbm4b:s2+s23], $0x80, s19, s23, $0xb8;
	[tilespmem:$0x1E800] =	vst v63  }
0x76: {  	_ =	swait.ge [sflag:s9], $0x2000  }
0x77: {  	[sflag:s9] =	ssyncset.done $0x0  }
0x78: {  	s4 =	simm.s32 $0x1500;
	[sflag:s9] =	ssyncadd.s32 $0xFFFFE000  }
0x79: {  	[spmem:s3] =	stream.indirect.scatter.add.f32 [tilespmem:s28], [sflag:$0x7], $0x80, s4, s23, $0xb8;
	[tilespmem:$0x1E800] =	vst v63  }
0x7a: {  	_ =	swait.ge [sflag:s10], $0x2000  }
0x7b: {  	[sflag:s10] =	ssyncset.done $0x0  }
0x7c: {  	s19 =	simm.s32 $0x300;
	[sflag:s10] =	ssyncadd.s32 $0xFFFFE000  }
0x7d: {  	[tilespmem:s28], [sflag:$0x3] =	stream.indirect.gather [hbm4b:s2+s23], $0x80, s19, s23, $0xb8;
	[tilespmem:$0x1E800] =	vst v63  }
0x7e: {  	_ =	swait.ge [sflag:s11], $0x2000  }
0x7f: {  	[sflag:s11] =	ssyncset.done $0x0  }
0x80: {  	s4 =	simm.s32 $0x1580;
	[sflag:s11] =	ssyncadd.s32 $0xFFFFE000  }
0x81: {  	[spmem:s3] =	stream.indirect.scatter.add.f32 [tilespmem:s30], [sflag:$0x8], $0x80, s4, s23, $0xb8;
	[tilespmem:$0x1E800] =	vst v63  }
0x82: {  	_ =	swait.ge [sflag:s12], $0x2000  }
0x83: {  	[sflag:s12] =	ssyncset.done $0x0  }
0x84: {  	s19 =	simm.s32 $0x380;
	[sflag:s12] =	ssyncadd.s32 $0xFFFFE000  }
0x85: {  	[tilespmem:s30], [sflag:$0x4] =	stream.indirect.gather [hbm4b:s2+s23], $0x80, s19, s23, $0xb8;
	[tilespmem:$0x1E800] =	vst v63  }
0x86: {  	_ =	swait.ge [sflag:s31], $0x2000  }
0x87: {  	[sflag:s31] =	ssyncset.done $0x0  }
0x88: {  	s7 =	simm.s32 $0x1600;
	s19 =	simm.s32 $0x800;
	[sflag:s31] =	ssyncadd.s32 $0xFFFFE000  }
.LBB2_5:
0x89: {  	[spmem:s3] =	stream.indirect.scatter.add.f32 [tilespmem:s20], [sflag:$0x5], $0x80, s7, s23, $0xb8;
	[tilespmem:$0x1E800] =	vst v63  }
0x8a: {  	s7 =	smov.u32 s19  }
0x8b: {  	p0 =	sne.s32 s19, $0x4000;
	s19 =	sadd.s32 $0x800, s19;
	_ =	swait.ge [sflag:s0], $0x2000  }
0x8c: {  	s7 =	sshra.s32 s7, $0x2;
	[sflag:s0] =	ssyncset.done $0x0  }
0x8d: {  	s4 =	sadd.s32 $0x200, s7;
	[sflag:s0] =	ssyncadd.s32 $0xFFFFE000  }
0x8e: {  	[tilespmem:s20], [sflag:$0x1] =	stream.indirect.gather [hbm4b:s2+s23], $0x80, s4, s23, $0xb8;
	[tilespmem:$0x1E800] =	vst v63  }
0x8f: {  	_ =	swait.ge [sflag:s1], $0x2000  }
0x90: {  	[sflag:s1] =	ssyncset.done $0x0  }
0x91: {  	s4 =	sadd.s32 $0x1480, s7;
	[sflag:s1] =	ssyncadd.s32 $0xFFFFE000  }
0x92: {  	[spmem:s3] =	stream.indirect.scatter.add.f32 [tilespmem:s25], [sflag:$0x6], $0x80, s4, s23, $0xb8;
	[tilespmem:$0x1E800] =	vst v63  }
0x93: {  	_ =	swait.ge [sflag:s8], $0x2000  }
0x94: {  	[sflag:s8] =	ssyncset.done $0x0  }
0x95: {  	s4 =	sadd.s32 $0x280, s7;
	[sflag:s8] =	ssyncadd.s32 $0xFFFFE000  }
0x96: {  	[tilespmem:s25], [sflag:$0x2] =	stream.indirect.gather [hbm4b:s2+s23], $0x80, s4, s23, $0xb8;
	[tilespmem:$0x1E800] =	vst v63  }
0x97: {  	_ =	swait.ge [sflag:s9], $0x2000  }
0x98: {  	[sflag:s9] =	ssyncset.done $0x0  }
0x99: {  	s4 =	sadd.s32 $0x1500, s7;
	[sflag:s9] =	ssyncadd.s32 $0xFFFFE000  }
0x9a: {  	[spmem:s3] =	stream.indirect.scatter.add.f32 [tilespmem:s28], [sflag:$0x7], $0x80, s4, s23, $0xb8;
	[tilespmem:$0x1E800] =	vst v63  }
0x9b: {  	_ =	swait.ge [sflag:s10], $0x2000  }
0x9c: {  	[sflag:s10] =	ssyncset.done $0x0  }
0x9d: {  	s4 =	sadd.s32 $0x300, s7;
	[sflag:s10] =	ssyncadd.s32 $0xFFFFE000  }
0x9e: {  	[tilespmem:s28], [sflag:$0x3] =	stream.indirect.gather [hbm4b:s2+s23], $0x80, s4, s23, $0xb8;
	[tilespmem:$0x1E800] =	vst v63  }
0x9f: {  	_ =	swait.ge [sflag:s11], $0x2000  }
0xa0: {  	[sflag:s11] =	ssyncset.done $0x0  }
0xa1: {  	s4 =	sadd.s32 $0x1580, s7;
	[sflag:s11] =	ssyncadd.s32 $0xFFFFE000  }
0xa2: {  	[spmem:s3] =	stream.indirect.scatter.add.f32 [tilespmem:s30], [sflag:$0x8], $0x80, s4, s23, $0xb8;
	[tilespmem:$0x1E800] =	vst v63  }
0xa3: {  	_ =	swait.ge [sflag:s12], $0x2000  }
0xa4: {  	[sflag:s12] =	ssyncset.done $0x0  }
.Ltmp1:
0xa5: {  	s4 =	sadd.s32 $0x380, s7;
	[sflag:s12] =	ssyncadd.s32 $0xFFFFE000;
	(pc) =	sbr.rel @p0 .LBB2_5-.Ltmp1, $4  }
0xa6: {  	[tilespmem:s30], [sflag:$0x4] =	stream.indirect.gather [hbm4b:s2+s23], $0x80, s4, s23, $0xb8;
	[tilespmem:$0x1E800] =	vst v63  }
0xa7: {  	_ =	swait.ge [sflag:s31], $0x2000  }
0xa8: {  	[sflag:s31] =	ssyncset.done $0x0  }
0xa9: {  	s7 =	sadd.s32 $0x1600, s7;
	[sflag:s31] =	ssyncadd.s32 $0xFFFFE000  }
0xaa: {  	[spmem:s3] =	stream.indirect.scatter.add.f32 [tilespmem:s20], [sflag:$0x5], $0x80, s7, s23, $0xb8;
	[tilespmem:$0x1E800] =	vst v63  }
0xab: {  	_ =	swait.ge [sflag:s1], $0x2000  }
0xac: {  	[sflag:s1] =	ssyncset.done $0x0  }
0xad: {  	[sflag:s1] =	ssyncadd.s32 $0xFFFFE000  }
0xae: {  	[spmem:s3] =	stream.indirect.scatter.add.f32 [tilespmem:s25], [sflag:$0x6], $0x80, s13, s23, $0xb8;
	[tilespmem:$0x1E800] =	vst v63  }
0xaf: {  	_ =	swait.ge [sflag:s9], $0x2000  }
0xb0: {  	[sflag:s9] =	ssyncset.done $0x0  }
0xb1: {  	[sflag:s9] =	ssyncadd.s32 $0xFFFFE000  }
0xb2: {  	[spmem:s3] =	stream.indirect.scatter.add.f32 [tilespmem:s28], [sflag:$0x7], $0x80, s14, s23, $0xb8;
	[tilespmem:$0x1E800] =	vst v63  }
0xb3: {  	_ =	swait.ge [sflag:s11], $0x2000  }
0xb4: {  	[sflag:s11] =	ssyncset.done $0x0  }
0xb5: {  	[sflag:s11] =	ssyncadd.s32 $0xFFFFE000  }
0xb6: {  	[spmem:s3] =	stream.indirect.scatter.add.f32 [tilespmem:s30], [sflag:$0x8], $0x80, s15, s23, $0xb8;
	[tilespmem:$0x1E800] =	vst v63  }
0xb7: {  	_ =	swait.ge [sflag:s0], $0x2000  }
0xb8: {  	[sflag:s0] =	ssyncset.done $0x0  }
0xb9: {  	[sflag:s0] =	ssyncadd.s32 $0xFFFFE000  }
0xba: {  	_ =	swait.ge [sflag:s8], $0x2000  }
0xbb: {  	[sflag:s8] =	ssyncset.done $0x0  }
0xbc: {  	s18 =	sadd.s32 $0x1, s18;
	[sflag:s8] =	ssyncadd.s32 $0xFFFFE000  }
0xbd: {  	p0 =	sne.s32 s18, $0x4;
	_ =	swait.ge [sflag:s10], $0x2000  }
.Ltmp2:
0xbe: {  	[sflag:s10] =	ssyncset.done $0x0;
	(pc) =	sbr.rel @p0 .LBB2_4-.Ltmp2, $4  }
0xbf: {  	[sflag:s10] =	ssyncadd.s32 $0xFFFFE000  }
0xc0: {  	_ =	swait.ge [sflag:s12], $0x2000  }
0xc1: {  	[sflag:s12] =	ssyncset.done $0x0  }
0xc2: {  	[sflag:s12] =	ssyncadd.s32 $0xFFFFE000  }
0xc3: {  	s4 =	stileid.u32;
	[bflag:$0x0] =	sbarrier.arrive $0xFFFF  }
0xc4: {  	s4 =	sshll.u32 s4, $0x6;
	s18 =	rddreg [dreg:$0x5]  }
0xc5: {  	s16 =	rddreg [dreg:$0xf];
	s4 =	sor.u32 $0x1C09, s4;
	s7 =	sshrl.u32 s18, $0x3  }
0xc6: {  	[hbm:s16], [sflag:s4] =	dma.local [spmem:s7], $0x2800  }
0xc7: {  	_ =	swait.ge [sflag:s21], $0x2800  }
0xc8: {  	s7 =	rddreg [dreg:$0x4]  }
0xc9: {  	s19 =	rddreg [dreg:$0x10];
	s16 =	sadd.s32 $0x1, s7  }
0xca: {  	p0 =	sne.s32 s16, s19  }
.Ltmp3:
0xcb: {  	_ = 	snop;
	(pc) =	sbr.rel @p0 .LBB2_1-.Ltmp3, $3  }
0xcc: {  	_ =	sdelay $0x1  }
0xcd: {  	[sflag:s21] =	ssyncset.done $0x0  }
0xce: {  	[sflag:s21] =	ssyncadd.s32 $0xFFFFD800  }
0xcf: {  	_ =	sfence.sel $0x180000  }
0xd0: {  	[bflag:$0x0] =	sbarrier.arrive $0xFFFF  }
0xd1: {  	_ =	strace $0x9000004A  }
0xd2: {  	s0 =	stileid.u32;
	[bflag:$0x2] =	sbarrier.arrive $0xFFFF  }
0xd3: {  	p0 =	sne.s32 s0, $0x0;
	s0 =	rddreg [dreg:$0x3]  }
0xd4: {  	s0 =	sadd.s32 @!p0 $0x100000, s0  }
0xd5: {  	[sflag:s0] =	ssyncadd.tile.s32 @!p0 $0x1;
	_ =	shalt  }
.Lfunc_end2:
_tile_overlayer_lowered:
.L_overlay_start_2:
0xd6: {  	(tag) =	ssettag $0x2  }
0xd7: {  	s0 =	rddreg [dreg:$0x0];
	s2 =	stileid.u32  }
0xd8: {  	s1 =	rddreg [dreg:$0x1];
	p0 =	sne.s32 s2, $0x0  }
0xd9: {  	s3 =	rddreg [dreg:$0x2];
	[bflag:$0x3] =	sbarrier.arrive $0xFFFF;
	s2 =	simm.s32 @!p0 $0x1C09  }
0xda: {  	[timem:s3], [sflag:s2] =	dma.local @!p0 [hbm:s0], s1  }
0xdb: {  	s0 =	simm.s32 @!p0 $0x9  }
0xdc: {  	_ =	swait.ge @!p0 [sflag:s0], s1  }
0xdd: {  	s1 =	ssub.s32 @!p0 $0x0, s1;
	[sflag:s0] =	ssyncset.done @!p0 $0x0  }
0xde: {  	[sflag:s0] =	ssyncadd.s32 @!p0 s1  }
0xdf: {  	[bflag:$0x3] =	sbarrier.arrive $0xFFFF  }
0xe0: {  	_ =	shalt  }

// kernel: kernel.15.cloned.1.call-start
scs
__scs_entry_jumppad:
0x0: {  	(pc) =	sbr.rel $0x88, $3  }
0x1: {  	(tag) =	ssettag $0x0;
	lr =	simm.s32 $0x1  }
0x2: {  	[smem:$0x3F95] =	sst lr;
	_ =	strace $0xD0000000  }
0x3: {  	_ = 	snop  }
0x4: {  	_ = 	snop  }
0x5: {  	_ = 	snop  }
0x6: {  	_ = 	snop  }
0x7: {  	_ = 	snop  }
__scs_overlays_trampoline_lowered:
0x8: {  	[smem:$0x3FA4] =	sst s0  }
0x9: {  	[smem:$0x3FA5] =	sst s1  }
0xa: {  	[smem:$0x3FA6] =	sst s2  }
0xb: {  	[smem:$0x3FA7] =	sst s3  }
0xc: {  	[smem:$0x3FA8] =	sst s4  }
0xd: {  	[smem:$0x3FA9] =	sst s5  }
0xe: {  	[smem:$0x3FAA] =	sst s6  }
0xf: {  	[smem:$0x3FAB] =	sst s7  }
0x10: {  	[smem:$0x3FAC] =	sst s8  }
0x11: {  	[smem:$0x3FAD] =	sst s9;
	s0 =	simm.s32 @!p0 $0x0  }
0x12: {  	s1 =	sld [smem:$0x3F93];
	s0 =	simm.s32 @p0 $0x1  }
0x13: {  	[smem:$0x3FAE] =	sst s0;
	s0 =	simm.s32 @!p1 $0x0  }
0x14: {  	s2 =	sld [smem:$0x3F92];
	s0 =	simm.s32 @p1 $0x1  }
0x15: {  	[smem:$0x3FAF] =	sst s0;
	s0 =	simm.s32 @!p2 $0x0  }
0x16: {  	s3 =	sld [smem:$0x3FDB];
	s0 =	simm.s32 @p2 $0x1  }
0x17: {  	s4 =	simm.s32 $0x1BF5;
	[smem:$0x3FB1] =	sst s0  }
0x18: {  	s0 =	sld [smem:$0x3F94];
	_ =	swait.ge [sflag:s4], $0x0  }
0x19: {  	s7 =	sld [smem:$0x3F95]  }
0x1a: {  	s8 =	sadd.s32 $0xFFFFE003, lr  }
0x1b: {  	s9 =	sadd.s32 $0xFFFFFEF7, lr;
	s5 =	simm.s32 $0xFFFFFFFF;
	p2 =	slt.u32 s8, $0xFFFFF086  }
0x1c: {  	p1 =	slt.u32 s9, $0xF7A;
	s5 =	simm.s32 @!p2 $0x0  }
0x1d: {  	s5 =	simm.s32 @p1 $0x1;
	p0 =	seq.s32 s7, s2  }
0x1e: {  	s7 =	smul.u32 @!p0 $0xF7A, s2;
	p2 =	seq.s32 @!p0 s5, $0x0  }
0x1f: {  	s9 =	smul.u32 $0xF7A, s1;
	s8 =	simm.s32 @!p0 $0x1BF5;
	p2 =	por !p2, p0  }
0x20: {  	[sflag:s8] =	ssyncset.s32 @!p0 $0xFFFFF086;
	s6 =	sadd.s32 @!p0 s3, s7;
	s7 =	simm.s32 @!p0 $0x108  }
0x21: {  	s3 =	sadd.s32 s3, s9;
	s6 =	sadd.s32 @!p0 $0x88, s6;
	s7 =	simm.s32 @p2 $0x1082  }
0x22: {  	[simem:s7], [sflag:s8] =	dma.local @!p0 [hbm:s6], $0xF7A  }
0x23: {  	s9 =	sor.u32 $0xD0000000, s2;
	s6 =	simm.s32 $0x108;
	_ =	swait.ge @!p0 [sflag:s8], $0x0  }
0x24: {  	s3 =	sadd.s32 $0x88, s3;
	s6 =	simm.s32 @!p1 $0x1082;
	[sflag:s4] =	ssyncset.s32 $0xFFFFF086  }
0x25: {  	[simem:s6], [sflag:s4] =	dma.local [hbm:s3], $0xF7A  }
0x26: {  	[smem:$0x3F95] =	sst s1;
	(tag) =	ssettag s2;
	_ =	strace s9  }
0x27: {  	s1 =	sld [smem:$0x3FA5]  }
0x28: {  	s2 =	sld [smem:$0x3FA6]  }
0x29: {  	s4 =	sld [smem:$0x3FA8]  }
0x2a: {  	p0 =	seq.s32 s5, $0x0;
	s5 =	sld [smem:$0x3FA9]  }
0x2b: {  	s6 =	sld [smem:$0x3FAA]  }
0x2c: {  	s7 =	sld [smem:$0x3FAB]  }
0x2d: {  	s3 =	simm.s32 $0x108;
	s8 =	sld [smem:$0x3FAC]  }
0x2e: {  	s3 =	simm.s32 @!p0 $0x1082;
	s9 =	sld [smem:$0x3FAD]  }
0x2f: {  	lr =	sadd.s32 s0, s3;
	s0 =	sld [smem:$0x3FA4]  }
0x30: {  	s3 =	sld [smem:$0x3FA7]  }
0x31: {  	[smem:$0x3FB0] =	sst s10  }
0x32: {  	s10 =	sld [smem:$0x3FAE];
	_ =	sdelay $0x3  }
0x33: {  	p0 =	seq.s32 s10, $0x1;
	s10 =	sld [smem:$0x3FB0];
	_ =	sdelay $0x3  }
0x34: {  	[smem:$0x3FB0] =	sst s10  }
0x35: {  	s10 =	sld [smem:$0x3FAF];
	_ =	sdelay $0x3  }
0x36: {  	p1 =	seq.s32 s10, $0x1;
	s10 =	sld [smem:$0x3FB0];
	_ =	sdelay $0x3  }
0x37: {  	[smem:$0x3FB0] =	sst s10  }
0x38: {  	s10 =	sld [smem:$0x3FB1]  }
0x39: {  	_ = 	snop;
	(pc) =	sbr.ind lr, $3  }
0x3a: {  	_ = 	snop  }
0x3b: {  	_ = 	snop  }
0x3c: {  	p2 =	seq.s32 s10, $0x1;
	s10 =	sld [smem:$0x3FB0]  }
0x3d: {  	_ =	shalt  }
0x3e: {  	_ =	shalt  }
0x3f: {  	_ =	shalt  }
0x40: {  	_ =	shalt  }
0x41: {  	_ =	shalt  }
0x42: {  	_ =	shalt  }
0x43: {  	_ =	shalt  }
0x44: {  	_ =	shalt  }
0x45: {  	_ =	shalt  }
0x46: {  	_ =	shalt  }
0x47: {  	_ =	shalt  }
0x48: {  	_ =	shalt  }
0x49: {  	_ =	shalt  }
0x4a: {  	_ =	shalt  }
0x4b: {  	_ =	shalt  }
0x4c: {  	_ =	shalt  }
0x4d: {  	_ =	shalt  }
0x4e: {  	_ =	shalt  }
0x4f: {  	_ =	shalt  }
0x50: {  	_ =	shalt  }
0x51: {  	_ =	shalt  }
0x52: {  	_ =	shalt  }
0x53: {  	_ =	shalt  }
0x54: {  	_ =	shalt  }
0x55: {  	_ =	shalt  }
0x56: {  	_ =	shalt  }
0x57: {  	_ =	shalt  }
0x58: {  	_ =	shalt  }
0x59: {  	_ =	shalt  }
0x5a: {  	_ =	shalt  }
0x5b: {  	_ =	shalt  }
0x5c: {  	_ =	shalt  }
0x5d: {  	_ =	shalt  }
0x5e: {  	_ =	shalt  }
0x5f: {  	_ =	shalt  }
0x60: {  	_ =	shalt  }
0x61: {  	_ =	shalt  }
0x62: {  	_ =	shalt  }
0x63: {  	_ =	shalt  }
0x64: {  	_ =	shalt  }
0x65: {  	_ =	shalt  }
0x66: {  	_ =	shalt  }
0x67: {  	_ =	shalt  }
0x68: {  	_ =	shalt  }
0x69: {  	_ =	shalt  }
0x6a: {  	_ =	shalt  }
0x6b: {  	_ =	shalt  }
0x6c: {  	_ =	shalt  }
0x6d: {  	_ =	shalt  }
0x6e: {  	_ =	shalt  }
0x6f: {  	_ =	shalt  }
0x70: {  	_ =	shalt  }
0x71: {  	_ =	shalt  }
0x72: {  	_ =	shalt  }
0x73: {  	_ =	shalt  }
0x74: {  	_ =	shalt  }
0x75: {  	_ =	shalt  }
0x76: {  	_ =	shalt  }
0x77: {  	_ =	shalt  }
0x78: {  	_ =	shalt  }
0x79: {  	_ =	shalt  }
0x7a: {  	_ =	shalt  }
0x7b: {  	_ =	shalt  }
0x7c: {  	_ =	shalt  }
0x7d: {  	_ =	shalt  }
0x7e: {  	_ =	shalt  }
0x7f: {  	_ =	shalt  }
0x80: {  	_ =	shalt  }
0x81: {  	_ =	shalt  }
0x82: {  	_ =	shalt  }
0x83: {  	_ =	shalt  }
0x84: {  	_ =	shalt  }
0x85: {  	_ =	shalt  }
0x86: {  	_ =	shalt  }
0x87: {  	_ =	shalt  }
.Lfunc_end0:
.L_simem_size_0:
called_computation.2_lowered:
.L_overlay_start_0:
0x88: {  	s2 =	sld [smem:$0x3FD9]  }
0x89: {  	s3 =	sld [smem:$0x3FFE];
	_ =	sdelay $0x1  }
0x8a: {  	s1 =	srdreg.scid  }
0x8b: {  	s0 =	sand.u32 $0x1, s1  }
0x8c: {  	s17 =	sshll.u32 s0, $0xA;
	s2 =	sadd.s32 s3, s2  }
0x8d: {  	s2 =	sadd.s32 s2, s17  }
0x8e: {  	[smem:$0x3FBC] =	sst s2  }
0x8f: {  	_ = 	snop  }
0x90: {  	s2 =	sld [smem:$0x3FD0];
	(tm) =	ssettm $0x1  }
0x91: {  	s18 =	sld [smem:$0x3FFB];
	_ =	sdelay $0x3  }
0x92: {  	_ =	strace s18  }
0x93: {  	s3 =	sld [smem:$0x3FFC];
	_ =	sdelay $0x3  }
0x94: {  	_ =	strace s3  }
0x95: {  	s3 =	sld [smem:$0x3FFD];
	_ =	sdelay $0x3  }
0x96: {  	_ =	strace s3  }
0x97: {  	_ =	strace $0x8FFFFFFF  }
0x98: {  	s19 =	sld [smem:$0x3FDB];
	_ =	sdelay $0x1  }
0x99: {  	s4 =	simm.s32 $_scs_section_size  }
0x9a: {  	s5 =	simm.s32 $_size__tile_overlayer_lowered;
	s6 =	simm.s32 $_tile_overlayer_lowered  }
0x9b: {  	s22 =	simm.s32 $0x1BFF;
	s21 =	sshll.u32 s6, $0x1;
	s3 =	sadd.s32 s4, s19  }
0x9c: {  	s7 =	simm.s32 $0x0;
	s20 =	sshll.u32 s5, $0x1;
	s5 =	sadd.s32 s21, s3  }
0x9d: {  	[timem:s7], [sflag:s22] =	dma.local [hbm:s5], s20  }
0x9e: {  	_ =	swait.ge [sflag:s22], s20  }
0x9f: {  	s4 =	ssub.s32 $0x0, s20;
	[sflag:s22] =	ssyncset.done $0x0  }
0xa0: {  	[sflag:s22] =	ssyncadd.s32 s4;
	_ =	sdelay $0x1  }
0xa1: {  	s23 =	simm.s32 $0x1B8B  }
0xa2: {  	_ =	swait.ge [sflag:s23], $0x1  }
0xa3: {  	[sflag:s23] =	ssyncset.done $0x0  }
0xa4: {  	s25 =	simm.s32 $0x1B8E;
	s24 =	sld [smem:$0x3FFE];
	[sflag:s23] =	ssyncadd.s32 $0xFFFFFFFF  }
0xa5: {  	s26 =	simm.s32 $execute0_lowered;
	[smem:$0x3FD2] =	sst s25  }
0xa6: {  	s5 =	sshll.u32 s26, $0x1;
	_ =	strace $0x8000004C;
	[dreg:$0x1] =	wrdreg $0xFFFFFFFF  }
0xa7: {  	s28 =	simm.s32 $_size_execute0_lowered;
	s3 =	sadd.s32 s3, s5;
	[dreg:$0x0] =	wrdreg $0x0  }
0xa8: {  	s5 =	sshll.u32 s28, $0x1;
	[dreg:$0x2] =	wrdreg s3  }
0xa9: {  	[dreg:$0x3] =	wrdreg s5  }
0xaa: {  	[dreg:$0x4] =	wrdreg $0xC0  }
0xab: {  	_ =	task [dreg:s7], $0x5FFFF  }
0xac: {  	[dreg:$0x1] =	wrdreg $0xFFFFFFFF  }
0xad: {  	[dreg:$0x0] =	wrdreg $0x60  }
0xae: {  	[dreg:$0x2] =	wrdreg s24  }
0xaf: {  	[dreg:$0x3] =	wrdreg s2  }
0xb0: {  	[dreg:$0x4] =	wrdreg $0xA8000  }
0xb1: {  	[dreg:$0x5] =	wrdreg $0x9  }
0xb2: {  	_ =	task.clear_ibuf [dreg:s7], $0x6FFFF;
	_ =	strace $0x9000004C  }
0xb3: {  	s29 =	simm.s32 $0x9;
	_ =	strace $0x8000004E  }
0xb4: {  	_ =	swait.ge [sflag:s29], $0x1  }
0xb5: {  	[sflag:s29] =	ssyncadd.s32 $0xFFFFFFFF  }
0xb6: {  	_ =	strace $0x9000004E  }
0xb7: {  	_ =	sfence  }
0xb8: {  	s30 =	sld [smem:$0x0];
	_ =	sdelay $0x2  }
0xb9: {  	s31 =	sshll.u32 s1, $0xD;
	s1 =	sshrl.u32 s1, $0x2  }
0xba: {  	s3 =	sand.u32 $0x4000, s31;
	s1 =	sadd.s32 s1, s30  }
0xbb: {  	s0 =	sor.u32 s3, s0;
	s1 =	sshll.u32 s1, $0x11  }
0xbc: {  	s0 =	sor.u32 s1, s0  }
0xbd: {  	s0 =	sadd.s32 $0x8F2B, s0  }
0xbe: {  	[sflag:s0] =	ssyncadd.remote.s32 $0x1  }
0xbf: {  	_ =	sfence.sel $0xFFFF  }
0xc0: {  	[dreg:$0x0] =	wrdreg $0xFFFFFFFF;
	(pc) =	sbr.abs _section_cstart, $3  }
0xc1: {  	[dreg:$0x1] =	wrdreg $0xFFFFFFFF  }
0xc2: {  	_ =	task.clear_ibuf [dreg:s7], $0x2FFFF;
	_ =	strace $0x9FFFFFFF  }
0xc3: {  	(tm) =	ssettm $0x7FFFFFFF  }
tec
execute0_lowered:
.L_overlay_start_1:
0x0: {  	(tag) =	ssettag $0x1  }
0x1: {  	s0 =	rddreg [dreg:$0x0]  }
0x2: {  	s2 =	rddreg [dreg:$0x1];
	s1 =	srdreg.scid  }
0x3: {  	s3 =	rddreg [dreg:$0x2];
	s4 =	stileid.u32;
	s16 =	simm.s32 $0x0  }
0x4: {  	s28 =	simm.s32 $0x6800;
	s29 =	simm.s32 $0x180;
	s30 =	simm.s32 $0x8800  }
0x5: {  	s31 =	simm.s32 $0x1;
	s10 =	simm.s32 $0x7;
	s11 =	simm.s32 $0x4  }
0x6: {  	s12 =	simm.s32 $0x8;
	s13 =	simm.s32 $0x2680;
	s8 =	smul.u32 $0x50000, s4  }
0x7: {  	s1 =	sand.u32 $0x1, s1;
	s6 =	smul.u32 $0x14000, s4;
	[smem:$0x7FF] =	sst s16  }
0x8: {  	s5 =	smul.u32 $0x140000, s1;
	_ =	strace $0x8000004D;
	s8 =	sshrl.u32 s8, $0x2  }
0x9: {  	s14 =	ssub.s32 $0x2, s1;
	s1 =	sshll.u32 s1, $0x4;
	s18 =	sadd.s32 s8, s3  }
0xa: {  	s9 =	sshrl.u32 s14, $0x1;
	s15 =	sadd.s32 $0x2000, s18;
	[dreg:$0x5] =	wrdreg s18  }
0xb: {  	s1 =	sor.u32 s4, s1;
	s17 =	sadd.s32 $0x4000, s18;
	[dreg:$0x6] =	wrdreg s15  }
0xc: {  	s6 =	sadd.s32 s6, s5;
	s19 =	sadd.s32 $0x6000, s18;
	[dreg:$0x7] =	wrdreg s17  }
0xd: {  	s5 =	sadd.s32 $0x17200, s0;
	s20 =	sadd.s32 $0x8000, s18;
	[dreg:$0x8] =	wrdreg s19  }
0xe: {  	s8 =	simm.s32 $0x6;
	s21 =	sadd.s32 $0xA000, s18;
	[dreg:$0x9] =	wrdreg s20  }
0xf: {  	s7 =	sshrl.u32 s6, $0x3;
	s22 =	sadd.s32 $0xC000, s18;
	[dreg:$0xa] =	wrdreg s21  }
0x10: {  	s6 =	sadd.s32 $0x3200, s0;
	s23 =	sadd.s32 $0xE000, s18;
	[dreg:$0xb] =	wrdreg s22  }
0x11: {  	s24 =	sadd.s32 $0x10000, s18;
	s25 =	sadd.s32 $0x12000, s18;
	[dreg:$0xc] =	wrdreg s23  }
0x12: {  	s0 =	sadd.s32 s7, s0;
	s7 =	ssub.s32 s14, s9;
	[dreg:$0xd] =	wrdreg s24  }
0x13: {  	[dreg:$0xe] =	wrdreg s25;
	s17 =	smul.u32 $0x5000, s1;
	s20 =	simm.s32 $0x2800  }
0x14: {  	s21 =	simm.s32 $0x9;
	s22 =	simm.s32 $0x1400;
	s23 =	simm.s32 $0x40  }
0x15: {  	s24 =	simm.s32 $0x80;
	s25 =	simm.s32 $0x4800;
	s1 =	simm.s32 $0x2  }
0x16: {  	s9 =	simm.s32 $0x3;
	s14 =	simm.s32 $0x2700;
	s0 =	sadd.s32 $0x2B200, s0  }
0x17: {  	s15 =	simm.s32 $0x2780;
	s26 =	smax.u32 s7, $0x1;
	[dreg:$0xf] =	wrdreg s0  }
0x18: {  	v0 =	vimm.f32 $0.0e+00;
	[dreg:$0x10] =	wrdreg s26;
	s26 =	simm.s32 $0x100;
	s0 =	simm.s32 $0x5  }
.LBB2_1:
0x19: {  	[dreg:$0x4] =	wrdreg s16;
	s7 =	simm.s32 $0x0;
	s16 =	simm.s32 $0x200  }
.LBB2_2:
0x1a: {  	p0 =	sne.s32 s16, $0x7E00;
	[tilespmem:s7+$0x2870] =	vst v0  }
0x1b: {  	[tilespmem:s7+$0x2800] =	vst v0  }
0x1c: {  	[tilespmem:s7+$0x2810] =	vst v0  }
.Ltmp0:
0x1d: {  	[tilespmem:s7+$0x2820] =	vst v0;
	(pc) =	sbr.rel @p0 .LBB2_2-.Ltmp0, $4  }
0x1e: {  	[tilespmem:s7+$0x2830] =	vst v0  }
0x1f: {  	[tilespmem:s7+$0x2840] =	vst v0  }
0x20: {  	[tilespmem:s7+$0x2850] =	vst v0  }
0x21: {  	[tilespmem:s7+$0x2860] =	vst v0;
	s7 =	sshra.s32 s16, $0x2;
	s16 =	sadd.s32 $0x200, s16  }
0x22: {  	[tilespmem:s7+$0x2870] =	vst v0  }
0x23: {  	[tilespmem:s7+$0x2800] =	vst v0  }
0x24: {  	[tilespmem:s7+$0x2810] =	vst v0  }
0x25: {  	[tilespmem:s7+$0x2820] =	vst v0  }
0x26: {  	[tilespmem:s7+$0x2830] =	vst v0  }
0x27: {  	[tilespmem:s7+$0x2840] =	vst v0  }
0x28: {  	[tilespmem:s7+$0x2850] =	vst v0  }
0x29: {  	[tilespmem:s7+$0x2860] =	vst v0  }
0x2a: {  	[spmem:s18] =	stream.linear.scatter [tilespmem:s20], [sflag:$0x9], $0x2000, $0x38;
	[tilespmem:$0x1E800] =	vst v63  }
0x2b: {  	_ =	swait.ge [sflag:s21], $0x2000  }
0x2c: {  	[sflag:s21] =	ssyncset.done $0x0  }
0x2d: {  	s4 =	rddreg [dreg:$0x6];
	[sflag:s21] =	ssyncadd.s32 $0xFFFFE000  }
0x2e: {  	[spmem:s4] =	stream.linear.scatter [tilespmem:s20], [sflag:$0x9], $0x2000, $0x38;
	[tilespmem:$0x1E800] =	vst v63  }
0x2f: {  	_ =	swait.ge [sflag:s21], $0x2000  }
0x30: {  	[sflag:s21] =	ssyncset.done $0x0  }
0x31: {  	s7 =	rddreg [dreg:$0x7];
	[sflag:s21] =	ssyncadd.s32 $0xFFFFE000  }
0x32: {  	[spmem:s7] =	stream.linear.scatter [tilespmem:s20], [sflag:$0x9], $0x2000, $0x38;
	[tilespmem:$0x1E800] =	vst v63  }
0x33: {  	_ =	swait.ge [sflag:s21], $0x2000  }
0x34: {  	[sflag:s21] =	ssyncset.done $0x0  }
0x35: {  	s16 =	rddreg [dreg:$0x8];
	[sflag:s21] =	ssyncadd.s32 $0xFFFFE000  }
0x36: {  	[spmem:s16] =	stream.linear.scatter [tilespmem:s20], [sflag:$0x9], $0x2000, $0x38;
	[tilespmem:$0x1E800] =	vst v63  }
0x37: {  	_ =	swait.ge [sflag:s21], $0x2000  }
0x38: {  	[sflag:s21] =	ssyncset.done $0x0  }
0x39: {  	s18 =	rddreg [dreg:$0x9];
	[sflag:s21] =	ssyncadd.s32 $0xFFFFE000  }
0x3a: {  	[spmem:s18] =	stream.linear.scatter [tilespmem:s20], [sflag:$0x9], $0x2000, $0x38;
	[tilespmem:$0x1E800] =	vst v63  }
0x3b: {  	_ =	swait.ge [sflag:s21], $0x2000  }
0x3c: {  	[sflag:s21] =	ssyncset.done $0x0  }
0x3d: {  	s19 =	rddreg [dreg:$0xa];
	[sflag:s21] =	ssyncadd.s32 $0xFFFFE000  }
0x3e: {  	[spmem:s19] =	stream.linear.scatter [tilespmem:s20], [sflag:$0x9], $0x2000, $0x38;
	[tilespmem:$0x1E800] =	vst v63  }
0x3f: {  	_ =	swait.ge [sflag:s21], $0x2000  }
0x40: {  	[sflag:s21] =	ssyncset.done $0x0  }
0x41: {  	s7 =	rddreg [dreg:$0xb];
	[sflag:s21] =	ssyncadd.s32 $0xFFFFE000  }
0x42: {  	[spmem:s7] =	stream.linear.scatter [tilespmem:s20], [sflag:$0x9], $0x2000, $0x38;
	[tilespmem:$0x1E800] =	vst v63  }
0x43: {  	_ =	swait.ge [sflag:s21], $0x2000  }
0x44: {  	[sflag:s21] =	ssyncset.done $0x0  }
0x45: {  	s16 =	rddreg [dreg:$0xc];
	[sflag:s21] =	ssyncadd.s32 $0xFFFFE000  }
0x46: {  	[spmem:s16] =	stream.linear.scatter [tilespmem:s20], [sflag:$0x9], $0x2000, $0x38;
	[tilespmem:$0x1E800] =	vst v63  }
0x47: {  	_ =	swait.ge [sflag:s21], $0x2000  }
0x48: {  	[sflag:s21] =	ssyncset.done $0x0  }
0x49: {  	s18 =	rddreg [dreg:$0xd];
	[sflag:s21] =	ssyncadd.s32 $0xFFFFE000  }
0x4a: {  	[spmem:s18] =	stream.linear.scatter [tilespmem:s20], [sflag:$0x9], $0x2000, $0x38;
	[tilespmem:$0x1E800] =	vst v63  }
0x4b: {  	_ =	swait.ge [sflag:s21], $0x2000  }
0x4c: {  	[sflag:s21] =	ssyncset.done $0x0  }
0x4d: {  	s19 =	rddreg [dreg:$0xe];
	[sflag:s21] =	ssyncadd.s32 $0xFFFFE000  }
0x4e: {  	[spmem:s19] =	stream.linear.scatter [tilespmem:s20], [sflag:$0x9], $0x2000, $0x38;
	[tilespmem:$0x1E800] =	vst v63  }
0x4f: {  	_ =	swait.ge [sflag:s21], $0x2000  }
0x50: {  	[sflag:s21] =	ssyncset.done $0x0  }
0x51: {  	[sflag:s21] =	ssyncadd.s32 $0xFFFFE000  }
0x52: {  	s16 =	simm.s32 $0x0;
	s18 =	simm.s32 $0x0;
	[bflag:$0x0] =	sbarrier.arrive $0xFFFF  }
.LBB2_4:
0x53: {  	s7 =	smul.u32 $0x1400, s18;
	_ =	sdelay $0x1  }
0x54: {  	s7 =	sadd.s32 s17, s7  }
0x55: {  	s7 =	sshrl.u32 s7, $0x3  }
0x56: {  	s19 =	sadd.s32 s5, s7  }
0x57: {  	[tilespmem:s16], [sflag:$0x9] =	stream.linear.gather [hbm4b:s19+s16], $0x1400, $0x38;
	[tilespmem:$0x1E800] =	vst v63  }
0x58: {  	_ =	swait.ge [sflag:s21], $0x1400  }
0x59: {  	[sflag:s21] =	ssyncset.done $0x0  }
0x5a: {  	s7 =	sadd.s32 s6, s7;
	[sflag:s21] =	ssyncadd.s32 $0xFFFFEC00  }
0x5b: {  	[tilespmem:s22], [sflag:$0x9] =	stream.linear.gather [hbm4b:s7+s16], $0x1400, $0x38;
	[tilespmem:$0x1E800] =	vst v63  }
0x5c: {  	_ =	swait.ge [sflag:s21], $0x1400  }
0x5d: {  	[sflag:s21] =	ssyncset.done $0x0  }
0x5e: {  	[sflag:s21] =	ssyncadd.s32 $0xFFFFEC00  }
0x5f: {  	[tilespmem:s20], [sflag:$0x1] =	stream.indirect.gather [hbm4b:s2+s23], $0x80, s16, s23, $0xb8;
	[tilespmem:$0x1E800] =	vst v63  }
0x60: {  	_ = 	snop  }
0x61: {  	[tilespmem:s25], [sflag:$0x2] =	stream.indirect.gather [hbm4b:s2+s23], $0x80, s24, s23, $0xb8;
	[tilespmem:$0x1E800] =	vst v63  }
0x62: {  	_ = 	snop  }
0x63: {  	[tilespmem:s28], [sflag:$0x3] =	stream.indirect.gather [hbm4b:s2+s23], $0x80, s26, s23, $0xb8;
	[tilespmem:$0x1E800] =	vst v63  }
0x64: {  	_ = 	snop  }
0x65: {  	[tilespmem:s30], [sflag:$0x4] =	stream.indirect.gather [hbm4b:s2+s23], $0x80, s29, s23, $0xb8;
	[tilespmem:$0x1E800] =	vst v63  }
0x66: {  	_ =	swait.ge [sflag:s31], $0x2000  }
0x67: {  	[sflag:s31] =	ssyncset.done $0x0  }
0x68: {  	[sflag:s31] =	ssyncadd.s32 $0xFFFFE000  }
0x69: {  	[spmem:s3] =	stream.indirect.scatter.add.f32 [tilespmem:s20], [sflag:$0x5], $0x80, s22, s23, $0xb8;
	[tilespmem:$0x1E800] =	vst v63  }
0x6a: {  	_ =	swait.ge [sflag:s0], $0x2000  }
0x6b: {  	[sflag:s0] =	ssyncset.done $0x0  }
0x6c: {  	s19 =	simm.s32 $0x200;
	[sflag:s0] =	ssyncadd.s32 $0xFFFFE000  }
0x6d: {  	[tilespmem:s20], [sflag:$0x1] =	stream.indirect.gather [hbm4b:s2+s23], $0x80, s19, s23, $0xb8;
	[tilespmem:$0x1E800] =	vst v63  }
0x6e: {  	_ =	swait.ge [sflag:s1], $0x2000  }
0x6f: {  	[sflag:s1] =	ssyncset.done $0x0  }
0x70: {  	s4 =	simm.s32 $0x1480;
	[sflag:s1] =	ssyncadd.s32 $0xFFFFE000  }
0x71: {  	[spmem:s3] =	stream.indirect.scatter.add.f32 [tilespmem:s25], [sflag:$0x6], $0x80, s4, s23, $0xb8;
	[tilespmem:$0x1E800] =	vst v63  }
0x72: {  	_ =	swait.ge [sflag:s8], $0x2000  }
0x73: {  	[sflag:s8] =	ssyncset.done $0x0  }
0x74: {  	s19 =	simm.s32 $0x280;
	[sflag:s8] =	ssyncadd.s32 $0xFFFFE000  }
0x75: {  	[tilespmem:s25], [sflag:$0x2] =	stream.indirect.gather [hbm4b:s2+s23], $0x80, s19, s23, $0xb8;
	[tilespmem:$0x1E800] =	vst v63  }
0x76: {  	_ =	swait.ge [sflag:s9], $0x2000  }
0x77: {  	[sflag:s9] =	ssyncset.done $0x0  }
0x78: {  	s4 =	simm.s32 $0x1500;
	[sflag:s9] =	ssyncadd.s32 $0xFFFFE000  }
0x79: {  	[spmem:s3] =	stream.indirect.scatter.add.f32 [tilespmem:s28], [sflag:$0x7], $0x80, s4, s23, $0xb8;
	[tilespmem:$0x1E800] =	vst v63  }
0x7a: {  	_ =	swait.ge [sflag:s10], $0x2000  }
0x7b: {  	[sflag:s10] =	ssyncset.done $0x0  }
0x7c: {  	s19 =	simm.s32 $0x300;
	[sflag:s10] =	ssyncadd.s32 $0xFFFFE000  }
0x7d: {  	[tilespmem:s28], [sflag:$0x3] =	stream.indirect.gather [hbm4b:s2+s23], $0x80, s19, s23, $0xb8;
	[tilespmem:$0x1E800] =	vst v63  }
0x7e: {  	_ =	swait.ge [sflag:s11], $0x2000  }
0x7f: {  	[sflag:s11] =	ssyncset.done $0x0  }
0x80: {  	s4 =	simm.s32 $0x1580;
	[sflag:s11] =	ssyncadd.s32 $0xFFFFE000  }
0x81: {  	[spmem:s3] =	stream.indirect.scatter.add.f32 [tilespmem:s30], [sflag:$0x8], $0x80, s4, s23, $0xb8;
	[tilespmem:$0x1E800] =	vst v63  }
0x82: {  	_ =	swait.ge [sflag:s12], $0x2000  }
0x83: {  	[sflag:s12] =	ssyncset.done $0x0  }
0x84: {  	s19 =	simm.s32 $0x380;
	[sflag:s12] =	ssyncadd.s32 $0xFFFFE000  }
0x85: {  	[tilespmem:s30], [sflag:$0x4] =	stream.indirect.gather [hbm4b:s2+s23], $0x80, s19, s23, $0xb8;
	[tilespmem:$0x1E800] =	vst v63  }
0x86: {  	_ =	swait.ge [sflag:s31], $0x2000  }
0x87: {  	[sflag:s31] =	ssyncset.done $0x0  }
0x88: {  	s7 =	simm.s32 $0x1600;
	s19 =	simm.s32 $0x800;
	[sflag:s31] =	ssyncadd.s32 $0xFFFFE000  }
.LBB2_5:
0x89: {  	[spmem:s3] =	stream.indirect.scatter.add.f32 [tilespmem:s20], [sflag:$0x5], $0x80, s7, s23, $0xb8;
	[tilespmem:$0x1E800] =	vst v63  }
0x8a: {  	s7 =	smov.u32 s19  }
0x8b: {  	p0 =	sne.s32 s19, $0x4000;
	s19 =	sadd.s32 $0x800, s19;
	_ =	swait.ge [sflag:s0], $0x2000  }
0x8c: {  	s7 =	sshra.s32 s7, $0x2;
	[sflag:s0] =	ssyncset.done $0x0  }
0x8d: {  	s4 =	sadd.s32 $0x200, s7;
	[sflag:s0] =	ssyncadd.s32 $0xFFFFE000  }
0x8e: {  	[tilespmem:s20], [sflag:$0x1] =	stream.indirect.gather [hbm4b:s2+s23], $0x80, s4, s23, $0xb8;
	[tilespmem:$0x1E800] =	vst v63  }
0x8f: {  	_ =	swait.ge [sflag:s1], $0x2000  }
0x90: {  	[sflag:s1] =	ssyncset.done $0x0  }
0x91: {  	s4 =	sadd.s32 $0x1480, s7;
	[sflag:s1] =	ssyncadd.s32 $0xFFFFE000  }
0x92: {  	[spmem:s3] =	stream.indirect.scatter.add.f32 [tilespmem:s25], [sflag:$0x6], $0x80, s4, s23, $0xb8;
	[tilespmem:$0x1E800] =	vst v63  }
0x93: {  	_ =	swait.ge [sflag:s8], $0x2000  }
0x94: {  	[sflag:s8] =	ssyncset.done $0x0  }
0x95: {  	s4 =	sadd.s32 $0x280, s7;
	[sflag:s8] =	ssyncadd.s32 $0xFFFFE000  }
0x96: {  	[tilespmem:s25], [sflag:$0x2] =	stream.indirect.gather [hbm4b:s2+s23], $0x80, s4, s23, $0xb8;
	[tilespmem:$0x1E800] =	vst v63  }
0x97: {  	_ =	swait.ge [sflag:s9], $0x2000  }
0x98: {  	[sflag:s9] =	ssyncset.done $0x0  }
0x99: {  	s4 =	sadd.s32 $0x1500, s7;
	[sflag:s9] =	ssyncadd.s32 $0xFFFFE000  }
0x9a: {  	[spmem:s3] =	stream.indirect.scatter.add.f32 [tilespmem:s28], [sflag:$0x7], $0x80, s4, s23, $0xb8;
	[tilespmem:$0x1E800] =	vst v63  }
0x9b: {  	_ =	swait.ge [sflag:s10], $0x2000  }
0x9c: {  	[sflag:s10] =	ssyncset.done $0x0  }
0x9d: {  	s4 =	sadd.s32 $0x300, s7;
	[sflag:s10] =	ssyncadd.s32 $0xFFFFE000  }
0x9e: {  	[tilespmem:s28], [sflag:$0x3] =	stream.indirect.gather [hbm4b:s2+s23], $0x80, s4, s23, $0xb8;
	[tilespmem:$0x1E800] =	vst v63  }
0x9f: {  	_ =	swait.ge [sflag:s11], $0x2000  }
0xa0: {  	[sflag:s11] =	ssyncset.done $0x0  }
0xa1: {  	s4 =	sadd.s32 $0x1580, s7;
	[sflag:s11] =	ssyncadd.s32 $0xFFFFE000  }
0xa2: {  	[spmem:s3] =	stream.indirect.scatter.add.f32 [tilespmem:s30], [sflag:$0x8], $0x80, s4, s23, $0xb8;
	[tilespmem:$0x1E800] =	vst v63  }
0xa3: {  	_ =	swait.ge [sflag:s12], $0x2000  }
0xa4: {  	[sflag:s12] =	ssyncset.done $0x0  }
.Ltmp1:
0xa5: {  	s4 =	sadd.s32 $0x380, s7;
	[sflag:s12] =	ssyncadd.s32 $0xFFFFE000;
	(pc) =	sbr.rel @p0 .LBB2_5-.Ltmp1, $4  }
0xa6: {  	[tilespmem:s30], [sflag:$0x4] =	stream.indirect.gather [hbm4b:s2+s23], $0x80, s4, s23, $0xb8;
	[tilespmem:$0x1E800] =	vst v63  }
0xa7: {  	_ =	swait.ge [sflag:s31], $0x2000  }
0xa8: {  	[sflag:s31] =	ssyncset.done $0x0  }
0xa9: {  	s7 =	sadd.s32 $0x1600, s7;
	[sflag:s31] =	ssyncadd.s32 $0xFFFFE000  }
0xaa: {  	[spmem:s3] =	stream.indirect.scatter.add.f32 [tilespmem:s20], [sflag:$0x5], $0x80, s7, s23, $0xb8;
	[tilespmem:$0x1E800] =	vst v63  }
0xab: {  	_ =	swait.ge [sflag:s1], $0x2000  }
0xac: {  	[sflag:s1] =	ssyncset.done $0x0  }
0xad: {  	[sflag:s1] =	ssyncadd.s32 $0xFFFFE000  }
0xae: {  	[spmem:s3] =	stream.indirect.scatter.add.f32 [tilespmem:s25], [sflag:$0x6], $0x80, s13, s23, $0xb8;
	[tilespmem:$0x1E800] =	vst v63  }
0xaf: {  	_ =	swait.ge [sflag:s9], $0x2000  }
0xb0: {  	[sflag:s9] =	ssyncset.done $0x0  }
0xb1: {  	[sflag:s9] =	ssyncadd.s32 $0xFFFFE000  }
0xb2: {  	[spmem:s3] =	stream.indirect.scatter.add.f32 [tilespmem:s28], [sflag:$0x7], $0x80, s14, s23, $0xb8;
	[tilespmem:$0x1E800] =	vst v63  }
0xb3: {  	_ =	swait.ge [sflag:s11], $0x2000  }
0xb4: {  	[sflag:s11] =	ssyncset.done $0x0  }
0xb5: {  	[sflag:s11] =	ssyncadd.s32 $0xFFFFE000  }
0xb6: {  	[spmem:s3] =	stream.indirect.scatter.add.f32 [tilespmem:s30], [sflag:$0x8], $0x80, s15, s23, $0xb8;
	[tilespmem:$0x1E800] =	vst v63  }
0xb7: {  	_ =	swait.ge [sflag:s0], $0x2000  }
0xb8: {  	[sflag:s0] =	ssyncset.done $0x0  }
0xb9: {  	[sflag:s0] =	ssyncadd.s32 $0xFFFFE000  }
0xba: {  	_ =	swait.ge [sflag:s8], $0x2000  }
0xbb: {  	[sflag:s8] =	ssyncset.done $0x0  }
0xbc: {  	s18 =	sadd.s32 $0x1, s18;
	[sflag:s8] =	ssyncadd.s32 $0xFFFFE000  }
0xbd: {  	p0 =	sne.s32 s18, $0x4;
	_ =	swait.ge [sflag:s10], $0x2000  }
.Ltmp2:
0xbe: {  	[sflag:s10] =	ssyncset.done $0x0;
	(pc) =	sbr.rel @p0 .LBB2_4-.Ltmp2, $4  }
0xbf: {  	[sflag:s10] =	ssyncadd.s32 $0xFFFFE000  }
0xc0: {  	_ =	swait.ge [sflag:s12], $0x2000  }
0xc1: {  	[sflag:s12] =	ssyncset.done $0x0  }
0xc2: {  	[sflag:s12] =	ssyncadd.s32 $0xFFFFE000  }
0xc3: {  	s4 =	stileid.u32;
	[bflag:$0x0] =	sbarrier.arrive $0xFFFF  }
0xc4: {  	s4 =	sshll.u32 s4, $0x6;
	s18 =	rddreg [dreg:$0x5]  }
0xc5: {  	s16 =	rddreg [dreg:$0xf];
	s4 =	sor.u32 $0x1C09, s4;
	s7 =	sshrl.u32 s18, $0x3  }
0xc6: {  	[hbm:s16], [sflag:s4] =	dma.local [spmem:s7], $0x2800  }
0xc7: {  	_ =	swait.ge [sflag:s21], $0x2800  }
0xc8: {  	s7 =	rddreg [dreg:$0x4]  }
0xc9: {  	s19 =	rddreg [dreg:$0x10];
	s16 =	sadd.s32 $0x1, s7  }
0xca: {  	p0 =	sne.s32 s16, s19  }
.Ltmp3:
0xcb: {  	_ = 	snop;
	(pc) =	sbr.rel @p0 .LBB2_1-.Ltmp3, $3  }
0xcc: {  	_ =	sdelay $0x1  }
0xcd: {  	[sflag:s21] =	ssyncset.done $0x0  }
0xce: {  	[sflag:s21] =	ssyncadd.s32 $0xFFFFD800  }
0xcf: {  	_ =	sfence.sel $0x180000  }
0xd0: {  	[bflag:$0x0] =	sbarrier.arrive $0xFFFF  }
0xd1: {  	_ =	strace $0x9000004D  }
0xd2: {  	s0 =	stileid.u32;
	[bflag:$0x2] =	sbarrier.arrive $0xFFFF  }
0xd3: {  	p0 =	sne.s32 s0, $0x0;
	s0 =	rddreg [dreg:$0x3]  }
0xd4: {  	s0 =	sadd.s32 @!p0 $0x100000, s0  }
0xd5: {  	[sflag:s0] =	ssyncadd.tile.s32 @!p0 $0x1;
	_ =	shalt  }
.Lfunc_end2:
_tile_overlayer_lowered:
.L_overlay_start_2:
0xd6: {  	(tag) =	ssettag $0x2  }
0xd7: {  	s0 =	rddreg [dreg:$0x0];
	s2 =	stileid.u32  }
0xd8: {  	s1 =	rddreg [dreg:$0x1];
	p0 =	sne.s32 s2, $0x0  }
0xd9: {  	s3 =	rddreg [dreg:$0x2];
	[bflag:$0x3] =	sbarrier.arrive $0xFFFF;
	s2 =	simm.s32 @!p0 $0x1C09  }
0xda: {  	[timem:s3], [sflag:s2] =	dma.local @!p0 [hbm:s0], s1  }
0xdb: {  	s0 =	simm.s32 @!p0 $0x9  }
0xdc: {  	_ =	swait.ge @!p0 [sflag:s0], s1  }
0xdd: {  	s1 =	ssub.s32 @!p0 $0x0, s1;
	[sflag:s0] =	ssyncset.done @!p0 $0x0  }
0xde: {  	[sflag:s0] =	ssyncadd.s32 @!p0 s1  }
0xdf: {  	[bflag:$0x3] =	sbarrier.arrive $0xFFFF  }
0xe0: {  	_ =	shalt  }

// kernel: kernel.9.cloned.1.call-start
scs
__scs_entry_jumppad:
0x0: {  	(pc) =	sbr.rel $0x88, $3  }
0x1: {  	(tag) =	ssettag $0x0;
	lr =	simm.s32 $0x1  }
0x2: {  	[smem:$0x3F95] =	sst lr;
	_ =	strace $0xD0000000  }
0x3: {  	_ = 	snop  }
0x4: {  	_ = 	snop  }
0x5: {  	_ = 	snop  }
0x6: {  	_ = 	snop  }
0x7: {  	_ = 	snop  }
__scs_overlays_trampoline_lowered:
0x8: {  	[smem:$0x3FA4] =	sst s0  }
0x9: {  	[smem:$0x3FA5] =	sst s1  }
0xa: {  	[smem:$0x3FA6] =	sst s2  }
0xb: {  	[smem:$0x3FA7] =	sst s3  }
0xc: {  	[smem:$0x3FA8] =	sst s4  }
0xd: {  	[smem:$0x3FA9] =	sst s5  }
0xe: {  	[smem:$0x3FAA] =	sst s6  }
0xf: {  	[smem:$0x3FAB] =	sst s7  }
0x10: {  	[smem:$0x3FAC] =	sst s8  }
0x11: {  	[smem:$0x3FAD] =	sst s9;
	s0 =	simm.s32 @!p0 $0x0  }
0x12: {  	s1 =	sld [smem:$0x3F93];
	s0 =	simm.s32 @p0 $0x1  }
0x13: {  	[smem:$0x3FAE] =	sst s0;
	s0 =	simm.s32 @!p1 $0x0  }
0x14: {  	s2 =	sld [smem:$0x3F92];
	s0 =	simm.s32 @p1 $0x1  }
0x15: {  	[smem:$0x3FAF] =	sst s0;
	s0 =	simm.s32 @!p2 $0x0  }
0x16: {  	s3 =	sld [smem:$0x3FDB];
	s0 =	simm.s32 @p2 $0x1  }
0x17: {  	s4 =	simm.s32 $0x1BF5;
	[smem:$0x3FB1] =	sst s0  }
0x18: {  	s0 =	sld [smem:$0x3F94];
	_ =	swait.ge [sflag:s4], $0x0  }
0x19: {  	s7 =	sld [smem:$0x3F95]  }
0x1a: {  	s8 =	sadd.s32 $0xFFFFE003, lr  }
0x1b: {  	s9 =	sadd.s32 $0xFFFFFEF7, lr;
	s5 =	simm.s32 $0xFFFFFFFF;
	p2 =	slt.u32 s8, $0xFFFFF086  }
0x1c: {  	p1 =	slt.u32 s9, $0xF7A;
	s5 =	simm.s32 @!p2 $0x0  }
0x1d: {  	s5 =	simm.s32 @p1 $0x1;
	p0 =	seq.s32 s7, s2  }
0x1e: {  	s7 =	smul.u32 @!p0 $0xF7A, s2;
	p2 =	seq.s32 @!p0 s5, $0x0  }
0x1f: {  	s9 =	smul.u32 $0xF7A, s1;
	s8 =	simm.s32 @!p0 $0x1BF5;
	p2 =	por !p2, p0  }
0x20: {  	[sflag:s8] =	ssyncset.s32 @!p0 $0xFFFFF086;
	s6 =	sadd.s32 @!p0 s3, s7;
	s7 =	simm.s32 @!p0 $0x108  }
0x21: {  	s3 =	sadd.s32 s3, s9;
	s6 =	sadd.s32 @!p0 $0x88, s6;
	s7 =	simm.s32 @p2 $0x1082  }
0x22: {  	[simem:s7], [sflag:s8] =	dma.local @!p0 [hbm:s6], $0xF7A  }
0x23: {  	s9 =	sor.u32 $0xD0000000, s2;
	s6 =	simm.s32 $0x108;
	_ =	swait.ge @!p0 [sflag:s8], $0x0  }
0x24: {  	s3 =	sadd.s32 $0x88, s3;
	s6 =	simm.s32 @!p1 $0x1082;
	[sflag:s4] =	ssyncset.s32 $0xFFFFF086  }
0x25: {  	[simem:s6], [sflag:s4] =	dma.local [hbm:s3], $0xF7A  }
0x26: {  	[smem:$0x3F95] =	sst s1;
	(tag) =	ssettag s2;
	_ =	strace s9  }
0x27: {  	s1 =	sld [smem:$0x3FA5]  }
0x28: {  	s2 =	sld [smem:$0x3FA6]  }
0x29: {  	s4 =	sld [smem:$0x3FA8]  }
0x2a: {  	p0 =	seq.s32 s5, $0x0;
	s5 =	sld [smem:$0x3FA9]  }
0x2b: {  	s6 =	sld [smem:$0x3FAA]  }
0x2c: {  	s7 =	sld [smem:$0x3FAB]  }
0x2d: {  	s3 =	simm.s32 $0x108;
	s8 =	sld [smem:$0x3FAC]  }
0x2e: {  	s3 =	simm.s32 @!p0 $0x1082;
	s9 =	sld [smem:$0x3FAD]  }
0x2f: {  	lr =	sadd.s32 s0, s3;
	s0 =	sld [smem:$0x3FA4]  }
0x30: {  	s3 =	sld [smem:$0x3FA7]  }
0x31: {  	[smem:$0x3FB0] =	sst s10  }
0x32: {  	s10 =	sld [smem:$0x3FAE];
	_ =	sdelay $0x3  }
0x33: {  	p0 =	seq.s32 s10, $0x1;
	s10 =	sld [smem:$0x3FB0];
	_ =	sdelay $0x3  }
0x34: {  	[smem:$0x3FB0] =	sst s10  }
0x35: {  	s10 =	sld [smem:$0x3FAF];
	_ =	sdelay $0x3  }
0x36: {  	p1 =	seq.s32 s10, $0x1;
	s10 =	sld [smem:$0x3FB0];
	_ =	sdelay $0x3  }
0x37: {  	[smem:$0x3FB0] =	sst s10  }
0x38: {  	s10 =	sld [smem:$0x3FB1]  }
0x39: {  	_ = 	snop;
	(pc) =	sbr.ind lr, $3  }
0x3a: {  	_ = 	snop  }
0x3b: {  	_ = 	snop  }
0x3c: {  	p2 =	seq.s32 s10, $0x1;
	s10 =	sld [smem:$0x3FB0]  }
0x3d: {  	_ =	shalt  }
0x3e: {  	_ =	shalt  }
0x3f: {  	_ =	shalt  }
0x40: {  	_ =	shalt  }
0x41: {  	_ =	shalt  }
0x42: {  	_ =	shalt  }
0x43: {  	_ =	shalt  }
0x44: {  	_ =	shalt  }
0x45: {  	_ =	shalt  }
0x46: {  	_ =	shalt  }
0x47: {  	_ =	shalt  }
0x48: {  	_ =	shalt  }
0x49: {  	_ =	shalt  }
0x4a: {  	_ =	shalt  }
0x4b: {  	_ =	shalt  }
0x4c: {  	_ =	shalt  }
0x4d: {  	_ =	shalt  }
0x4e: {  	_ =	shalt  }
0x4f: {  	_ =	shalt  }
0x50: {  	_ =	shalt  }
0x51: {  	_ =	shalt  }
0x52: {  	_ =	shalt  }
0x53: {  	_ =	shalt  }
0x54: {  	_ =	shalt  }
0x55: {  	_ =	shalt  }
0x56: {  	_ =	shalt  }
0x57: {  	_ =	shalt  }
0x58: {  	_ =	shalt  }
0x59: {  	_ =	shalt  }
0x5a: {  	_ =	shalt  }
0x5b: {  	_ =	shalt  }
0x5c: {  	_ =	shalt  }
0x5d: {  	_ =	shalt  }
0x5e: {  	_ =	shalt  }
0x5f: {  	_ =	shalt  }
0x60: {  	_ =	shalt  }
0x61: {  	_ =	shalt  }
0x62: {  	_ =	shalt  }
0x63: {  	_ =	shalt  }
0x64: {  	_ =	shalt  }
0x65: {  	_ =	shalt  }
0x66: {  	_ =	shalt  }
0x67: {  	_ =	shalt  }
0x68: {  	_ =	shalt  }
0x69: {  	_ =	shalt  }
0x6a: {  	_ =	shalt  }
0x6b: {  	_ =	shalt  }
0x6c: {  	_ =	shalt  }
0x6d: {  	_ =	shalt  }
0x6e: {  	_ =	shalt  }
0x6f: {  	_ =	shalt  }
0x70: {  	_ =	shalt  }
0x71: {  	_ =	shalt  }
0x72: {  	_ =	shalt  }
0x73: {  	_ =	shalt  }
0x74: {  	_ =	shalt  }
0x75: {  	_ =	shalt  }
0x76: {  	_ =	shalt  }
0x77: {  	_ =	shalt  }
0x78: {  	_ =	shalt  }
0x79: {  	_ =	shalt  }
0x7a: {  	_ =	shalt  }
0x7b: {  	_ =	shalt  }
0x7c: {  	_ =	shalt  }
0x7d: {  	_ =	shalt  }
0x7e: {  	_ =	shalt  }
0x7f: {  	_ =	shalt  }
0x80: {  	_ =	shalt  }
0x81: {  	_ =	shalt  }
0x82: {  	_ =	shalt  }
0x83: {  	_ =	shalt  }
0x84: {  	_ =	shalt  }
0x85: {  	_ =	shalt  }
0x86: {  	_ =	shalt  }
0x87: {  	_ =	shalt  }
.Lfunc_end0:
.L_simem_size_0:
called_computation_lowered:
.L_overlay_start_0:
0x88: {  	s2 =	sld [smem:$0x3FD9]  }
0x89: {  	s3 =	sld [smem:$0x3FFE];
	_ =	sdelay $0x1  }
0x8a: {  	s1 =	srdreg.scid  }
0x8b: {  	s0 =	sand.u32 $0x1, s1  }
0x8c: {  	s17 =	sshll.u32 s0, $0xA;
	s2 =	sadd.s32 s3, s2  }
0x8d: {  	s2 =	sadd.s32 s2, s17  }
0x8e: {  	[smem:$0x3FBC] =	sst s2  }
0x8f: {  	_ = 	snop  }
0x90: {  	s2 =	sld [smem:$0x3FD0];
	(tm) =	ssettm $0x1  }
0x91: {  	s18 =	sld [smem:$0x3FFB];
	_ =	sdelay $0x3  }
0x92: {  	_ =	strace s18  }
0x93: {  	s3 =	sld [smem:$0x3FFC];
	_ =	sdelay $0x3  }
0x94: {  	_ =	strace s3  }
0x95: {  	s3 =	sld [smem:$0x3FFD];
	_ =	sdelay $0x3  }
0x96: {  	_ =	strace s3  }
0x97: {  	_ =	strace $0x8FFFFFFF  }
0x98: {  	s19 =	sld [smem:$0x3FDB];
	_ =	sdelay $0x1  }
0x99: {  	s4 =	simm.s32 $_scs_section_size  }
0x9a: {  	s5 =	simm.s32 $_size__tile_overlayer_lowered;
	s6 =	simm.s32 $_tile_overlayer_lowered  }
0x9b: {  	s22 =	simm.s32 $0x1BFF;
	s21 =	sshll.u32 s6, $0x1;
	s3 =	sadd.s32 s4, s19  }
0x9c: {  	s7 =	simm.s32 $0x0;
	s20 =	sshll.u32 s5, $0x1;
	s5 =	sadd.s32 s21, s3  }
0x9d: {  	[timem:s7], [sflag:s22] =	dma.local [hbm:s5], s20  }
0x9e: {  	_ =	swait.ge [sflag:s22], s20  }
0x9f: {  	s4 =	ssub.s32 $0x0, s20;
	[sflag:s22] =	ssyncset.done $0x0  }
0xa0: {  	[sflag:s22] =	ssyncadd.s32 s4;
	_ =	sdelay $0x1  }
0xa1: {  	s23 =	simm.s32 $0x1B8B  }
0xa2: {  	_ =	swait.ge [sflag:s23], $0x1  }
0xa3: {  	[sflag:s23] =	ssyncset.done $0x0  }
0xa4: {  	s25 =	simm.s32 $0x1B8E;
	s24 =	sld [smem:$0x3FFE];
	[sflag:s23] =	ssyncadd.s32 $0xFFFFFFFF  }
0xa5: {  	s26 =	simm.s32 $execute0_lowered;
	[smem:$0x3FD2] =	sst s25  }
0xa6: {  	s5 =	sshll.u32 s26, $0x1;
	_ =	strace $0x80000046;
	[dreg:$0x1] =	wrdreg $0xFFFFFFFF  }
0xa7: {  	s28 =	simm.s32 $_size_execute0_lowered;
	s3 =	sadd.s32 s3, s5;
	[dreg:$0x0] =	wrdreg $0x0  }
0xa8: {  	s5 =	sshll.u32 s28, $0x1;
	[dreg:$0x2] =	wrdreg s3  }
0xa9: {  	[dreg:$0x3] =	wrdreg s5  }
0xaa: {  	[dreg:$0x4] =	wrdreg $0xC0  }
0xab: {  	_ =	task [dreg:s7], $0x5FFFF  }
0xac: {  	[dreg:$0x1] =	wrdreg $0xFFFFFFFF  }
0xad: {  	[dreg:$0x0] =	wrdreg $0x60  }
0xae: {  	[dreg:$0x2] =	wrdreg s24  }
0xaf: {  	[dreg:$0x3] =	wrdreg s2  }
0xb0: {  	[dreg:$0x4] =	wrdreg $0x78800  }
0xb1: {  	[dreg:$0x5] =	wrdreg $0x9  }
0xb2: {  	_ =	task.clear_ibuf [dreg:s7], $0x6FFFF;
	_ =	strace $0x90000046  }
0xb3: {  	s29 =	simm.s32 $0x9;
	_ =	strace $0x80000048  }
0xb4: {  	_ =	swait.ge [sflag:s29], $0x1  }
0xb5: {  	[sflag:s29] =	ssyncadd.s32 $0xFFFFFFFF  }
0xb6: {  	_ =	strace $0x90000048  }
0xb7: {  	_ =	sfence  }
0xb8: {  	s30 =	sld [smem:$0x0];
	_ =	sdelay $0x2  }
0xb9: {  	s31 =	sshll.u32 s1, $0xD;
	s1 =	sshrl.u32 s1, $0x2  }
0xba: {  	s3 =	sand.u32 $0x4000, s31;
	s1 =	sadd.s32 s1, s30  }
0xbb: {  	s0 =	sor.u32 s3, s0;
	s1 =	sshll.u32 s1, $0x11  }
0xbc: {  	s0 =	sor.u32 s1, s0  }
0xbd: {  	s0 =	sadd.s32 $0x8F2B, s0  }
0xbe: {  	[sflag:s0] =	ssyncadd.remote.s32 $0x1  }
0xbf: {  	_ =	sfence.sel $0xFFFF  }
0xc0: {  	[dreg:$0x0] =	wrdreg $0xFFFFFFFF;
	(pc) =	sbr.abs _section_cstart, $3  }
0xc1: {  	[dreg:$0x1] =	wrdreg $0xFFFFFFFF  }
0xc2: {  	_ =	task.clear_ibuf [dreg:s7], $0x2FFFF;
	_ =	strace $0x9FFFFFFF  }
0xc3: {  	(tm) =	ssettm $0x7FFFFFFF  }
tec
execute0_lowered:
.L_overlay_start_1:
0x0: {  	(tag) =	ssettag $0x1  }
0x1: {  	s0 =	srdreg.scid;
	s3 =	rddreg [dreg:$0x0]  }
0x2: {  	s5 =	rddreg [dreg:$0x1];
	s6 =	stileid.u32  }
0x3: {  	s1 =	rddreg [dreg:$0x2];
	s2 =	simm.s32 $0x0;
	s4 =	sand.u32 $0x1, s0  }
0x4: {  	s9 =	simm.s32 $0x5000;
	s10 =	simm.s32 $0x1;
	s7 =	sshll.u32 s4, $0x4  }
0x5: {  	s12 =	simm.s32 $0x0;
	s0 =	rddreg [dreg:$0x3];
	s8 =	sor.u32 s6, s7  }
0x6: {  	[smem:$0x7FF] =	sst s2;
	p0 =	sne.s32 s6, $0x0;
	s8 =	smul.u32 $0xA00, s8  }
0x7: {  	s4 =	ssub.s32 $0x2, s4;
	_ =	strace $0x80000047;
	s11 =	sshrl.u32 @!p0 s1, $0x3  }
0x8: {  	s31 =	sshrl.u32 s4, $0x1;
	s6 =	simm.s32 $0x2;
	s3 =	sadd.s32 s8, s3  }
0x9: {  	s8 =	ssub.s32 s4, s31;
	s4 =	sadd.s32 s5, s7;
	s7 =	simm.s32 $0x5080  }
0xa: {  	v0 =	vimm.f32 $1.000000000e+00;
	v1 =	vimm.f32 $0.0e+00;
	s3 =	sadd.s32 $0x3200, s3;
	s5 =	smax.u32 s8, $0x1;
	s8 =	simm.s32 $0x40  }
.LBB2_1:
0xb: {  	[tilespmem:s2], [sflag:$0x2] =	stream.linear.gather [hbm4b:s3+s2], $0x5000, $0x38;
	[tilespmem:$0x7B00] =	vst v63  }
0xc: {  	_ =	swait.ge [sflag:s6], $0x5000  }
0xd: {  	[sflag:s6] =	ssyncset.done $0x0  }
.Ltmp0:
0xe: {  	[sflag:s6] =	ssyncadd.s32 $0xFFFFB000;
	(pc) =	sbr.rel @p0 .LBB2_5-.Ltmp0, $4  }
0xf: {  	[tilespmem:$0x5000] =	vst v0  }
0x10: {  	[tilespmem:$0x5010] =	vst v0  }
0x11: {  	[tilespmem:$0x5020] =	vst v0  }
0x12: {  	[tilespmem:$0x5030] =	vst v0  }
0x13: {  	s13 =	simm.s32 $0x40;
	s14 =	simm.s32 $0x0  }
.LBB2_3:
0x14: {  	p1 =	sne.s32 s13, $0x9FC0;
	[tilespmem:s14+$0x5080] =	vst v1;
	s14 =	smov.u32 s13;
	s13 =	sadd.s32 $0x40, s13  }
.Ltmp1:
0x15: {  	(pc) =	sbr.rel @p1 .LBB2_3-.Ltmp1, $2  }
0x16: {  	_ =	sdelay $0x2  }
0x17: {  	s14 =	sshra.s32 s14, $0x2  }
0x18: {  	[tilespmem:s14+$0x5080] =	vst v1  }
0x19: {  	[spmem:s1] =	stream.linear.scatter [tilespmem:s7], [sflag:$0x2], $0x2800, $0x38;
	[tilespmem:$0x7B00] =	vst v63  }
0x1a: {  	_ =	swait.ge [sflag:s6], $0x2800  }
0x1b: {  	[sflag:s6] =	ssyncset.done $0x0  }
0x1c: {  	[sflag:s6] =	ssyncadd.s32 $0xFFFFD800  }
.LBB2_5:
0x1d: {  	[bflag:$0x0] =	sbarrier.arrive $0xFFFF;
	s13 =	simm.s32 $0x0;
	p1 =	por $0x1, $0x1  }
0x1e: {  	[spmem:s1] =	stream.indirect.scatter.add.f32 [tilespmem:s9], [sflag:$0x1], $0x1, s13, s8, $0xb8;
	[tilespmem:$0x7B00] =	vst v63  }
0x1f: {  	s15 =	simm.s32 @!p1 $0x1  }
0x20: {  	_ =	swait.ge @!p1 [sflag:s15], $0x40  }
0x21: {  	s14 =	simm.s32 $0x1;
	[sflag:s15] =	ssyncset.done @!p1 $0x0  }
.LBB2_6:
0x22: {  	[sflag:s15] =	ssyncadd.s32 @!p1 $0xFFFFFFC0  }
0x23: {  	s13 =	sadd.s32 $0x80, s13;
	s15 =	smov.u32 s14;
	s14 =	sadd.s32 $0x1, s14  }
0x24: {  	p2 =	sne.s32 s14, $0xA0  }
0x25: {  	[spmem:s1] =	stream.indirect.scatter.add.f32 [tilespmem:s9], [sflag:$0x1], $0x1, s13, s8, $0xb8;
	[tilespmem:$0x7B00] =	vst v63  }
.Ltmp2:
0x26: {  	_ = 	snop;
	(pc) =	sbr.rel @p2 .LBB2_6-.Ltmp2, $4  }
0x27: {  	p1 =	slt.u32 s15, $0x8  }
0x28: {  	s15 =	simm.s32 @!p1 $0x1  }
0x29: {  	_ =	swait.ge @!p1 [sflag:s15], $0x40  }
0x2a: {  	[sflag:s15] =	ssyncset.done @!p1 $0x0  }
0x2b: {  	[sflag:s15] =	ssyncadd.s32 @!p1 $0xFFFFFFC0  }
0x2c: {  	_ =	swait.ge [sflag:s10], $0x40  }
0x2d: {  	[sflag:s10] =	ssyncset.done $0x0  }
0x2e: {  	[sflag:s10] =	ssyncadd.s32 $0xFFFFFFC0  }
0x2f: {  	_ =	swait.ge [sflag:s10], $0x40  }
0x30: {  	[sflag:s10] =	ssyncset.done $0x0  }
0x31: {  	[sflag:s10] =	ssyncadd.s32 $0xFFFFFFC0  }
0x32: {  	_ =	swait.ge [sflag:s10], $0x40  }
0x33: {  	[sflag:s10] =	ssyncset.done $0x0  }
0x34: {  	[sflag:s10] =	ssyncadd.s32 $0xFFFFFFC0  }
0x35: {  	_ =	swait.ge [sflag:s10], $0x40  }
0x36: {  	[sflag:s10] =	ssyncset.done $0x0  }
0x37: {  	[sflag:s10] =	ssyncadd.s32 $0xFFFFFFC0  }
0x38: {  	_ =	swait.ge [sflag:s10], $0x40  }
0x39: {  	[sflag:s10] =	ssyncset.done $0x0  }
0x3a: {  	[sflag:s10] =	ssyncadd.s32 $0xFFFFFFC0  }
0x3b: {  	_ =	swait.ge [sflag:s10], $0x40  }
0x3c: {  	[sflag:s10] =	ssyncset.done $0x0  }
0x3d: {  	[sflag:s10] =	ssyncadd.s32 $0xFFFFFFC0  }
0x3e: {  	_ =	swait.ge [sflag:s10], $0x40  }
0x3f: {  	[sflag:s10] =	ssyncset.done $0x0  }
0x40: {  	[sflag:s10] =	ssyncadd.s32 $0xFFFFFFC0  }
0x41: {  	_ =	swait.ge [sflag:s10], $0x40  }
0x42: {  	s13 =	simm.s32 @!p0 $0x1;
	s14 =	simm.s32 @!p0 $0x20;
	[sflag:s10] =	ssyncset.done $0x0  }
0x43: {  	s15 =	simm.s32 @!p0 $0x10;
	s12 =	sadd.s32 $0x1, s12;
	[sflag:s10] =	ssyncadd.s32 $0xFFFFFFC0  }
0x44: {  	s16 =	simm.s32 @!p0 $0x1C02;
	p1 =	sne.s32 s12, s5;
	[bflag:$0x0] =	sbarrier.arrive $0xFFFF  }
0x45: {  	[hbm:s4@s14], [sflag:s16] =	dma.strided @!p0 [spmem:s11@s15], $0x500, s13, $0x10   }
.Ltmp3:
0x46: {  	_ = 	snop;
	(pc) =	sbr.rel @p1 .LBB2_1-.Ltmp3, $4  }
0x47: {  	s13 =	simm.s32 @!p0 $0x2  }
0x48: {  	_ =	swait.ge @!p0 [sflag:s13], $0x500  }
0x49: {  	[sflag:s13] =	ssyncset.done @!p0 $0x0  }
0x4a: {  	[sflag:s13] =	ssyncadd.s32 @!p0 $0xFFFFFB00  }
0x4b: {  	_ =	sfence.sel $0x180000  }
0x4c: {  	[bflag:$0x0] =	sbarrier.arrive $0xFFFF  }
0x4d: {  	_ =	strace $0x90000047  }
0x4e: {  	s0 =	sadd.s32 @!p0 $0x100000, s0;
	[bflag:$0x2] =	sbarrier.arrive $0xFFFF  }
0x4f: {  	[sflag:s0] =	ssyncadd.tile.s32 @!p0 $0x1;
	_ =	shalt  }
.Lfunc_end2:
_tile_overlayer_lowered:
.L_overlay_start_2:
0x50: {  	(tag) =	ssettag $0x2  }
0x51: {  	s0 =	rddreg [dreg:$0x0];
	s2 =	stileid.u32  }
0x52: {  	s1 =	rddreg [dreg:$0x1];
	p0 =	sne.s32 s2, $0x0  }
0x53: {  	s3 =	rddreg [dreg:$0x2];
	[bflag:$0x3] =	sbarrier.arrive $0xFFFF;
	s2 =	simm.s32 @!p0 $0x1C02  }
0x54: {  	[timem:s3], [sflag:s2] =	dma.local @!p0 [hbm:s0], s1  }
0x55: {  	s0 =	simm.s32 @!p0 $0x2  }
0x56: {  	_ =	swait.ge @!p0 [sflag:s0], s1  }
0x57: {  	s1 =	ssub.s32 @!p0 $0x0, s1;
	[sflag:s0] =	ssyncset.done @!p0 $0x0  }
0x58: {  	[sflag:s0] =	ssyncadd.s32 @!p0 s1  }
0x59: {  	[bflag:$0x3] =	sbarrier.arrive $0xFFFF  }
0x5a: {  	_ =	shalt  }

</sc_bundles>
